<compile_context>
chip_gen: v7x
topology: tpu7x:2x2x1
jax: 0.10.2.dev20260603
libtpu: 0.0.44.dev20260713+nightly
codegen_flags: <defaults>
</compile_context>

<pallas_src>
import jax
import jax.numpy as jnp
from jax import lax
from jax.experimental import pallas as pl
from jax.experimental.pallas import tpu as pltpu
from jax.experimental.pallas import tpu_sc as plsc

N = 10000
R = 8
D = 128
NC, NS = 2, 16
LANES = 16
SUB = 128
SUBS_PER_TILE = 80
QS = 40
EP = NC * NS * SUBS_PER_TILE * SUB
ACC_ROWS = 10240
ZROWS = ACC_ROWS // NS
T = 4096
TPW = T // (NC * NS)



def _bf(x):
    return x.astype(jnp.bfloat16).astype(jnp.float32)


def _weights_body(coeff_ref, bases_ref, wself_ref, out_ref):
    bases = _bf(bases_ref[...])
    for r in range(R):
        crow = _bf(coeff_ref[r, :])
        out_ref[r, :, :] = jnp.sum(crow[:, None, None] * bases, axis=0)
    out_ref[R, :, :] = wself_ref[...]


def _make_weights(coeff, bases, wself):
    return pl.pallas_call(
        _weights_body,
        out_shape=jax.ShapeDtypeStruct((R + 1, D, D), jnp.float32),
    )(coeff, bases, wself)



BLKT = 2000


def _transform_body(x_ref, w_ref, out_ref):
    out_ref[0, :, :] = lax.dot_general(
        x_ref[...].astype(jnp.bfloat16), w_ref[0, :, :].astype(jnp.bfloat16),
        (((1,), (0,)), ((), ())), preferred_element_type=jnp.float32)


def _transform(x, w9):
    return pl.pallas_call(
        _transform_body,
        grid=(R + 1, N // BLKT),
        in_specs=[
            pl.BlockSpec((BLKT, D), lambda r, j: (j, 0)),
            pl.BlockSpec((1, D, D), lambda r, j: (r, 0, 0)),
        ],
        out_specs=pl.BlockSpec((1, BLKT, D), lambda r, j: (r, j, 0)),
        out_shape=jax.ShapeDtypeStruct((R + 1, N, D), jnp.float32),
    )(x, w9)



def _agg_body(tab, et2d, col2d, row2d, zeros, part,
              et_v, col_v, row_v, idx_a, idx_b, msg_a, msg_b, acc,
              sem_a, sem_b):
    c = lax.axis_index("c")
    s = lax.axis_index("s")
    pltpu.sync_copy(zeros, acc.at[pl.ds(s * ZROWS, ZROWS)])
    plsc.subcore_barrier()
    sub_base = (c * NS + s) * SUBS_PER_TILE

    def compute_idx(j, idx_buf):
        for l in range(SUB // LANES):
            t16 = et_v[j, pl.ds(l * LANES, LANES)]
            c16 = col_v[j, pl.ds(l * LANES, LANES)]
            idx_buf[pl.ds(l * LANES, LANES)] = t16 * N + c16

    def quarter(q, carry):
        qbase = sub_base + q * QS
        pltpu.sync_copy(et2d.at[pl.ds(qbase, QS)], et_v)
        pltpu.sync_copy(col2d.at[pl.ds(qbase, QS)], col_v)
        pltpu.sync_copy(row2d.at[pl.ds(qbase, QS)], row_v)
        compute_idx(0, idx_a)
        pltpu.async_copy(tab.at[idx_a], msg_a, sem_a)

        def pair(i, carry2):
            j0 = 2 * i
            j1 = j0 + 1
            j2 = jnp.minimum(j0 + 2, QS - 1)
            compute_idx(j1, idx_b)
            pltpu.async_copy(tab.at[idx_b], msg_b, sem_b)
            pltpu.make_async_copy(tab.at[idx_a], msg_a, sem_a).wait()
            pltpu.sync_copy(msg_a, acc.at[row_v.at[j0]], add=True)
            compute_idx(j2, idx_a)
            pltpu.async_copy(tab.at[idx_a], msg_a, sem_a)
            pltpu.make_async_copy(tab.at[idx_b], msg_b, sem_b).wait()
            pltpu.sync_copy(msg_b, acc.at[row_v.at[j1]], add=True)
            return carry2

        lax.fori_loop(0, QS // 2, pair, 0)
        pltpu.make_async_copy(tab.at[idx_a], msg_a, sem_a).wait()
        return carry

    lax.fori_loop(0, SUBS_PER_TILE // QS, quarter, 0)
    plsc.subcore_barrier()

    @pl.when(s < NS - 1)
    def _():
        pltpu.sync_copy(acc.at[pl.ds(s * ZROWS, ZROWS)],
                        part.at[c, pl.ds(s * ZROWS, ZROWS)])

    @pl.when(s == NS - 1)
    def _():
        pltpu.sync_copy(acc.at[pl.ds((NS - 1) * ZROWS, N - (NS - 1) * ZROWS)],
                        part.at[c, pl.ds((NS - 1) * ZROWS, N - (NS - 1) * ZROWS)])


def _sc_aggregate(tab_flat, et2d, col2d, row2d, zeros):
    mesh = plsc.VectorSubcoreMesh(core_axis_name="c", subcore_axis_name="s",
                                  num_cores=NC, num_subcores=NS)
    f = pl.kernel(
        _agg_body,
        out_type=jax.ShapeDtypeStruct((NC, N, D), jnp.float32),
        mesh=mesh,
        scratch_types=[
            pltpu.VMEM((QS, SUB), jnp.int32),
            pltpu.VMEM((QS, SUB), jnp.int32),
            pltpu.VMEM((QS, SUB), jnp.int32),
            pltpu.VMEM((SUB,), jnp.int32),
            pltpu.VMEM((SUB,), jnp.int32),
            pltpu.VMEM((SUB, D), jnp.float32),
            pltpu.VMEM((SUB, D), jnp.float32),
            pltpu.VMEM_SHARED((ACC_ROWS, D), jnp.float32),
            pltpu.SemaphoreType.DMA,
            pltpu.SemaphoreType.DMA,
        ],
    )
    return f(tab_flat, et2d, col2d, row2d, zeros)



BLKC = 2000


def _combine_body(self_ref, p_ref, g_ref, b_ref, out_ref):
    y = self_ref[...] + p_ref[0, :, :] + p_ref[1, :, :]
    y = jnp.maximum(y, 0.0)
    mu = jnp.mean(y, axis=1, keepdims=True)
    d = y - mu
    var = jnp.mean(d * d, axis=1, keepdims=True)
    out_ref[...] = d / jnp.sqrt(var + 1e-5) * g_ref[...] + b_ref[...]


def _combine(selfpart, parts, gamma, beta):
    return pl.pallas_call(
        _combine_body,
        grid=(N // BLKC,),
        in_specs=[
            pl.BlockSpec((BLKC, D), lambda j: (j, 0)),
            pl.BlockSpec((2, BLKC, D), lambda j: (0, j, 0)),
            pl.BlockSpec((1, D), lambda j: (0, 0)),
            pl.BlockSpec((1, D), lambda j: (0, 0)),
        ],
        out_specs=pl.BlockSpec((BLKC, D), lambda j: (j, 0)),
        out_shape=jax.ShapeDtypeStruct((N, D), jnp.float32),
    )(selfpart, parts, gamma.reshape(1, D), beta.reshape(1, D))



def _gather3_body(x2, rel_emb, hid2d, rid2d, tid2d, outh, outr, outt,
                  idh, idr, idt, bufh, bufr, buft, sem):
    c = lax.axis_index("c")
    s = lax.axis_index("s")
    w = c * NS + s
    pltpu.sync_copy(hid2d.at[w], idh)
    pltpu.sync_copy(rid2d.at[w], idr)
    pltpu.sync_copy(tid2d.at[w], idt)
    pltpu.async_copy(x2.at[idh], bufh, sem).wait()
    pltpu.async_copy(rel_emb.at[idr], bufr, sem).wait()
    pltpu.async_copy(x2.at[idt], buft, sem).wait()
    pltpu.sync_copy(bufh, outh.at[pl.ds(w * TPW, TPW)])
    pltpu.sync_copy(bufr, outr.at[pl.ds(w * TPW, TPW)])
    pltpu.sync_copy(buft, outt.at[pl.ds(w * TPW, TPW)])


def _gather3(x2, rel_emb, hid2d, rid2d, tid2d):
    mesh = plsc.VectorSubcoreMesh(core_axis_name="c", subcore_axis_name="s",
                                  num_cores=NC, num_subcores=NS)
    out = jax.ShapeDtypeStruct((T, D), jnp.float32)
    f = pl.kernel(
        _gather3_body,
        out_type=(out, out, out),
        mesh=mesh,
        scratch_types=[
            pltpu.VMEM((TPW,), jnp.int32),
            pltpu.VMEM((TPW,), jnp.int32),
            pltpu.VMEM((TPW,), jnp.int32),
            pltpu.VMEM((TPW, D), jnp.float32),
            pltpu.VMEM((TPW, D), jnp.float32),
            pltpu.VMEM((TPW, D), jnp.float32),
            pltpu.SemaphoreType.DMA,
        ],
    )
    return f(x2, rel_emb, hid2d, rid2d, tid2d)



def _predict_body(h_ref, r_ref, t_ref, w1_ref, b1_ref, w2_ref, b2_ref, out_ref):
    def dot(a, w):
        return lax.dot_general(a.astype(jnp.bfloat16), w.astype(jnp.bfloat16),
                               (((1,), (0,)), ((), ())),
                               preferred_element_type=jnp.float32)
    a = (dot(h_ref[...], w1_ref[0:D, :]) + dot(r_ref[...], w1_ref[D:2 * D, :])
         + dot(t_ref[...], w1_ref[2 * D:3 * D, :]) + b1_ref[...])
    a = jnp.maximum(a, 0.0)
    out_ref[...] = jnp.sum(_bf(a) * _bf(w2_ref[...]), axis=1) + b2_ref[0]


def _predict(h, r, t, W1, b1, W2, b2):
    return pl.pallas_call(
        _predict_body,
        in_specs=[
            pl.BlockSpec(memory_space=pltpu.VMEM),
            pl.BlockSpec(memory_space=pltpu.VMEM),
            pl.BlockSpec(memory_space=pltpu.VMEM),
            pl.BlockSpec(memory_space=pltpu.VMEM),
            pl.BlockSpec(memory_space=pltpu.VMEM),
            pl.BlockSpec(memory_space=pltpu.VMEM),
            pl.BlockSpec(memory_space=pltpu.SMEM),
        ],
        out_shape=jax.ShapeDtypeStruct((T,), jnp.float32),
    )(h, r, t, W1, b1.reshape(1, D), W2.reshape(1, D), b2)



def kernel(edge_index, edge_type, head_ids, relation_ids, tail_ids,
           entity_emb, relation_emb,
           bases0, coeff0, Wself0, bases1, coeff1, Wself1,
           gamma0, beta0, gamma1, beta1, W1, b1, W2, b2):
    i32 = jnp.int32
    E = edge_type.shape[0]
    pad = EP - E
    row = edge_index[0].astype(i32)
    col = edge_index[1].astype(i32)
    et = edge_type.astype(i32)
    arange_pad = jnp.arange(pad, dtype=i32)
    et2d = jnp.concatenate([et, jnp.zeros((pad,), i32)]).reshape(EP // SUB, SUB)
    col2d = jnp.concatenate([col, arange_pad % N]).reshape(EP // SUB, SUB)
    row2d = jnp.concatenate([row, N + arange_pad % (ACC_ROWS - N)]).reshape(EP // SUB, SUB)
    zeros = jnp.zeros((ZROWS, D), jnp.float32)

    w9_0 = _make_weights(coeff0, bases0, Wself0)
    tab0 = _transform(entity_emb, w9_0)
    part0 = _sc_aggregate(tab0.reshape((R + 1) * N, D), et2d, col2d, row2d, zeros)
    x1 = _combine(tab0[R], part0, gamma0, beta0)

    w9_1 = _make_weights(coeff1, bases1, Wself1)
    tab1 = _transform(x1, w9_1)
    part1 = _sc_aggregate(tab1.reshape((R + 1) * N, D), et2d, col2d, row2d, zeros)
    x2 = _combine(tab1[R], part1, gamma1, beta1)

    hid2d = head_ids.astype(i32).reshape(NC * NS, TPW)
    rid2d = relation_ids.astype(i32).reshape(NC * NS, TPW)
    tid2d = tail_ids.astype(i32).reshape(NC * NS, TPW)
    h, rl, t = _gather3(x2, relation_emb, hid2d, rid2d, tid2d)
    return _predict(h, rl, t, W1, b1, W2, b2)

# --- scband reference (transcript-rebuilt; emitter-appended) ---
"""Pipeline reference for scband-rgcn-83167746719887 (READ-ONLY COPY).

The authoritative reference and input builder live on the scoring server;
editing this copy changes nothing except your own understanding.
"""

import jax, jax.numpy as jnp
import numpy as np

NUM_ENTITIES = 10000
NUM_RELATIONS = 8
NUM_BASES = 8
EMB_DIM = 128
HID_DIM = 128
N_EDGES = 320000
N_TRIPLES = 4096


def _xavier(key, shape):
    fan_in, fan_out = shape[-2], shape[-1]
    limit = jnp.sqrt(6.0 / (fan_in + fan_out))
    return jax.random.uniform(key, shape, jnp.float32, -limit, limit)


def setup_inputs(seed: int = 0) -> dict:
    key = jax.random.key(seed)
    ks = [jax.random.fold_in(key, i) for i in range(32)]
    inp = {}
    inp['edge_index'] = jax.random.randint(ks[0], (2, N_EDGES), 0, NUM_ENTITIES, dtype=jnp.int64 if jax.config.jax_enable_x64 else jnp.int32)
    inp['edge_type'] = jax.random.randint(ks[1], (N_EDGES,), 0, NUM_RELATIONS)
    inp['head_ids'] = jax.random.randint(ks[2], (N_TRIPLES,), 0, NUM_ENTITIES)
    inp['relation_ids'] = jax.random.randint(ks[3], (N_TRIPLES,), 0, NUM_RELATIONS)
    inp['tail_ids'] = jax.random.randint(ks[4], (N_TRIPLES,), 0, NUM_ENTITIES)
    # parameters
    inp['entity_emb'] = _xavier(ks[5], (NUM_ENTITIES, EMB_DIM))
    inp['relation_emb'] = _xavier(ks[6], (NUM_RELATIONS, EMB_DIM))
    inp['bases0'] = _xavier(ks[7], (NUM_BASES, EMB_DIM, HID_DIM))
    inp['coeff0'] = _xavier(ks[8], (NUM_RELATIONS, NUM_BASES))
    inp['Wself0'] = _xavier(ks[9], (EMB_DIM, HID_DIM))
    inp['bases1'] = _xavier(ks[10], (NUM_BASES, HID_DIM, HID_DIM))
    inp['coeff1'] = _xavier(ks[11], (NUM_RELATIONS, NUM_BASES))
    inp['Wself1'] = _xavier(ks[12], (HID_DIM, HID_DIM))
    inp['gamma0'] = jnp.ones((HID_DIM,), jnp.float32)
    inp['beta0'] = jnp.zeros((HID_DIM,), jnp.float32)
    inp['gamma1'] = jnp.ones((HID_DIM,), jnp.float32)
    inp['beta1'] = jnp.zeros((HID_DIM,), jnp.float32)
    inp['W1'] = _xavier(ks[13], (HID_DIM * 2 + EMB_DIM, HID_DIM))
    inp['b1'] = jnp.zeros((HID_DIM,), jnp.float32)
    inp['W2'] = _xavier(ks[14], (HID_DIM, 1))
    inp['b2'] = jnp.zeros((1,), jnp.float32)
    return inp


def _rgcn_layer(x, edge_index, edge_type, bases, coeff, Wself):
    # self-loop transform
    out = x @ Wself
    # per-relation weights from basis decomposition
    weights = jnp.einsum('rb,bio->rio', coeff, bases)  # [R, in, out]
    # transform all nodes by every relation weight (equivalent to x[col] @ weights[r])
    xr = jnp.einsum('ni,rio->rno', x, weights)  # [R, N, out]
    row = edge_index[0]
    col = edge_index[1]
    msg = xr[edge_type, col]  # [E, out] gather
    out = out.at[row].add(msg)  # scatter-add (index_add_)
    return out


def _layernorm(x, gamma, beta, eps=1e-5):
    mu = jnp.mean(x, axis=-1, keepdims=True)
    var = jnp.mean((x - mu) ** 2, axis=-1, keepdims=True)
    return (x - mu) / jnp.sqrt(var + eps) * gamma + beta


def reference(edge_index, edge_type, head_ids, relation_ids, tail_ids,
              entity_emb, relation_emb,
              bases0, coeff0, Wself0, bases1, coeff1, Wself1,
              gamma0, beta0, gamma1, beta1,
              W1, b1, W2, b2):
    # encode
    x = entity_emb
    x = _rgcn_layer(x, edge_index, edge_type, bases0, coeff0, Wself0)
    x = _layernorm(jax.nn.relu(x), gamma0, beta0)
    x = _rgcn_layer(x, edge_index, edge_type, bases1, coeff1, Wself1)
    x = _layernorm(jax.nn.relu(x), gamma1, beta1)
    # dropout p=0.0 (identity)
    # link prediction
    head = x[head_ids]
    tail = x[tail_ids]
    rel = relation_emb[relation_ids]
    combined = jnp.concatenate([head, rel, tail], axis=-1)
    h = jax.nn.relu(combined @ W1 + b1)
    score = h @ W2 + b2
    return score.squeeze(-1)

if __name__ == "__main__":
    import jax
    _d = setup_inputs()
    print(jax.jit(kernel)(*tuple(_d.values())))

</pallas_src>

<mosaic_0001>
#map = affine_map<(d0, d1) -> (0, 0)>
module attributes {stable_mosaic.version = 14 : i64} {
  func.func @_gather3_body(%arg0: i32, %arg1: i32, %arg2: memref<10000x128xf32, #tpu.memory_space<hbm>>, %arg3: memref<8x128xf32, #tpu.memory_space<hbm>>, %arg4: memref<32x128xi32, #tpu.memory_space<hbm>>, %arg5: memref<32x128xi32, #tpu.memory_space<hbm>>, %arg6: memref<32x128xi32, #tpu.memory_space<hbm>>, %arg7: memref<4096x128xf32, #tpu.memory_space<hbm>>, %arg8: memref<4096x128xf32, #tpu.memory_space<hbm>>, %arg9: memref<4096x128xf32, #tpu.memory_space<hbm>>, %arg10: memref<128xi32, #tpu.memory_space<vmem>>, %arg11: memref<128xi32, #tpu.memory_space<vmem>>, %arg12: memref<128xi32, #tpu.memory_space<vmem>>, %arg13: memref<128x128xf32, #tpu.memory_space<vmem>>, %arg14: memref<128x128xf32, #tpu.memory_space<vmem>>, %arg15: memref<128x128xf32, #tpu.memory_space<vmem>>, %arg16: memref<!tpu.dma_semaphore, #tpu.memory_space<semaphore_mem>>) attributes {dimension_semantics = [#tpu.dimension_semantics<core_parallel>, #tpu.dimension_semantics<subcore_parallel>], iteration_bounds = array<i64: 2, 16>, scalar_prefetch = 0 : i64, scratch_operands = 7 : i64, tpu.core_type = #tpu.core_type<sc_vector_subcore>, window_params = [{transform_indices = #map}, {transform_indices = #map}, {transform_indices = #map}, {transform_indices = #map}, {transform_indices = #map}, {transform_indices = #map}, {transform_indices = #map}, {transform_indices = #map}]} {
    %mul3A = arith.constant 16 : i32
    %mul3A_0 = arith.muli %arg0, %mul3A : i32
    %add3A = arith.addi %mul3A_0, %arg1 : i32
    "tpu.region"() ({
      %run_scoped3A = tpu.sem_alloc : memref<!tpu.dma_semaphore, #tpu.memory_space<semaphore_mem>>
      %dma_start3A_23 = arith.constant 0 : i32
      %dma_start3A_24 = tpu.memref_slice %arg4[%add3A, %dma_start3A_23] : memref<32x128xi32, #tpu.memory_space<hbm>> -> memref<1x128xi32, #tpu.memory_space<hbm>>
      %dma_start3A_25 = tpu.memref_squeeze %dma_start3A_24 : memref<1x128xi32, #tpu.memory_space<hbm>> -> memref<128xi32, #tpu.memory_space<hbm>>
      %dma_start3A_26 = arith.constant 0 : i32
      %dma_start3A_27 = tpu.memref_slice %arg4[%add3A, %dma_start3A_26] : memref<32x128xi32, #tpu.memory_space<hbm>> -> memref<1x128xi32, #tpu.memory_space<hbm>>
      %dma_start3A_28 = tpu.memref_squeeze %dma_start3A_27 : memref<1x128xi32, #tpu.memory_space<hbm>> -> memref<128xi32, #tpu.memory_space<hbm>>
      tpu.enqueue_dma source(%dma_start3A_28 : memref<128xi32, #tpu.memory_space<hbm>>) target(%arg10 : memref<128xi32, #tpu.memory_space<vmem>>) target_semaphore(%run_scoped3A : memref<!tpu.dma_semaphore, #tpu.memory_space<semaphore_mem>>)
      %dma_wait3A_29 = arith.constant 0 : i32
      %dma_wait3A_30 = tpu.memref_slice %arg4[%add3A, %dma_wait3A_29] : memref<32x128xi32, #tpu.memory_space<hbm>> -> memref<1x128xi32, #tpu.memory_space<hbm>>
      %dma_wait3A_31 = tpu.memref_squeeze %dma_wait3A_30 : memref<1x128xi32, #tpu.memory_space<hbm>> -> memref<128xi32, #tpu.memory_space<hbm>>
      %dma_wait3A_32 = arith.constant 0 : i32
      %dma_wait3A_33 = tpu.memref_slice %arg4[%add3A, %dma_wait3A_32] : memref<32x128xi32, #tpu.memory_space<hbm>> -> memref<1x128xi32, #tpu.memory_space<hbm>>
      %dma_wait3A_34 = tpu.memref_squeeze %dma_wait3A_33 : memref<1x128xi32, #tpu.memory_space<hbm>> -> memref<128xi32, #tpu.memory_space<hbm>>
      tpu.wait_dma2 semaphore(%run_scoped3A : memref<!tpu.dma_semaphore, #tpu.memory_space<semaphore_mem>>) src(%dma_wait3A_34 : memref<128xi32, #tpu.memory_space<hbm>>) dst(%arg10 : memref<128xi32, #tpu.memory_space<vmem>>)
      tpu.yield
    }) : () -> ()
    "tpu.region"() ({
      %run_scoped3A = tpu.sem_alloc : memref<!tpu.dma_semaphore, #tpu.memory_space<semaphore_mem>>
      %dma_start3A_23 = arith.constant 0 : i32
      %dma_start3A_24 = tpu.memref_slice %arg5[%add3A, %dma_start3A_23] : memref<32x128xi32, #tpu.memory_space<hbm>> -> memref<1x128xi32, #tpu.memory_space<hbm>>
      %dma_start3A_25 = tpu.memref_squeeze %dma_start3A_24 : memref<1x128xi32, #tpu.memory_space<hbm>> -> memref<128xi32, #tpu.memory_space<hbm>>
      %dma_start3A_26 = arith.constant 0 : i32
      %dma_start3A_27 = tpu.memref_slice %arg5[%add3A, %dma_start3A_26] : memref<32x128xi32, #tpu.memory_space<hbm>> -> memref<1x128xi32, #tpu.memory_space<hbm>>
      %dma_start3A_28 = tpu.memref_squeeze %dma_start3A_27 : memref<1x128xi32, #tpu.memory_space<hbm>> -> memref<128xi32, #tpu.memory_space<hbm>>
      tpu.enqueue_dma source(%dma_start3A_28 : memref<128xi32, #tpu.memory_space<hbm>>) target(%arg11 : memref<128xi32, #tpu.memory_space<vmem>>) target_semaphore(%run_scoped3A : memref<!tpu.dma_semaphore, #tpu.memory_space<semaphore_mem>>)
      %dma_wait3A_29 = arith.constant 0 : i32
      %dma_wait3A_30 = tpu.memref_slice %arg5[%add3A, %dma_wait3A_29] : memref<32x128xi32, #tpu.memory_space<hbm>> -> memref<1x128xi32, #tpu.memory_space<hbm>>
      %dma_wait3A_31 = tpu.memref_squeeze %dma_wait3A_30 : memref<1x128xi32, #tpu.memory_space<hbm>> -> memref<128xi32, #tpu.memory_space<hbm>>
      %dma_wait3A_32 = arith.constant 0 : i32
      %dma_wait3A_33 = tpu.memref_slice %arg5[%add3A, %dma_wait3A_32] : memref<32x128xi32, #tpu.memory_space<hbm>> -> memref<1x128xi32, #tpu.memory_space<hbm>>
      %dma_wait3A_34 = tpu.memref_squeeze %dma_wait3A_33 : memref<1x128xi32, #tpu.memory_space<hbm>> -> memref<128xi32, #tpu.memory_space<hbm>>
      tpu.wait_dma2 semaphore(%run_scoped3A : memref<!tpu.dma_semaphore, #tpu.memory_space<semaphore_mem>>) src(%dma_wait3A_34 : memref<128xi32, #tpu.memory_space<hbm>>) dst(%arg11 : memref<128xi32, #tpu.memory_space<vmem>>)
      tpu.yield
    }) : () -> ()
    "tpu.region"() ({
      %run_scoped3A = tpu.sem_alloc : memref<!tpu.dma_semaphore, #tpu.memory_space<semaphore_mem>>
      %dma_start3A_23 = arith.constant 0 : i32
      %dma_start3A_24 = tpu.memref_slice %arg6[%add3A, %dma_start3A_23] : memref<32x128xi32, #tpu.memory_space<hbm>> -> memref<1x128xi32, #tpu.memory_space<hbm>>
      %dma_start3A_25 = tpu.memref_squeeze %dma_start3A_24 : memref<1x128xi32, #tpu.memory_space<hbm>> -> memref<128xi32, #tpu.memory_space<hbm>>
      %dma_start3A_26 = arith.constant 0 : i32
      %dma_start3A_27 = tpu.memref_slice %arg6[%add3A, %dma_start3A_26] : memref<32x128xi32, #tpu.memory_space<hbm>> -> memref<1x128xi32, #tpu.memory_space<hbm>>
      %dma_start3A_28 = tpu.memref_squeeze %dma_start3A_27 : memref<1x128xi32, #tpu.memory_space<hbm>> -> memref<128xi32, #tpu.memory_space<hbm>>
      tpu.enqueue_dma source(%dma_start3A_28 : memref<128xi32, #tpu.memory_space<hbm>>) target(%arg12 : memref<128xi32, #tpu.memory_space<vmem>>) target_semaphore(%run_scoped3A : memref<!tpu.dma_semaphore, #tpu.memory_space<semaphore_mem>>)
      %dma_wait3A_29 = arith.constant 0 : i32
      %dma_wait3A_30 = tpu.memref_slice %arg6[%add3A, %dma_wait3A_29] : memref<32x128xi32, #tpu.memory_space<hbm>> -> memref<1x128xi32, #tpu.memory_space<hbm>>
      %dma_wait3A_31 = tpu.memref_squeeze %dma_wait3A_30 : memref<1x128xi32, #tpu.memory_space<hbm>> -> memref<128xi32, #tpu.memory_space<hbm>>
      %dma_wait3A_32 = arith.constant 0 : i32
      %dma_wait3A_33 = tpu.memref_slice %arg6[%add3A, %dma_wait3A_32] : memref<32x128xi32, #tpu.memory_space<hbm>> -> memref<1x128xi32, #tpu.memory_space<hbm>>
      %dma_wait3A_34 = tpu.memref_squeeze %dma_wait3A_33 : memref<1x128xi32, #tpu.memory_space<hbm>> -> memref<128xi32, #tpu.memory_space<hbm>>
      tpu.wait_dma2 semaphore(%run_scoped3A : memref<!tpu.dma_semaphore, #tpu.memory_space<semaphore_mem>>) src(%dma_wait3A_34 : memref<128xi32, #tpu.memory_space<hbm>>) dst(%arg12 : memref<128xi32, #tpu.memory_space<vmem>>)
      tpu.yield
    }) : () -> ()
    %dma_start3A = arith.constant 0 : i32
    %dma_start3A_1 = arith.constant 0 : i32
    %dma_start3A_2 = tpu.memref_slice %arg2[%dma_start3A, %dma_start3A_1] : memref<10000x128xf32, #tpu.memory_space<hbm>> -> memref<10000x128xf32, #tpu.memory_space<hbm>>
    tpu.enqueue_indirect_dma source(%dma_start3A_2 : memref<10000x128xf32, #tpu.memory_space<hbm>>) target(%arg13 : memref<128x128xf32, #tpu.memory_space<vmem>>) offsets(%arg10 : memref<128xi32, #tpu.memory_space<vmem>>) semaphore(%arg16 : memref<!tpu.dma_semaphore, #tpu.memory_space<semaphore_mem>>)
    %dma_wait3A = arith.constant 0 : i32
    %dma_wait3A_3 = arith.constant 0 : i32
    %dma_wait3A_4 = tpu.memref_slice %arg2[%dma_wait3A, %dma_wait3A_3] : memref<10000x128xf32, #tpu.memory_space<hbm>> -> memref<10000x128xf32, #tpu.memory_space<hbm>>
    tpu.wait_indirect_dma semaphore(%arg16 : memref<!tpu.dma_semaphore, #tpu.memory_space<semaphore_mem>>) src(%dma_wait3A_4 : memref<10000x128xf32, #tpu.memory_space<hbm>>) dst(%arg13 : memref<128x128xf32, #tpu.memory_space<vmem>>)
    %dma_start3A_5 = arith.constant 0 : i32
    %dma_start3A_6 = arith.constant 0 : i32
    %dma_start3A_7 = tpu.memref_slice %arg3[%dma_start3A_5, %dma_start3A_6] : memref<8x128xf32, #tpu.memory_space<hbm>> -> memref<8x128xf32, #tpu.memory_space<hbm>>
    tpu.enqueue_indirect_dma source(%dma_start3A_7 : memref<8x128xf32, #tpu.memory_space<hbm>>) target(%arg14 : memref<128x128xf32, #tpu.memory_space<vmem>>) offsets(%arg11 : memref<128xi32, #tpu.memory_space<vmem>>) semaphore(%arg16 : memref<!tpu.dma_semaphore, #tpu.memory_space<semaphore_mem>>)
    %dma_wait3A_8 = arith.constant 0 : i32
    %dma_wait3A_9 = arith.constant 0 : i32
    %dma_wait3A_10 = tpu.memref_slice %arg3[%dma_wait3A_8, %dma_wait3A_9] : memref<8x128xf32, #tpu.memory_space<hbm>> -> memref<8x128xf32, #tpu.memory_space<hbm>>
    tpu.wait_indirect_dma semaphore(%arg16 : memref<!tpu.dma_semaphore, #tpu.memory_space<semaphore_mem>>) src(%dma_wait3A_10 : memref<8x128xf32, #tpu.memory_space<hbm>>) dst(%arg14 : memref<128x128xf32, #tpu.memory_space<vmem>>)
    %dma_start3A_11 = arith.constant 0 : i32
    %dma_start3A_12 = arith.constant 0 : i32
    %dma_start3A_13 = tpu.memref_slice %arg2[%dma_start3A_11, %dma_start3A_12] : memref<10000x128xf32, #tpu.memory_space<hbm>> -> memref<10000x128xf32, #tpu.memory_space<hbm>>
    tpu.enqueue_indirect_dma source(%dma_start3A_13 : memref<10000x128xf32, #tpu.memory_space<hbm>>) target(%arg15 : memref<128x128xf32, #tpu.memory_space<vmem>>) offsets(%arg12 : memref<128xi32, #tpu.memory_space<vmem>>) semaphore(%arg16 : memref<!tpu.dma_semaphore, #tpu.memory_space<semaphore_mem>>)
    %dma_wait3A_14 = arith.constant 0 : i32
    %dma_wait3A_15 = arith.constant 0 : i32
    %dma_wait3A_16 = tpu.memref_slice %arg2[%dma_wait3A_14, %dma_wait3A_15] : memref<10000x128xf32, #tpu.memory_space<hbm>> -> memref<10000x128xf32, #tpu.memory_space<hbm>>
    tpu.wait_indirect_dma semaphore(%arg16 : memref<!tpu.dma_semaphore, #tpu.memory_space<semaphore_mem>>) src(%dma_wait3A_16 : memref<10000x128xf32, #tpu.memory_space<hbm>>) dst(%arg15 : memref<128x128xf32, #tpu.memory_space<vmem>>)
    %mul3A_17 = arith.constant 128 : i32
    %mul3A_18 = arith.muli %add3A, %mul3A_17 : i32
    "tpu.region"() ({
      %run_scoped3A = tpu.sem_alloc : memref<!tpu.dma_semaphore, #tpu.memory_space<semaphore_mem>>
      %dma_start3A_23 = arith.constant 0 : i32
      %dma_start3A_24 = tpu.memref_slice %arg7[%mul3A_18, %dma_start3A_23] : memref<4096x128xf32, #tpu.memory_space<hbm>> -> memref<128x128xf32, #tpu.memory_space<hbm>>
      %dma_start3A_25 = arith.constant 0 : i32
      %dma_start3A_26 = tpu.memref_slice %arg7[%mul3A_18, %dma_start3A_25] : memref<4096x128xf32, #tpu.memory_space<hbm>> -> memref<128x128xf32, #tpu.memory_space<hbm>>
      tpu.enqueue_dma source(%arg13 : memref<128x128xf32, #tpu.memory_space<vmem>>) target(%dma_start3A_26 : memref<128x128xf32, #tpu.memory_space<hbm>>) target_semaphore(%run_scoped3A : memref<!tpu.dma_semaphore, #tpu.memory_space<semaphore_mem>>)
      %dma_wait3A_27 = arith.constant 0 : i32
      %dma_wait3A_28 = tpu.memref_slice %arg7[%mul3A_18, %dma_wait3A_27] : memref<4096x128xf32, #tpu.memory_space<hbm>> -> memref<128x128xf32, #tpu.memory_space<hbm>>
      %dma_wait3A_29 = arith.constant 0 : i32
      %dma_wait3A_30 = tpu.memref_slice %arg7[%mul3A_18, %dma_wait3A_29] : memref<4096x128xf32, #tpu.memory_space<hbm>> -> memref<128x128xf32, #tpu.memory_space<hbm>>
      tpu.wait_dma2 semaphore(%run_scoped3A : memref<!tpu.dma_semaphore, #tpu.memory_space<semaphore_mem>>) src(%arg13 : memref<128x128xf32, #tpu.memory_space<vmem>>) dst(%dma_wait3A_30 : memref<128x128xf32, #tpu.memory_space<hbm>>)
      tpu.yield
    }) : () -> ()
    %mul3A_19 = arith.constant 128 : i32
    %mul3A_20 = arith.muli %add3A, %mul3A_19 : i32
    "tpu.region"() ({
      %run_scoped3A = tpu.sem_alloc : memref<!tpu.dma_semaphore, #tpu.memory_space<semaphore_mem>>
      %dma_start3A_23 = arith.constant 0 : i32
      %dma_start3A_24 = tpu.memref_slice %arg8[%mul3A_20, %dma_start3A_23] : memref<4096x128xf32, #tpu.memory_space<hbm>> -> memref<128x128xf32, #tpu.memory_space<hbm>>
      %dma_start3A_25 = arith.constant 0 : i32
      %dma_start3A_26 = tpu.memref_slice %arg8[%mul3A_20, %dma_start3A_25] : memref<4096x128xf32, #tpu.memory_space<hbm>> -> memref<128x128xf32, #tpu.memory_space<hbm>>
      tpu.enqueue_dma source(%arg14 : memref<128x128xf32, #tpu.memory_space<vmem>>) target(%dma_start3A_26 : memref<128x128xf32, #tpu.memory_space<hbm>>) target_semaphore(%run_scoped3A : memref<!tpu.dma_semaphore, #tpu.memory_space<semaphore_mem>>)
      %dma_wait3A_27 = arith.constant 0 : i32
      %dma_wait3A_28 = tpu.memref_slice %arg8[%mul3A_20, %dma_wait3A_27] : memref<4096x128xf32, #tpu.memory_space<hbm>> -> memref<128x128xf32, #tpu.memory_space<hbm>>
      %dma_wait3A_29 = arith.constant 0 : i32
      %dma_wait3A_30 = tpu.memref_slice %arg8[%mul3A_20, %dma_wait3A_29] : memref<4096x128xf32, #tpu.memory_space<hbm>> -> memref<128x128xf32, #tpu.memory_space<hbm>>
      tpu.wait_dma2 semaphore(%run_scoped3A : memref<!tpu.dma_semaphore, #tpu.memory_space<semaphore_mem>>) src(%arg14 : memref<128x128xf32, #tpu.memory_space<vmem>>) dst(%dma_wait3A_30 : memref<128x128xf32, #tpu.memory_space<hbm>>)
      tpu.yield
    }) : () -> ()
    %mul3A_21 = arith.constant 128 : i32
    %mul3A_22 = arith.muli %add3A, %mul3A_21 : i32
    "tpu.region"() ({
      %run_scoped3A = tpu.sem_alloc : memref<!tpu.dma_semaphore, #tpu.memory_space<semaphore_mem>>
      %dma_start3A_23 = arith.constant 0 : i32
      %dma_start3A_24 = tpu.memref_slice %arg9[%mul3A_22, %dma_start3A_23] : memref<4096x128xf32, #tpu.memory_space<hbm>> -> memref<128x128xf32, #tpu.memory_space<hbm>>
      %dma_start3A_25 = arith.constant 0 : i32
      %dma_start3A_26 = tpu.memref_slice %arg9[%mul3A_22, %dma_start3A_25] : memref<4096x128xf32, #tpu.memory_space<hbm>> -> memref<128x128xf32, #tpu.memory_space<hbm>>
      tpu.enqueue_dma source(%arg15 : memref<128x128xf32, #tpu.memory_space<vmem>>) target(%dma_start3A_26 : memref<128x128xf32, #tpu.memory_space<hbm>>) target_semaphore(%run_scoped3A : memref<!tpu.dma_semaphore, #tpu.memory_space<semaphore_mem>>)
      %dma_wait3A_27 = arith.constant 0 : i32
      %dma_wait3A_28 = tpu.memref_slice %arg9[%mul3A_22, %dma_wait3A_27] : memref<4096x128xf32, #tpu.memory_space<hbm>> -> memref<128x128xf32, #tpu.memory_space<hbm>>
      %dma_wait3A_29 = arith.constant 0 : i32
      %dma_wait3A_30 = tpu.memref_slice %arg9[%mul3A_22, %dma_wait3A_29] : memref<4096x128xf32, #tpu.memory_space<hbm>> -> memref<128x128xf32, #tpu.memory_space<hbm>>
      tpu.wait_dma2 semaphore(%run_scoped3A : memref<!tpu.dma_semaphore, #tpu.memory_space<semaphore_mem>>) src(%arg15 : memref<128x128xf32, #tpu.memory_space<vmem>>) dst(%dma_wait3A_30 : memref<128x128xf32, #tpu.memory_space<hbm>>)
      tpu.yield
    }) : () -> ()
    return
  }
}

#map = affine_map<(d0, d1) -> (0, 0)>
#map1 = affine_map<(d0, d1) -> (0, 0, 0)>
module attributes {stable_mosaic.version = 14 : i64} {
  func.func @_agg_body(%arg0: i32, %arg1: i32, %arg2: memref<90000x128xf32, #tpu.memory_space<hbm>>, %arg3: memref<2560x128xi32, #tpu.memory_space<hbm>>, %arg4: memref<2560x128xi32, #tpu.memory_space<hbm>>, %arg5: memref<2560x128xi32, #tpu.memory_space<hbm>>, %arg6: memref<640x128xf32, #tpu.memory_space<hbm>>, %arg7: memref<2x10000x128xf32, #tpu.memory_space<hbm>>, %arg8: memref<40x128xi32, #tpu.memory_space<vmem>>, %arg9: memref<40x128xi32, #tpu.memory_space<vmem>>, %arg10: memref<40x128xi32, #tpu.memory_space<vmem>>, %arg11: memref<128xi32, #tpu.memory_space<vmem>>, %arg12: memref<128xi32, #tpu.memory_space<vmem>>, %arg13: memref<128x128xf32, #tpu.memory_space<vmem>>, %arg14: memref<128x128xf32, #tpu.memory_space<vmem>>, %arg15: memref<10240x128xf32, #tpu.memory_space<vmem_shared>>, %arg16: memref<!tpu.dma_semaphore, #tpu.memory_space<semaphore_mem>>, %arg17: memref<!tpu.dma_semaphore, #tpu.memory_space<semaphore_mem>>) attributes {dimension_semantics = [#tpu.dimension_semantics<core_parallel>, #tpu.dimension_semantics<subcore_parallel>], iteration_bounds = array<i64: 2, 16>, scalar_prefetch = 0 : i64, scratch_operands = 10 : i64, tpu.core_type = #tpu.core_type<sc_vector_subcore>, window_params = [{transform_indices = #map}, {transform_indices = #map}, {transform_indices = #map}, {transform_indices = #map}, {transform_indices = #map}, {transform_indices = #map1}]} {
    %mul3A = arith.constant 640 : i32
    %mul3A_0 = arith.muli %arg1, %mul3A : i32
    "tpu.region"() ({
      %run_scoped3A = tpu.sem_alloc : memref<!tpu.dma_semaphore, #tpu.memory_space<semaphore_mem>>
      %dma_start3A = arith.constant 0 : i32
      %dma_start3A_17 = tpu.memref_slice %arg15[%mul3A_0, %dma_start3A] : memref<10240x128xf32, #tpu.memory_space<vmem_shared>> -> memref<640x128xf32, #tpu.memory_space<vmem_shared>>
      tpu.enqueue_dma source(%arg6 : memref<640x128xf32, #tpu.memory_space<hbm>>) target(%dma_start3A_17 : memref<640x128xf32, #tpu.memory_space<vmem_shared>>) target_semaphore(%run_scoped3A : memref<!tpu.dma_semaphore, #tpu.memory_space<semaphore_mem>>)
      %dma_wait3A = arith.constant 0 : i32
      %dma_wait3A_18 = tpu.memref_slice %arg15[%mul3A_0, %dma_wait3A] : memref<10240x128xf32, #tpu.memory_space<vmem_shared>> -> memref<640x128xf32, #tpu.memory_space<vmem_shared>>
      tpu.wait_dma2 semaphore(%run_scoped3A : memref<!tpu.dma_semaphore, #tpu.memory_space<semaphore_mem>>) src(%arg6 : memref<640x128xf32, #tpu.memory_space<hbm>>) dst(%dma_wait3A_18 : memref<640x128xf32, #tpu.memory_space<vmem_shared>>)
      tpu.yield
    }) : () -> ()
    %barrier3A = arith.constant 0 : index
    tpu.barrier barrier_id(%barrier3A)
    %mul3A_1 = arith.constant 16 : i32
    %mul3A_2 = arith.muli %arg0, %mul3A_1 : i32
    %add3A = arith.addi %mul3A_2, %arg1 : i32
    %mul3A_3 = arith.constant 80 : i32
    %mul3A_4 = arith.muli %add3A, %mul3A_3 : i32
    %scan3A = arith.constant 0 : i32
    %scan3A_5 = arith.constant 0 : i32
    %scan3A_6 = arith.constant 2 : i32
    %scan3A_7 = arith.addi %scan3A_5, %scan3A_6 : i32
    %scan3A_8 = arith.constant 1 : i32
    scf.for %scan3A_17 = %scan3A_5 to %scan3A_7 step %scan3A_8  : i32 {
      %mul3A_18 = arith.constant 40 : i32
      %mul3A_19 = arith.muli %scan3A_17, %mul3A_18 : i32
      %add3A_20 = arith.addi %mul3A_4, %mul3A_19 : i32
      "tpu.region"() ({
        %run_scoped3A = tpu.sem_alloc : memref<!tpu.dma_semaphore, #tpu.memory_space<semaphore_mem>>
        %dma_start3A_173 = arith.constant 0 : i32
        %dma_start3A_174 = tpu.memref_slice %arg3[%add3A_20, %dma_start3A_173] : memref<2560x128xi32, #tpu.memory_space<hbm>> -> memref<40x128xi32, #tpu.memory_space<hbm>>
        %dma_start3A_175 = arith.constant 0 : i32
        %dma_start3A_176 = tpu.memref_slice %arg3[%add3A_20, %dma_start3A_175] : memref<2560x128xi32, #tpu.memory_space<hbm>> -> memref<40x128xi32, #tpu.memory_space<hbm>>
        tpu.enqueue_dma source(%dma_start3A_176 : memref<40x128xi32, #tpu.memory_space<hbm>>) target(%arg8 : memref<40x128xi32, #tpu.memory_space<vmem>>) target_semaphore(%run_scoped3A : memref<!tpu.dma_semaphore, #tpu.memory_space<semaphore_mem>>)
        %dma_wait3A_177 = arith.constant 0 : i32
        %dma_wait3A_178 = tpu.memref_slice %arg3[%add3A_20, %dma_wait3A_177] : memref<2560x128xi32, #tpu.memory_space<hbm>> -> memref<40x128xi32, #tpu.memory_space<hbm>>
        %dma_wait3A_179 = arith.constant 0 : i32
        %dma_wait3A_180 = tpu.memref_slice %arg3[%add3A_20, %dma_wait3A_179] : memref<2560x128xi32, #tpu.memory_space<hbm>> -> memref<40x128xi32, #tpu.memory_space<hbm>>
        tpu.wait_dma2 semaphore(%run_scoped3A : memref<!tpu.dma_semaphore, #tpu.memory_space<semaphore_mem>>) src(%dma_wait3A_180 : memref<40x128xi32, #tpu.memory_space<hbm>>) dst(%arg8 : memref<40x128xi32, #tpu.memory_space<vmem>>)
        tpu.yield
      }) : () -> ()
      "tpu.region"() ({
        %run_scoped3A = tpu.sem_alloc : memref<!tpu.dma_semaphore, #tpu.memory_space<semaphore_mem>>
        %dma_start3A_173 = arith.constant 0 : i32
        %dma_start3A_174 = tpu.memref_slice %arg4[%add3A_20, %dma_start3A_173] : memref<2560x128xi32, #tpu.memory_space<hbm>> -> memref<40x128xi32, #tpu.memory_space<hbm>>
        %dma_start3A_175 = arith.constant 0 : i32
        %dma_start3A_176 = tpu.memref_slice %arg4[%add3A_20, %dma_start3A_175] : memref<2560x128xi32, #tpu.memory_space<hbm>> -> memref<40x128xi32, #tpu.memory_space<hbm>>
        tpu.enqueue_dma source(%dma_start3A_176 : memref<40x128xi32, #tpu.memory_space<hbm>>) target(%arg9 : memref<40x128xi32, #tpu.memory_space<vmem>>) target_semaphore(%run_scoped3A : memref<!tpu.dma_semaphore, #tpu.memory_space<semaphore_mem>>)
        %dma_wait3A_177 = arith.constant 0 : i32
        %dma_wait3A_178 = tpu.memref_slice %arg4[%add3A_20, %dma_wait3A_177] : memref<2560x128xi32, #tpu.memory_space<hbm>> -> memref<40x128xi32, #tpu.memory_space<hbm>>
        %dma_wait3A_179 = arith.constant 0 : i32
        %dma_wait3A_180 = tpu.memref_slice %arg4[%add3A_20, %dma_wait3A_179] : memref<2560x128xi32, #tpu.memory_space<hbm>> -> memref<40x128xi32, #tpu.memory_space<hbm>>
        tpu.wait_dma2 semaphore(%run_scoped3A : memref<!tpu.dma_semaphore, #tpu.memory_space<semaphore_mem>>) src(%dma_wait3A_180 : memref<40x128xi32, #tpu.memory_space<hbm>>) dst(%arg9 : memref<40x128xi32, #tpu.memory_space<vmem>>)
        tpu.yield
      }) : () -> ()
      "tpu.region"() ({
        %run_scoped3A = tpu.sem_alloc : memref<!tpu.dma_semaphore, #tpu.memory_space<semaphore_mem>>
        %dma_start3A_173 = arith.constant 0 : i32
        %dma_start3A_174 = tpu.memref_slice %arg5[%add3A_20, %dma_start3A_173] : memref<2560x128xi32, #tpu.memory_space<hbm>> -> memref<40x128xi32, #tpu.memory_space<hbm>>
        %dma_start3A_175 = arith.constant 0 : i32
        %dma_start3A_176 = tpu.memref_slice %arg5[%add3A_20, %dma_start3A_175] : memref<2560x128xi32, #tpu.memory_space<hbm>> -> memref<40x128xi32, #tpu.memory_space<hbm>>
        tpu.enqueue_dma source(%dma_start3A_176 : memref<40x128xi32, #tpu.memory_space<hbm>>) target(%arg10 : memref<40x128xi32, #tpu.memory_space<vmem>>) target_semaphore(%run_scoped3A : memref<!tpu.dma_semaphore, #tpu.memory_space<semaphore_mem>>)
        %dma_wait3A_177 = arith.constant 0 : i32
        %dma_wait3A_178 = tpu.memref_slice %arg5[%add3A_20, %dma_wait3A_177] : memref<2560x128xi32, #tpu.memory_space<hbm>> -> memref<40x128xi32, #tpu.memory_space<hbm>>
        %dma_wait3A_179 = arith.constant 0 : i32
        %dma_wait3A_180 = tpu.memref_slice %arg5[%add3A_20, %dma_wait3A_179] : memref<2560x128xi32, #tpu.memory_space<hbm>> -> memref<40x128xi32, #tpu.memory_space<hbm>>
        tpu.wait_dma2 semaphore(%run_scoped3A : memref<!tpu.dma_semaphore, #tpu.memory_space<semaphore_mem>>) src(%dma_wait3A_180 : memref<40x128xi32, #tpu.memory_space<hbm>>) dst(%arg10 : memref<40x128xi32, #tpu.memory_space<vmem>>)
        tpu.yield
      }) : () -> ()
      %get3A = arith.constant 0 : i32
      %get3A_21 = arith.index_cast %get3A : i32 to index
      %get3A_22 = arith.constant 0 : index
      %get3A_23 = tpu.vector_load %arg8[%get3A_21, %get3A_22] {strides = array<i32>} : memref<40x128xi32, #tpu.memory_space<vmem>>, vector<1x16xi32>,
      %get3A_24 = vector.shape_cast %get3A_23 : vector<1x16xi32> to vector<16xi32>
      %get3A_25 = arith.constant 0 : i32
      %get3A_26 = arith.index_cast %get3A_25 : i32 to index
      %get3A_27 = arith.constant 0 : index
      %get3A_28 = tpu.vector_load %arg9[%get3A_26, %get3A_27] {strides = array<i32>} : memref<40x128xi32, #tpu.memory_space<vmem>>, vector<1x16xi32>,
      %get3A_29 = vector.shape_cast %get3A_28 : vector<1x16xi32> to vector<16xi32>
      %mul3A_30 = arith.constant 10000 : i32
      %mul3A_31 = vector.broadcast %mul3A_30 : i32 to vector<16xi32>
      %mul3A_32 = arith.muli %get3A_24, %mul3A_31 : vector<16xi32>
      %add3A_33 = arith.addi %mul3A_32, %get3A_29 : vector<16xi32>
      %swap3A = arith.constant 0 : index
      %swap3A_34 = tpu.vector_load %arg11[%swap3A] {strides = array<i32>} : memref<128xi32, #tpu.memory_space<vmem>>, vector<16xi32>,
      %swap3A_35 = vector.shape_cast %swap3A_34 : vector<16xi32> to vector<16xi32>
      %swap3A_36 = vector.shape_cast %add3A_33 : vector<16xi32> to vector<16xi32>
      tpu.vector_store %arg11[%swap3A], %swap3A_36 {strides = array<i32>} : memref<128xi32, #tpu.memory_space<vmem>>, vector<16xi32>,
      %get3A_37 = arith.constant 0 : i32
      %get3A_38 = arith.index_cast %get3A_37 : i32 to index
      %get3A_39 = arith.constant 16 : index
      %get3A_40 = tpu.vector_load %arg8[%get3A_38, %get3A_39] {strides = array<i32>} : memref<40x128xi32, #tpu.memory_space<vmem>>, vector<1x16xi32>,
      %get3A_41 = vector.shape_cast %get3A_40 : vector<1x16xi32> to vector<16xi32>
      %get3A_42 = arith.constant 0 : i32
      %get3A_43 = arith.index_cast %get3A_42 : i32 to index
      %get3A_44 = arith.constant 16 : index
      %get3A_45 = tpu.vector_load %arg9[%get3A_43, %get3A_44] {strides = array<i32>} : memref<40x128xi32, #tpu.memory_space<vmem>>, vector<1x16xi32>,
      %get3A_46 = vector.shape_cast %get3A_45 : vector<1x16xi32> to vector<16xi32>
      %mul3A_47 = arith.constant 10000 : i32
      %mul3A_48 = vector.broadcast %mul3A_47 : i32 to vector<16xi32>
      %mul3A_49 = arith.muli %get3A_41, %mul3A_48 : vector<16xi32>
      %add3A_50 = arith.addi %mul3A_49, %get3A_46 : vector<16xi32>
      %swap3A_51 = arith.constant 16 : index
      %swap3A_52 = tpu.vector_load %arg11[%swap3A_51] {strides = array<i32>} : memref<128xi32, #tpu.memory_space<vmem>>, vector<16xi32>,
      %swap3A_53 = vector.shape_cast %swap3A_52 : vector<16xi32> to vector<16xi32>
      %swap3A_54 = vector.shape_cast %add3A_50 : vector<16xi32> to vector<16xi32>
      tpu.vector_store %arg11[%swap3A_51], %swap3A_54 {strides = array<i32>} : memref<128xi32, #tpu.memory_space<vmem>>, vector<16xi32>,
      %get3A_55 = arith.constant 0 : i32
      %get3A_56 = arith.index_cast %get3A_55 : i32 to index
      %get3A_57 = arith.constant 32 : index
      %get3A_58 = tpu.vector_load %arg8[%get3A_56, %get3A_57] {strides = array<i32>} : memref<40x128xi32, #tpu.memory_space<vmem>>, vector<1x16xi32>,
      %get3A_59 = vector.shape_cast %get3A_58 : vector<1x16xi32> to vector<16xi32>
      %get3A_60 = arith.constant 0 : i32
      %get3A_61 = arith.index_cast %get3A_60 : i32 to index
      %get3A_62 = arith.constant 32 : index
      %get3A_63 = tpu.vector_load %arg9[%get3A_61, %get3A_62] {strides = array<i32>} : memref<40x128xi32, #tpu.memory_space<vmem>>, vector<1x16xi32>,
      %get3A_64 = vector.shape_cast %get3A_63 : vector<1x16xi32> to vector<16xi32>
      %mul3A_65 = arith.constant 10000 : i32
      %mul3A_66 = vector.broadcast %mul3A_65 : i32 to vector<16xi32>
      %mul3A_67 = arith.muli %get3A_59, %mul3A_66 : vector<16xi32>
      %add3A_68 = arith.addi %mul3A_67, %get3A_64 : vector<16xi32>
      %swap3A_69 = arith.constant 32 : index
      %swap3A_70 = tpu.vector_load %arg11[%swap3A_69] {strides = array<i32>} : memref<128xi32, #tpu.memory_space<vmem>>, vector<16xi32>,
      %swap3A_71 = vector.shape_cast %swap3A_70 : vector<16xi32> to vector<16xi32>
      %swap3A_72 = vector.shape_cast %add3A_68 : vector<16xi32> to vector<16xi32>
      tpu.vector_store %arg11[%swap3A_69], %swap3A_72 {strides = array<i32>} : memref<128xi32, #tpu.memory_space<vmem>>, vector<16xi32>,
      %get3A_73 = arith.constant 0 : i32
      %get3A_74 = arith.index_cast %get3A_73 : i32 to index
      %get3A_75 = arith.constant 48 : index
      %get3A_76 = tpu.vector_load %arg8[%get3A_74, %get3A_75] {strides = array<i32>} : memref<40x128xi32, #tpu.memory_space<vmem>>, vector<1x16xi32>,
      %get3A_77 = vector.shape_cast %get3A_76 : vector<1x16xi32> to vector<16xi32>
      %get3A_78 = arith.constant 0 : i32
      %get3A_79 = arith.index_cast %get3A_78 : i32 to index
      %get3A_80 = arith.constant 48 : index
      %get3A_81 = tpu.vector_load %arg9[%get3A_79, %get3A_80] {strides = array<i32>} : memref<40x128xi32, #tpu.memory_space<vmem>>, vector<1x16xi32>,
      %get3A_82 = vector.shape_cast %get3A_81 : vector<1x16xi32> to vector<16xi32>
      %mul3A_83 = arith.constant 10000 : i32
      %mul3A_84 = vector.broadcast %mul3A_83 : i32 to vector<16xi32>
      %mul3A_85 = arith.muli %get3A_77, %mul3A_84 : vector<16xi32>
      %add3A_86 = arith.addi %mul3A_85, %get3A_82 : vector<16xi32>
      %swap3A_87 = arith.constant 48 : index
      %swap3A_88 = tpu.vector_load %arg11[%swap3A_87] {strides = array<i32>} : memref<128xi32, #tpu.memory_space<vmem>>, vector<16xi32>,
      %swap3A_89 = vector.shape_cast %swap3A_88 : vector<16xi32> to vector<16xi32>
      %swap3A_90 = vector.shape_cast %add3A_86 : vector<16xi32> to vector<16xi32>
      tpu.vector_store %arg11[%swap3A_87], %swap3A_90 {strides = array<i32>} : memref<128xi32, #tpu.memory_space<vmem>>, vector<16xi32>,
      %get3A_91 = arith.constant 0 : i32
      %get3A_92 = arith.index_cast %get3A_91 : i32 to index
      %get3A_93 = arith.constant 64 : index
      %get3A_94 = tpu.vector_load %arg8[%get3A_92, %get3A_93] {strides = array<i32>} : memref<40x128xi32, #tpu.memory_space<vmem>>, vector<1x16xi32>,
      %get3A_95 = vector.shape_cast %get3A_94 : vector<1x16xi32> to vector<16xi32>
      %get3A_96 = arith.constant 0 : i32
      %get3A_97 = arith.index_cast %get3A_96 : i32 to index
      %get3A_98 = arith.constant 64 : index
      %get3A_99 = tpu.vector_load %arg9[%get3A_97, %get3A_98] {strides = array<i32>} : memref<40x128xi32, #tpu.memory_space<vmem>>, vector<1x16xi32>,
      %get3A_100 = vector.shape_cast %get3A_99 : vector<1x16xi32> to vector<16xi32>
      %mul3A_101 = arith.constant 10000 : i32
      %mul3A_102 = vector.broadcast %mul3A_101 : i32 to vector<16xi32>
      %mul3A_103 = arith.muli %get3A_95, %mul3A_102 : vector<16xi32>
      %add3A_104 = arith.addi %mul3A_103, %get3A_100 : vector<16xi32>
      %swap3A_105 = arith.constant 64 : index
      %swap3A_106 = tpu.vector_load %arg11[%swap3A_105] {strides = array<i32>} : memref<128xi32, #tpu.memory_space<vmem>>, vector<16xi32>,
      %swap3A_107 = vector.shape_cast %swap3A_106 : vector<16xi32> to vector<16xi32>
      %swap3A_108 = vector.shape_cast %add3A_104 : vector<16xi32> to vector<16xi32>
      tpu.vector_store %arg11[%swap3A_105], %swap3A_108 {strides = array<i32>} : memref<128xi32, #tpu.memory_space<vmem>>, vector<16xi32>,
      %get3A_109 = arith.constant 0 : i32
      %get3A_110 = arith.index_cast %get3A_109 : i32 to index
      %get3A_111 = arith.constant 80 : index
      %get3A_112 = tpu.vector_load %arg8[%get3A_110, %get3A_111] {strides = array<i32>} : memref<40x128xi32, #tpu.memory_space<vmem>>, vector<1x16xi32>,
      %get3A_113 = vector.shape_cast %get3A_112 : vector<1x16xi32> to vector<16xi32>
      %get3A_114 = arith.constant 0 : i32
      %get3A_115 = arith.index_cast %get3A_114 : i32 to index
      %get3A_116 = arith.constant 80 : index
      %get3A_117 = tpu.vector_load %arg9[%get3A_115, %get3A_116] {strides = array<i32>} : memref<40x128xi32, #tpu.memory_space<vmem>>, vector<1x16xi32>,
      %get3A_118 = vector.shape_cast %get3A_117 : vector<1x16xi32> to vector<16xi32>
      %mul3A_119 = arith.constant 10000 : i32
      %mul3A_120 = vector.broadcast %mul3A_119 : i32 to vector<16xi32>
      %mul3A_121 = arith.muli %get3A_113, %mul3A_120 : vector<16xi32>
      %add3A_122 = arith.addi %mul3A_121, %get3A_118 : vector<16xi32>
      %swap3A_123 = arith.constant 80 : index
      %swap3A_124 = tpu.vector_load %arg11[%swap3A_123] {strides = array<i32>} : memref<128xi32, #tpu.memory_space<vmem>>, vector<16xi32>,
      %swap3A_125 = vector.shape_cast %swap3A_124 : vector<16xi32> to vector<16xi32>
      %swap3A_126 = vector.shape_cast %add3A_122 : vector<16xi32> to vector<16xi32>
      tpu.vector_store %arg11[%swap3A_123], %swap3A_126 {strides = array<i32>} : memref<128xi32, #tpu.memory_space<vmem>>, vector<16xi32>,
      %get3A_127 = arith.constant 0 : i32
      %get3A_128 = arith.index_cast %get3A_127 : i32 to index
      %get3A_129 = arith.constant 96 : index
      %get3A_130 = tpu.vector_load %arg8[%get3A_128, %get3A_129] {strides = array<i32>} : memref<40x128xi32, #tpu.memory_space<vmem>>, vector<1x16xi32>,
      %get3A_131 = vector.shape_cast %get3A_130 : vector<1x16xi32> to vector<16xi32>
      %get3A_132 = arith.constant 0 : i32
      %get3A_133 = arith.index_cast %get3A_132 : i32 to index
      %get3A_134 = arith.constant 96 : index
      %get3A_135 = tpu.vector_load %arg9[%get3A_133, %get3A_134] {strides = array<i32>} : memref<40x128xi32, #tpu.memory_space<vmem>>, vector<1x16xi32>,
      %get3A_136 = vector.shape_cast %get3A_135 : vector<1x16xi32> to vector<16xi32>
      %mul3A_137 = arith.constant 10000 : i32
      %mul3A_138 = vector.broadcast %mul3A_137 : i32 to vector<16xi32>
      %mul3A_139 = arith.muli %get3A_131, %mul3A_138 : vector<16xi32>
      %add3A_140 = arith.addi %mul3A_139, %get3A_136 : vector<16xi32>
      %swap3A_141 = arith.constant 96 : index
      %swap3A_142 = tpu.vector_load %arg11[%swap3A_141] {strides = array<i32>} : memref<128xi32, #tpu.memory_space<vmem>>, vector<16xi32>,
      %swap3A_143 = vector.shape_cast %swap3A_142 : vector<16xi32> to vector<16xi32>
      %swap3A_144 = vector.shape_cast %add3A_140 : vector<16xi32> to vector<16xi32>
      tpu.vector_store %arg11[%swap3A_141], %swap3A_144 {strides = array<i32>} : memref<128xi32, #tpu.memory_space<vmem>>, vector<16xi32>,
      %get3A_145 = arith.constant 0 : i32
      %get3A_146 = arith.index_cast %get3A_145 : i32 to index
      %get3A_147 = arith.constant 112 : index
      %get3A_148 = tpu.vector_load %arg8[%get3A_146, %get3A_147] {strides = array<i32>} : memref<40x128xi32, #tpu.memory_space<vmem>>, vector<1x16xi32>,
      %get3A_149 = vector.shape_cast %get3A_148 : vector<1x16xi32> to vector<16xi32>
      %get3A_150 = arith.constant 0 : i32
      %get3A_151 = arith.index_cast %get3A_150 : i32 to index
      %get3A_152 = arith.constant 112 : index
      %get3A_153 = tpu.vector_load %arg9[%get3A_151, %get3A_152] {strides = array<i32>} : memref<40x128xi32, #tpu.memory_space<vmem>>, vector<1x16xi32>,
      %get3A_154 = vector.shape_cast %get3A_153 : vector<1x16xi32> to vector<16xi32>
      %mul3A_155 = arith.constant 10000 : i32
      %mul3A_156 = vector.broadcast %mul3A_155 : i32 to vector<16xi32>
      %mul3A_157 = arith.muli %get3A_149, %mul3A_156 : vector<16xi32>
      %add3A_158 = arith.addi %mul3A_157, %get3A_154 : vector<16xi32>
      %swap3A_159 = arith.constant 112 : index
      %swap3A_160 = tpu.vector_load %arg11[%swap3A_159] {strides = array<i32>} : memref<128xi32, #tpu.memory_space<vmem>>, vector<16xi32>,
      %swap3A_161 = vector.shape_cast %swap3A_160 : vector<16xi32> to vector<16xi32>
      %swap3A_162 = vector.shape_cast %add3A_158 : vector<16xi32> to vector<16xi32>
      tpu.vector_store %arg11[%swap3A_159], %swap3A_162 {strides = array<i32>} : memref<128xi32, #tpu.memory_space<vmem>>, vector<16xi32>,
      %dma_start3A = arith.constant 0 : i32
      %dma_start3A_163 = arith.constant 0 : i32
      %dma_start3A_164 = tpu.memref_slice %arg2[%dma_start3A, %dma_start3A_163] : memref<90000x128xf32, #tpu.memory_space<hbm>> -> memref<90000x128xf32, #tpu.memory_space<hbm>>
      tpu.enqueue_indirect_dma source(%dma_start3A_164 : memref<90000x128xf32, #tpu.memory_space<hbm>>) target(%arg13 : memref<128x128xf32, #tpu.memory_space<vmem>>) offsets(%arg11 : memref<128xi32, #tpu.memory_space<vmem>>) semaphore(%arg16 : memref<!tpu.dma_semaphore, #tpu.memory_space<semaphore_mem>>)
      %scan3A_165 = arith.constant 0 : i32
      %scan3A_166 = arith.constant 0 : i32
      %scan3A_167 = arith.constant 20 : i32
      %scan3A_168 = arith.addi %scan3A_166, %scan3A_167 : i32
      %scan3A_169 = arith.constant 1 : i32
      scf.for %scan3A_173 = %scan3A_166 to %scan3A_168 step %scan3A_169  : i32 {
        %mul3A_174 = arith.constant 2 : i32
        %mul3A_175 = arith.muli %mul3A_174, %scan3A_173 : i32
        %add3A_176 = arith.constant 1 : i32
        %add3A_177 = arith.addi %mul3A_175, %add3A_176 : i32
        %add3A_178 = arith.constant 2 : i32
        %add3A_179 = arith.addi %mul3A_175, %add3A_178 : i32
        %min3A = arith.constant 39 : i32
        %min3A_180 = arith.minsi %add3A_179, %min3A : i32
        %get3A_181 = arith.index_cast %add3A_177 : i32 to index
        %get3A_182 = arith.constant 0 : index
        %get3A_183 = tpu.vector_load %arg8[%get3A_181, %get3A_182] {strides = array<i32>} : memref<40x128xi32, #tpu.memory_space<vmem>>, vector<1x16xi32>,
        %get3A_184 = vector.shape_cast %get3A_183 : vector<1x16xi32> to vector<16xi32>
        %get3A_185 = arith.index_cast %add3A_177 : i32 to index
        %get3A_186 = arith.constant 0 : index
        %get3A_187 = tpu.vector_load %arg9[%get3A_185, %get3A_186] {strides = array<i32>} : memref<40x128xi32, #tpu.memory_space<vmem>>, vector<1x16xi32>,
        %get3A_188 = vector.shape_cast %get3A_187 : vector<1x16xi32> to vector<16xi32>
        %mul3A_189 = arith.constant 10000 : i32
        %mul3A_190 = vector.broadcast %mul3A_189 : i32 to vector<16xi32>
        %mul3A_191 = arith.muli %get3A_184, %mul3A_190 : vector<16xi32>
        %add3A_192 = arith.addi %mul3A_191, %get3A_188 : vector<16xi32>
        %swap3A_193 = arith.constant 0 : index
        %swap3A_194 = tpu.vector_load %arg12[%swap3A_193] {strides = array<i32>} : memref<128xi32, #tpu.memory_space<vmem>>, vector<16xi32>,
        %swap3A_195 = vector.shape_cast %swap3A_194 : vector<16xi32> to vector<16xi32>
        %swap3A_196 = vector.shape_cast %add3A_192 : vector<16xi32> to vector<16xi32>
        tpu.vector_store %arg12[%swap3A_193], %swap3A_196 {strides = array<i32>} : memref<128xi32, #tpu.memory_space<vmem>>, vector<16xi32>,
        %get3A_197 = arith.index_cast %add3A_177 : i32 to index
        %get3A_198 = arith.constant 16 : index
        %get3A_199 = tpu.vector_load %arg8[%get3A_197, %get3A_198] {strides = array<i32>} : memref<40x128xi32, #tpu.memory_space<vmem>>, vector<1x16xi32>,
        %get3A_200 = vector.shape_cast %get3A_199 : vector<1x16xi32> to vector<16xi32>
        %get3A_201 = arith.index_cast %add3A_177 : i32 to index
        %get3A_202 = arith.constant 16 : index
        %get3A_203 = tpu.vector_load %arg9[%get3A_201, %get3A_202] {strides = array<i32>} : memref<40x128xi32, #tpu.memory_space<vmem>>, vector<1x16xi32>,
        %get3A_204 = vector.shape_cast %get3A_203 : vector<1x16xi32> to vector<16xi32>
        %mul3A_205 = arith.constant 10000 : i32
        %mul3A_206 = vector.broadcast %mul3A_205 : i32 to vector<16xi32>
        %mul3A_207 = arith.muli %get3A_200, %mul3A_206 : vector<16xi32>
        %add3A_208 = arith.addi %mul3A_207, %get3A_204 : vector<16xi32>
        %swap3A_209 = arith.constant 16 : index
        %swap3A_210 = tpu.vector_load %arg12[%swap3A_209] {strides = array<i32>} : memref<128xi32, #tpu.memory_space<vmem>>, vector<16xi32>,
        %swap3A_211 = vector.shape_cast %swap3A_210 : vector<16xi32> to vector<16xi32>
        %swap3A_212 = vector.shape_cast %add3A_208 : vector<16xi32> to vector<16xi32>
        tpu.vector_store %arg12[%swap3A_209], %swap3A_212 {strides = array<i32>} : memref<128xi32, #tpu.memory_space<vmem>>, vector<16xi32>,
        %get3A_213 = arith.index_cast %add3A_177 : i32 to index
        %get3A_214 = arith.constant 32 : index
        %get3A_215 = tpu.vector_load %arg8[%get3A_213, %get3A_214] {strides = array<i32>} : memref<40x128xi32, #tpu.memory_space<vmem>>, vector<1x16xi32>,
        %get3A_216 = vector.shape_cast %get3A_215 : vector<1x16xi32> to vector<16xi32>
        %get3A_217 = arith.index_cast %add3A_177 : i32 to index
        %get3A_218 = arith.constant 32 : index
        %get3A_219 = tpu.vector_load %arg9[%get3A_217, %get3A_218] {strides = array<i32>} : memref<40x128xi32, #tpu.memory_space<vmem>>, vector<1x16xi32>,
        %get3A_220 = vector.shape_cast %get3A_219 : vector<1x16xi32> to vector<16xi32>
        %mul3A_221 = arith.constant 10000 : i32
        %mul3A_222 = vector.broadcast %mul3A_221 : i32 to vector<16xi32>
        %mul3A_223 = arith.muli %get3A_216, %mul3A_222 : vector<16xi32>
        %add3A_224 = arith.addi %mul3A_223, %get3A_220 : vector<16xi32>
        %swap3A_225 = arith.constant 32 : index
        %swap3A_226 = tpu.vector_load %arg12[%swap3A_225] {strides = array<i32>} : memref<128xi32, #tpu.memory_space<vmem>>, vector<16xi32>,
        %swap3A_227 = vector.shape_cast %swap3A_226 : vector<16xi32> to vector<16xi32>
        %swap3A_228 = vector.shape_cast %add3A_224 : vector<16xi32> to vector<16xi32>
        tpu.vector_store %arg12[%swap3A_225], %swap3A_228 {strides = array<i32>} : memref<128xi32, #tpu.memory_space<vmem>>, vector<16xi32>,
        %get3A_229 = arith.index_cast %add3A_177 : i32 to index
        %get3A_230 = arith.constant 48 : index
        %get3A_231 = tpu.vector_load %arg8[%get3A_229, %get3A_230] {strides = array<i32>} : memref<40x128xi32, #tpu.memory_space<vmem>>, vector<1x16xi32>,
        %get3A_232 = vector.shape_cast %get3A_231 : vector<1x16xi32> to vector<16xi32>
        %get3A_233 = arith.index_cast %add3A_177 : i32 to index
        %get3A_234 = arith.constant 48 : index
        %get3A_235 = tpu.vector_load %arg9[%get3A_233, %get3A_234] {strides = array<i32>} : memref<40x128xi32, #tpu.memory_space<vmem>>, vector<1x16xi32>,
        %get3A_236 = vector.shape_cast %get3A_235 : vector<1x16xi32> to vector<16xi32>
        %mul3A_237 = arith.constant 10000 : i32
        %mul3A_238 = vector.broadcast %mul3A_237 : i32 to vector<16xi32>
        %mul3A_239 = arith.muli %get3A_232, %mul3A_238 : vector<16xi32>
        %add3A_240 = arith.addi %mul3A_239, %get3A_236 : vector<16xi32>
        %swap3A_241 = arith.constant 48 : index
        %swap3A_242 = tpu.vector_load %arg12[%swap3A_241] {strides = array<i32>} : memref<128xi32, #tpu.memory_space<vmem>>, vector<16xi32>,
        %swap3A_243 = vector.shape_cast %swap3A_242 : vector<16xi32> to vector<16xi32>
        %swap3A_244 = vector.shape_cast %add3A_240 : vector<16xi32> to vector<16xi32>
        tpu.vector_store %arg12[%swap3A_241], %swap3A_244 {strides = array<i32>} : memref<128xi32, #tpu.memory_space<vmem>>, vector<16xi32>,
        %get3A_245 = arith.index_cast %add3A_177 : i32 to index
        %get3A_246 = arith.constant 64 : index
        %get3A_247 = tpu.vector_load %arg8[%get3A_245, %get3A_246] {strides = array<i32>} : memref<40x128xi32, #tpu.memory_space<vmem>>, vector<1x16xi32>,
        %get3A_248 = vector.shape_cast %get3A_247 : vector<1x16xi32> to vector<16xi32>
        %get3A_249 = arith.index_cast %add3A_177 : i32 to index
        %get3A_250 = arith.constant 64 : index
        %get3A_251 = tpu.vector_load %arg9[%get3A_249, %get3A_250] {strides = array<i32>} : memref<40x128xi32, #tpu.memory_space<vmem>>, vector<1x16xi32>,
        %get3A_252 = vector.shape_cast %get3A_251 : vector<1x16xi32> to vector<16xi32>
        %mul3A_253 = arith.constant 10000 : i32
        %mul3A_254 = vector.broadcast %mul3A_253 : i32 to vector<16xi32>
        %mul3A_255 = arith.muli %get3A_248, %mul3A_254 : vector<16xi32>
        %add3A_256 = arith.addi %mul3A_255, %get3A_252 : vector<16xi32>
        %swap3A_257 = arith.constant 64 : index
        %swap3A_258 = tpu.vector_load %arg12[%swap3A_257] {strides = array<i32>} : memref<128xi32, #tpu.memory_space<vmem>>, vector<16xi32>,
        %swap3A_259 = vector.shape_cast %swap3A_258 : vector<16xi32> to vector<16xi32>
        %swap3A_260 = vector.shape_cast %add3A_256 : vector<16xi32> to vector<16xi32>
        tpu.vector_store %arg12[%swap3A_257], %swap3A_260 {strides = array<i32>} : memref<128xi32, #tpu.memory_space<vmem>>, vector<16xi32>,
        %get3A_261 = arith.index_cast %add3A_177 : i32 to index
        %get3A_262 = arith.constant 80 : index
        %get3A_263 = tpu.vector_load %arg8[%get3A_261, %get3A_262] {strides = array<i32>} : memref<40x128xi32, #tpu.memory_space<vmem>>, vector<1x16xi32>,
        %get3A_264 = vector.shape_cast %get3A_263 : vector<1x16xi32> to vector<16xi32>
        %get3A_265 = arith.index_cast %add3A_177 : i32 to index
        %get3A_266 = arith.constant 80 : index
        %get3A_267 = tpu.vector_load %arg9[%get3A_265, %get3A_266] {strides = array<i32>} : memref<40x128xi32, #tpu.memory_space<vmem>>, vector<1x16xi32>,
        %get3A_268 = vector.shape_cast %get3A_267 : vector<1x16xi32> to vector<16xi32>
        %mul3A_269 = arith.constant 10000 : i32
        %mul3A_270 = vector.broadcast %mul3A_269 : i32 to vector<16xi32>
        %mul3A_271 = arith.muli %get3A_264, %mul3A_270 : vector<16xi32>
        %add3A_272 = arith.addi %mul3A_271, %get3A_268 : vector<16xi32>
        %swap3A_273 = arith.constant 80 : index
        %swap3A_274 = tpu.vector_load %arg12[%swap3A_273] {strides = array<i32>} : memref<128xi32, #tpu.memory_space<vmem>>, vector<16xi32>,
        %swap3A_275 = vector.shape_cast %swap3A_274 : vector<16xi32> to vector<16xi32>
        %swap3A_276 = vector.shape_cast %add3A_272 : vector<16xi32> to vector<16xi32>
        tpu.vector_store %arg12[%swap3A_273], %swap3A_276 {strides = array<i32>} : memref<128xi32, #tpu.memory_space<vmem>>, vector<16xi32>,
        %get3A_277 = arith.index_cast %add3A_177 : i32 to index
        %get3A_278 = arith.constant 96 : index
        %get3A_279 = tpu.vector_load %arg8[%get3A_277, %get3A_278] {strides = array<i32>} : memref<40x128xi32, #tpu.memory_space<vmem>>, vector<1x16xi32>,
        %get3A_280 = vector.shape_cast %get3A_279 : vector<1x16xi32> to vector<16xi32>
        %get3A_281 = arith.index_cast %add3A_177 : i32 to index
        %get3A_282 = arith.constant 96 : index
        %get3A_283 = tpu.vector_load %arg9[%get3A_281, %get3A_282] {strides = array<i32>} : memref<40x128xi32, #tpu.memory_space<vmem>>, vector<1x16xi32>,
        %get3A_284 = vector.shape_cast %get3A_283 : vector<1x16xi32> to vector<16xi32>
        %mul3A_285 = arith.constant 10000 : i32
        %mul3A_286 = vector.broadcast %mul3A_285 : i32 to vector<16xi32>
        %mul3A_287 = arith.muli %get3A_280, %mul3A_286 : vector<16xi32>
        %add3A_288 = arith.addi %mul3A_287, %get3A_284 : vector<16xi32>
        %swap3A_289 = arith.constant 96 : index
        %swap3A_290 = tpu.vector_load %arg12[%swap3A_289] {strides = array<i32>} : memref<128xi32, #tpu.memory_space<vmem>>, vector<16xi32>,
        %swap3A_291 = vector.shape_cast %swap3A_290 : vector<16xi32> to vector<16xi32>
        %swap3A_292 = vector.shape_cast %add3A_288 : vector<16xi32> to vector<16xi32>
        tpu.vector_store %arg12[%swap3A_289], %swap3A_292 {strides = array<i32>} : memref<128xi32, #tpu.memory_space<vmem>>, vector<16xi32>,
        %get3A_293 = arith.index_cast %add3A_177 : i32 to index
        %get3A_294 = arith.constant 112 : index
        %get3A_295 = tpu.vector_load %arg8[%get3A_293, %get3A_294] {strides = array<i32>} : memref<40x128xi32, #tpu.memory_space<vmem>>, vector<1x16xi32>,
        %get3A_296 = vector.shape_cast %get3A_295 : vector<1x16xi32> to vector<16xi32>
        %get3A_297 = arith.index_cast %add3A_177 : i32 to index
        %get3A_298 = arith.constant 112 : index
        %get3A_299 = tpu.vector_load %arg9[%get3A_297, %get3A_298] {strides = array<i32>} : memref<40x128xi32, #tpu.memory_space<vmem>>, vector<1x16xi32>,
        %get3A_300 = vector.shape_cast %get3A_299 : vector<1x16xi32> to vector<16xi32>
        %mul3A_301 = arith.constant 10000 : i32
        %mul3A_302 = vector.broadcast %mul3A_301 : i32 to vector<16xi32>
        %mul3A_303 = arith.muli %get3A_296, %mul3A_302 : vector<16xi32>
        %add3A_304 = arith.addi %mul3A_303, %get3A_300 : vector<16xi32>
        %swap3A_305 = arith.constant 112 : index
        %swap3A_306 = tpu.vector_load %arg12[%swap3A_305] {strides = array<i32>} : memref<128xi32, #tpu.memory_space<vmem>>, vector<16xi32>,
        %swap3A_307 = vector.shape_cast %swap3A_306 : vector<16xi32> to vector<16xi32>
        %swap3A_308 = vector.shape_cast %add3A_304 : vector<16xi32> to vector<16xi32>
        tpu.vector_store %arg12[%swap3A_305], %swap3A_308 {strides = array<i32>} : memref<128xi32, #tpu.memory_space<vmem>>, vector<16xi32>,
        %dma_start3A_309 = arith.constant 0 : i32
        %dma_start3A_310 = arith.constant 0 : i32
        %dma_start3A_311 = tpu.memref_slice %arg2[%dma_start3A_309, %dma_start3A_310] : memref<90000x128xf32, #tpu.memory_space<hbm>> -> memref<90000x128xf32, #tpu.memory_space<hbm>>
        tpu.enqueue_indirect_dma source(%dma_start3A_311 : memref<90000x128xf32, #tpu.memory_space<hbm>>) target(%arg14 : memref<128x128xf32, #tpu.memory_space<vmem>>) offsets(%arg12 : memref<128xi32, #tpu.memory_space<vmem>>) semaphore(%arg17 : memref<!tpu.dma_semaphore, #tpu.memory_space<semaphore_mem>>)
        %dma_wait3A_312 = arith.constant 0 : i32
        %dma_wait3A_313 = arith.constant 0 : i32
        %dma_wait3A_314 = tpu.memref_slice %arg2[%dma_wait3A_312, %dma_wait3A_313] : memref<90000x128xf32, #tpu.memory_space<hbm>> -> memref<90000x128xf32, #tpu.memory_space<hbm>>
        tpu.wait_indirect_dma semaphore(%arg16 : memref<!tpu.dma_semaphore, #tpu.memory_space<semaphore_mem>>) src(%dma_wait3A_314 : memref<90000x128xf32, #tpu.memory_space<hbm>>) dst(%arg13 : memref<128x128xf32, #tpu.memory_space<vmem>>)
        "tpu.region"() ({
          %run_scoped3A = tpu.sem_alloc : memref<!tpu.dma_semaphore, #tpu.memory_space<semaphore_mem>>
          %dma_start3A_449 = arith.constant 0 : i32
          %dma_start3A_450 = tpu.memref_slice %arg10[%mul3A_175, %dma_start3A_449] : memref<40x128xi32, #tpu.memory_space<vmem>> -> memref<1x128xi32, #tpu.memory_space<vmem>>
          %dma_start3A_451 = tpu.memref_squeeze %dma_start3A_450 : memref<1x128xi32, #tpu.memory_space<vmem>> -> memref<128xi32, #tpu.memory_space<vmem>>
          %dma_start3A_452 = arith.constant 0 : i32
          %dma_start3A_453 = arith.constant 0 : i32
          %dma_start3A_454 = tpu.memref_slice %arg15[%dma_start3A_452, %dma_start3A_453] : memref<10240x128xf32, #tpu.memory_space<vmem_shared>> -> memref<10240x128xf32, #tpu.memory_space<vmem_shared>>
          tpu.enqueue_indirect_dma source(%arg13 : memref<128x128xf32, #tpu.memory_space<vmem>>) target(%dma_start3A_454 : memref<10240x128xf32, #tpu.memory_space<vmem_shared>>) offsets(%dma_start3A_451 : memref<128xi32, #tpu.memory_space<vmem>>) semaphore(%run_scoped3A : memref<!tpu.dma_semaphore, #tpu.memory_space<semaphore_mem>>) {add = true}
          %dma_wait3A_455 = arith.constant 0 : i32
          %dma_wait3A_456 = tpu.memref_slice %arg10[%mul3A_175, %dma_wait3A_455] : memref<40x128xi32, #tpu.memory_space<vmem>> -> memref<1x128xi32, #tpu.memory_space<vmem>>
          %dma_wait3A_457 = tpu.memref_squeeze %dma_wait3A_456 : memref<1x128xi32, #tpu.memory_space<vmem>> -> memref<128xi32, #tpu.memory_space<vmem>>
          %dma_wait3A_458 = arith.constant 0 : i32
          %dma_wait3A_459 = arith.constant 0 : i32
          %dma_wait3A_460 = tpu.memref_slice %arg15[%dma_wait3A_458, %dma_wait3A_459] : memref<10240x128xf32, #tpu.memory_space<vmem_shared>> -> memref<10240x128xf32, #tpu.memory_space<vmem_shared>>
          tpu.wait_indirect_dma semaphore(%run_scoped3A : memref<!tpu.dma_semaphore, #tpu.memory_space<semaphore_mem>>) src(%arg13 : memref<128x128xf32, #tpu.memory_space<vmem>>) dst(%dma_wait3A_460 : memref<10240x128xf32, #tpu.memory_space<vmem_shared>>)
          tpu.yield
        }) : () -> ()
        %get3A_315 = arith.index_cast %min3A_180 : i32 to index
        %get3A_316 = arith.constant 0 : index
        %get3A_317 = tpu.vector_load %arg8[%get3A_315, %get3A_316] {strides = array<i32>} : memref<40x128xi32, #tpu.memory_space<vmem>>, vector<1x16xi32>,
        %get3A_318 = vector.shape_cast %get3A_317 : vector<1x16xi32> to vector<16xi32>
        %get3A_319 = arith.index_cast %min3A_180 : i32 to index
        %get3A_320 = arith.constant 0 : index
        %get3A_321 = tpu.vector_load %arg9[%get3A_319, %get3A_320] {strides = array<i32>} : memref<40x128xi32, #tpu.memory_space<vmem>>, vector<1x16xi32>,
        %get3A_322 = vector.shape_cast %get3A_321 : vector<1x16xi32> to vector<16xi32>
        %mul3A_323 = arith.constant 10000 : i32
        %mul3A_324 = vector.broadcast %mul3A_323 : i32 to vector<16xi32>
        %mul3A_325 = arith.muli %get3A_318, %mul3A_324 : vector<16xi32>
        %add3A_326 = arith.addi %mul3A_325, %get3A_322 : vector<16xi32>
        %swap3A_327 = arith.constant 0 : index
        %swap3A_328 = tpu.vector_load %arg11[%swap3A_327] {strides = array<i32>} : memref<128xi32, #tpu.memory_space<vmem>>, vector<16xi32>,
        %swap3A_329 = vector.shape_cast %swap3A_328 : vector<16xi32> to vector<16xi32>
        %swap3A_330 = vector.shape_cast %add3A_326 : vector<16xi32> to vector<16xi32>
        tpu.vector_store %arg11[%swap3A_327], %swap3A_330 {strides = array<i32>} : memref<128xi32, #tpu.memory_space<vmem>>, vector<16xi32>,
        %get3A_331 = arith.index_cast %min3A_180 : i32 to index
        %get3A_332 = arith.constant 16 : index
        %get3A_333 = tpu.vector_load %arg8[%get3A_331, %get3A_332] {strides = array<i32>} : memref<40x128xi32, #tpu.memory_space<vmem>>, vector<1x16xi32>,
        %get3A_334 = vector.shape_cast %get3A_333 : vector<1x16xi32> to vector<16xi32>
        %get3A_335 = arith.index_cast %min3A_180 : i32 to index
        %get3A_336 = arith.constant 16 : index
        %get3A_337 = tpu.vector_load %arg9[%get3A_335, %get3A_336] {strides = array<i32>} : memref<40x128xi32, #tpu.memory_space<vmem>>, vector<1x16xi32>,
        %get3A_338 = vector.shape_cast %get3A_337 : vector<1x16xi32> to vector<16xi32>
        %mul3A_339 = arith.constant 10000 : i32
        %mul3A_340 = vector.broadcast %mul3A_339 : i32 to vector<16xi32>
        %mul3A_341 = arith.muli %get3A_334, %mul3A_340 : vector<16xi32>
        %add3A_342 = arith.addi %mul3A_341, %get3A_338 : vector<16xi32>
        %swap3A_343 = arith.constant 16 : index
        %swap3A_344 = tpu.vector_load %arg11[%swap3A_343] {strides = array<i32>} : memref<128xi32, #tpu.memory_space<vmem>>, vector<16xi32>,
        %swap3A_345 = vector.shape_cast %swap3A_344 : vector<16xi32> to vector<16xi32>
        %swap3A_346 = vector.shape_cast %add3A_342 : vector<16xi32> to vector<16xi32>
        tpu.vector_store %arg11[%swap3A_343], %swap3A_346 {strides = array<i32>} : memref<128xi32, #tpu.memory_space<vmem>>, vector<16xi32>,
        %get3A_347 = arith.index_cast %min3A_180 : i32 to index
        %get3A_348 = arith.constant 32 : index
        %get3A_349 = tpu.vector_load %arg8[%get3A_347, %get3A_348] {strides = array<i32>} : memref<40x128xi32, #tpu.memory_space<vmem>>, vector<1x16xi32>,
        %get3A_350 = vector.shape_cast %get3A_349 : vector<1x16xi32> to vector<16xi32>
        %get3A_351 = arith.index_cast %min3A_180 : i32 to index
        %get3A_352 = arith.constant 32 : index
        %get3A_353 = tpu.vector_load %arg9[%get3A_351, %get3A_352] {strides = array<i32>} : memref<40x128xi32, #tpu.memory_space<vmem>>, vector<1x16xi32>,
        %get3A_354 = vector.shape_cast %get3A_353 : vector<1x16xi32> to vector<16xi32>
        %mul3A_355 = arith.constant 10000 : i32
        %mul3A_356 = vector.broadcast %mul3A_355 : i32 to vector<16xi32>
        %mul3A_357 = arith.muli %get3A_350, %mul3A_356 : vector<16xi32>
        %add3A_358 = arith.addi %mul3A_357, %get3A_354 : vector<16xi32>
        %swap3A_359 = arith.constant 32 : index
        %swap3A_360 = tpu.vector_load %arg11[%swap3A_359] {strides = array<i32>} : memref<128xi32, #tpu.memory_space<vmem>>, vector<16xi32>,
        %swap3A_361 = vector.shape_cast %swap3A_360 : vector<16xi32> to vector<16xi32>
        %swap3A_362 = vector.shape_cast %add3A_358 : vector<16xi32> to vector<16xi32>
        tpu.vector_store %arg11[%swap3A_359], %swap3A_362 {strides = array<i32>} : memref<128xi32, #tpu.memory_space<vmem>>, vector<16xi32>,
        %get3A_363 = arith.index_cast %min3A_180 : i32 to index
        %get3A_364 = arith.constant 48 : index
        %get3A_365 = tpu.vector_load %arg8[%get3A_363, %get3A_364] {strides = array<i32>} : memref<40x128xi32, #tpu.memory_space<vmem>>, vector<1x16xi32>,
        %get3A_366 = vector.shape_cast %get3A_365 : vector<1x16xi32> to vector<16xi32>
        %get3A_367 = arith.index_cast %min3A_180 : i32 to index
        %get3A_368 = arith.constant 48 : index
        %get3A_369 = tpu.vector_load %arg9[%get3A_367, %get3A_368] {strides = array<i32>} : memref<40x128xi32, #tpu.memory_space<vmem>>, vector<1x16xi32>,
        %get3A_370 = vector.shape_cast %get3A_369 : vector<1x16xi32> to vector<16xi32>
        %mul3A_371 = arith.constant 10000 : i32
        %mul3A_372 = vector.broadcast %mul3A_371 : i32 to vector<16xi32>
        %mul3A_373 = arith.muli %get3A_366, %mul3A_372 : vector<16xi32>
        %add3A_374 = arith.addi %mul3A_373, %get3A_370 : vector<16xi32>
        %swap3A_375 = arith.constant 48 : index
        %swap3A_376 = tpu.vector_load %arg11[%swap3A_375] {strides = array<i32>} : memref<128xi32, #tpu.memory_space<vmem>>, vector<16xi32>,
        %swap3A_377 = vector.shape_cast %swap3A_376 : vector<16xi32> to vector<16xi32>
        %swap3A_378 = vector.shape_cast %add3A_374 : vector<16xi32> to vector<16xi32>
        tpu.vector_store %arg11[%swap3A_375], %swap3A_378 {strides = array<i32>} : memref<128xi32, #tpu.memory_space<vmem>>, vector<16xi32>,
        %get3A_379 = arith.index_cast %min3A_180 : i32 to index
        %get3A_380 = arith.constant 64 : index
        %get3A_381 = tpu.vector_load %arg8[%get3A_379, %get3A_380] {strides = array<i32>} : memref<40x128xi32, #tpu.memory_space<vmem>>, vector<1x16xi32>,
        %get3A_382 = vector.shape_cast %get3A_381 : vector<1x16xi32> to vector<16xi32>
        %get3A_383 = arith.index_cast %min3A_180 : i32 to index
        %get3A_384 = arith.constant 64 : index
        %get3A_385 = tpu.vector_load %arg9[%get3A_383, %get3A_384] {strides = array<i32>} : memref<40x128xi32, #tpu.memory_space<vmem>>, vector<1x16xi32>,
        %get3A_386 = vector.shape_cast %get3A_385 : vector<1x16xi32> to vector<16xi32>
        %mul3A_387 = arith.constant 10000 : i32
        %mul3A_388 = vector.broadcast %mul3A_387 : i32 to vector<16xi32>
        %mul3A_389 = arith.muli %get3A_382, %mul3A_388 : vector<16xi32>
        %add3A_390 = arith.addi %mul3A_389, %get3A_386 : vector<16xi32>
        %swap3A_391 = arith.constant 64 : index
        %swap3A_392 = tpu.vector_load %arg11[%swap3A_391] {strides = array<i32>} : memref<128xi32, #tpu.memory_space<vmem>>, vector<16xi32>,
        %swap3A_393 = vector.shape_cast %swap3A_392 : vector<16xi32> to vector<16xi32>
        %swap3A_394 = vector.shape_cast %add3A_390 : vector<16xi32> to vector<16xi32>
        tpu.vector_store %arg11[%swap3A_391], %swap3A_394 {strides = array<i32>} : memref<128xi32, #tpu.memory_space<vmem>>, vector<16xi32>,
        %get3A_395 = arith.index_cast %min3A_180 : i32 to index
        %get3A_396 = arith.constant 80 : index
        %get3A_397 = tpu.vector_load %arg8[%get3A_395, %get3A_396] {strides = array<i32>} : memref<40x128xi32, #tpu.memory_space<vmem>>, vector<1x16xi32>,
        %get3A_398 = vector.shape_cast %get3A_397 : vector<1x16xi32> to vector<16xi32>
        %get3A_399 = arith.index_cast %min3A_180 : i32 to index
        %get3A_400 = arith.constant 80 : index
        %get3A_401 = tpu.vector_load %arg9[%get3A_399, %get3A_400] {strides = array<i32>} : memref<40x128xi32, #tpu.memory_space<vmem>>, vector<1x16xi32>,
        %get3A_402 = vector.shape_cast %get3A_401 : vector<1x16xi32> to vector<16xi32>
        %mul3A_403 = arith.constant 10000 : i32
        %mul3A_404 = vector.broadcast %mul3A_403 : i32 to vector<16xi32>
        %mul3A_405 = arith.muli %get3A_398, %mul3A_404 : vector<16xi32>
        %add3A_406 = arith.addi %mul3A_405, %get3A_402 : vector<16xi32>
        %swap3A_407 = arith.constant 80 : index
        %swap3A_408 = tpu.vector_load %arg11[%swap3A_407] {strides = array<i32>} : memref<128xi32, #tpu.memory_space<vmem>>, vector<16xi32>,
        %swap3A_409 = vector.shape_cast %swap3A_408 : vector<16xi32> to vector<16xi32>
        %swap3A_410 = vector.shape_cast %add3A_406 : vector<16xi32> to vector<16xi32>
        tpu.vector_store %arg11[%swap3A_407], %swap3A_410 {strides = array<i32>} : memref<128xi32, #tpu.memory_space<vmem>>, vector<16xi32>,
        %get3A_411 = arith.index_cast %min3A_180 : i32 to index
        %get3A_412 = arith.constant 96 : index
        %get3A_413 = tpu.vector_load %arg8[%get3A_411, %get3A_412] {strides = array<i32>} : memref<40x128xi32, #tpu.memory_space<vmem>>, vector<1x16xi32>,
        %get3A_414 = vector.shape_cast %get3A_413 : vector<1x16xi32> to vector<16xi32>
        %get3A_415 = arith.index_cast %min3A_180 : i32 to index
        %get3A_416 = arith.constant 96 : index
        %get3A_417 = tpu.vector_load %arg9[%get3A_415, %get3A_416] {strides = array<i32>} : memref<40x128xi32, #tpu.memory_space<vmem>>, vector<1x16xi32>,
        %get3A_418 = vector.shape_cast %get3A_417 : vector<1x16xi32> to vector<16xi32>
        %mul3A_419 = arith.constant 10000 : i32
        %mul3A_420 = vector.broadcast %mul3A_419 : i32 to vector<16xi32>
        %mul3A_421 = arith.muli %get3A_414, %mul3A_420 : vector<16xi32>
        %add3A_422 = arith.addi %mul3A_421, %get3A_418 : vector<16xi32>
        %swap3A_423 = arith.constant 96 : index
        %swap3A_424 = tpu.vector_load %arg11[%swap3A_423] {strides = array<i32>} : memref<128xi32, #tpu.memory_space<vmem>>, vector<16xi32>,
        %swap3A_425 = vector.shape_cast %swap3A_424 : vector<16xi32> to vector<16xi32>
        %swap3A_426 = vector.shape_cast %add3A_422 : vector<16xi32> to vector<16xi32>
        tpu.vector_store %arg11[%swap3A_423], %swap3A_426 {strides = array<i32>} : memref<128xi32, #tpu.memory_space<vmem>>, vector<16xi32>,
        %get3A_427 = arith.index_cast %min3A_180 : i32 to index
        %get3A_428 = arith.constant 112 : index
        %get3A_429 = tpu.vector_load %arg8[%get3A_427, %get3A_428] {strides = array<i32>} : memref<40x128xi32, #tpu.memory_space<vmem>>, vector<1x16xi32>,
        %get3A_430 = vector.shape_cast %get3A_429 : vector<1x16xi32> to vector<16xi32>
        %get3A_431 = arith.index_cast %min3A_180 : i32 to index
        %get3A_432 = arith.constant 112 : index
        %get3A_433 = tpu.vector_load %arg9[%get3A_431, %get3A_432] {strides = array<i32>} : memref<40x128xi32, #tpu.memory_space<vmem>>, vector<1x16xi32>,
        %get3A_434 = vector.shape_cast %get3A_433 : vector<1x16xi32> to vector<16xi32>
        %mul3A_435 = arith.constant 10000 : i32
        %mul3A_436 = vector.broadcast %mul3A_435 : i32 to vector<16xi32>
        %mul3A_437 = arith.muli %get3A_430, %mul3A_436 : vector<16xi32>
        %add3A_438 = arith.addi %mul3A_437, %get3A_434 : vector<16xi32>
        %swap3A_439 = arith.constant 112 : index
        %swap3A_440 = tpu.vector_load %arg11[%swap3A_439] {strides = array<i32>} : memref<128xi32, #tpu.memory_space<vmem>>, vector<16xi32>,
        %swap3A_441 = vector.shape_cast %swap3A_440 : vector<16xi32> to vector<16xi32>
        %swap3A_442 = vector.shape_cast %add3A_438 : vector<16xi32> to vector<16xi32>
        tpu.vector_store %arg11[%swap3A_439], %swap3A_442 {strides = array<i32>} : memref<128xi32, #tpu.memory_space<vmem>>, vector<16xi32>,
        %dma_start3A_443 = arith.constant 0 : i32
        %dma_start3A_444 = arith.constant 0 : i32
        %dma_start3A_445 = tpu.memref_slice %arg2[%dma_start3A_443, %dma_start3A_444] : memref<90000x128xf32, #tpu.memory_space<hbm>> -> memref<90000x128xf32, #tpu.memory_space<hbm>>
        tpu.enqueue_indirect_dma source(%dma_start3A_445 : memref<90000x128xf32, #tpu.memory_space<hbm>>) target(%arg13 : memref<128x128xf32, #tpu.memory_space<vmem>>) offsets(%arg11 : memref<128xi32, #tpu.memory_space<vmem>>) semaphore(%arg16 : memref<!tpu.dma_semaphore, #tpu.memory_space<semaphore_mem>>)
        %dma_wait3A_446 = arith.constant 0 : i32
        %dma_wait3A_447 = arith.constant 0 : i32
        %dma_wait3A_448 = tpu.memref_slice %arg2[%dma_wait3A_446, %dma_wait3A_447] : memref<90000x128xf32, #tpu.memory_space<hbm>> -> memref<90000x128xf32, #tpu.memory_space<hbm>>
        tpu.wait_indirect_dma semaphore(%arg17 : memref<!tpu.dma_semaphore, #tpu.memory_space<semaphore_mem>>) src(%dma_wait3A_448 : memref<90000x128xf32, #tpu.memory_space<hbm>>) dst(%arg14 : memref<128x128xf32, #tpu.memory_space<vmem>>)
        "tpu.region"() ({
          %run_scoped3A = tpu.sem_alloc : memref<!tpu.dma_semaphore, #tpu.memory_space<semaphore_mem>>
          %dma_start3A_449 = arith.constant 0 : i32
          %dma_start3A_450 = tpu.memref_slice %arg10[%add3A_177, %dma_start3A_449] : memref<40x128xi32, #tpu.memory_space<vmem>> -> memref<1x128xi32, #tpu.memory_space<vmem>>
          %dma_start3A_451 = tpu.memref_squeeze %dma_start3A_450 : memref<1x128xi32, #tpu.memory_space<vmem>> -> memref<128xi32, #tpu.memory_space<vmem>>
          %dma_start3A_452 = arith.constant 0 : i32
          %dma_start3A_453 = arith.constant 0 : i32
          %dma_start3A_454 = tpu.memref_slice %arg15[%dma_start3A_452, %dma_start3A_453] : memref<10240x128xf32, #tpu.memory_space<vmem_shared>> -> memref<10240x128xf32, #tpu.memory_space<vmem_shared>>
          tpu.enqueue_indirect_dma source(%arg14 : memref<128x128xf32, #tpu.memory_space<vmem>>) target(%dma_start3A_454 : memref<10240x128xf32, #tpu.memory_space<vmem_shared>>) offsets(%dma_start3A_451 : memref<128xi32, #tpu.memory_space<vmem>>) semaphore(%run_scoped3A : memref<!tpu.dma_semaphore, #tpu.memory_space<semaphore_mem>>) {add = true}
          %dma_wait3A_455 = arith.constant 0 : i32
          %dma_wait3A_456 = tpu.memref_slice %arg10[%add3A_177, %dma_wait3A_455] : memref<40x128xi32, #tpu.memory_space<vmem>> -> memref<1x128xi32, #tpu.memory_space<vmem>>
          %dma_wait3A_457 = tpu.memref_squeeze %dma_wait3A_456 : memref<1x128xi32, #tpu.memory_space<vmem>> -> memref<128xi32, #tpu.memory_space<vmem>>
          %dma_wait3A_458 = arith.constant 0 : i32
          %dma_wait3A_459 = arith.constant 0 : i32
          %dma_wait3A_460 = tpu.memref_slice %arg15[%dma_wait3A_458, %dma_wait3A_459] : memref<10240x128xf32, #tpu.memory_space<vmem_shared>> -> memref<10240x128xf32, #tpu.memory_space<vmem_shared>>
          tpu.wait_indirect_dma semaphore(%run_scoped3A : memref<!tpu.dma_semaphore, #tpu.memory_space<semaphore_mem>>) src(%arg14 : memref<128x128xf32, #tpu.memory_space<vmem>>) dst(%dma_wait3A_460 : memref<10240x128xf32, #tpu.memory_space<vmem_shared>>)
          tpu.yield
        }) : () -> ()
      }
      %scan3A_170 = arith.constant 20 : i32
      %dma_wait3A = arith.constant 0 : i32
      %dma_wait3A_171 = arith.constant 0 : i32
      %dma_wait3A_172 = tpu.memref_slice %arg2[%dma_wait3A, %dma_wait3A_171] : memref<90000x128xf32, #tpu.memory_space<hbm>> -> memref<90000x128xf32, #tpu.memory_space<hbm>>
      tpu.wait_indirect_dma semaphore(%arg16 : memref<!tpu.dma_semaphore, #tpu.memory_space<semaphore_mem>>) src(%dma_wait3A_172 : memref<90000x128xf32, #tpu.memory_space<hbm>>) dst(%arg13 : memref<128x128xf32, #tpu.memory_space<vmem>>)
    }
    %scan3A_9 = arith.constant 2 : i32
    %barrier3A_10 = arith.constant 0 : index
    tpu.barrier barrier_id(%barrier3A_10)
    %lt3A = arith.constant 15 : i32
    %lt3A_11 = arith.cmpi slt, %arg1, %lt3A : i32
    %convert_element_type3A = arith.extui %lt3A_11 : i1 to i32
    %cond3A = arith.constant 0 : i32
    %cond3A_12 = arith.cmpi ne, %convert_element_type3A, %cond3A : i32
    scf.if %cond3A_12 {
      %mul3A_17 = arith.constant 640 : i32
      %mul3A_18 = arith.muli %arg1, %mul3A_17 : i32
      %mul3A_19 = arith.constant 640 : i32
      %mul3A_20 = arith.muli %arg1, %mul3A_19 : i32
      "tpu.region"() ({
        %run_scoped3A = tpu.sem_alloc : memref<!tpu.dma_semaphore, #tpu.memory_space<semaphore_mem>>
        %dma_start3A = arith.constant 0 : i32
        %dma_start3A_21 = tpu.memref_slice %arg7[%arg0, %mul3A_20, %dma_start3A] : memref<2x10000x128xf32, #tpu.memory_space<hbm>> -> memref<1x640x128xf32, #tpu.memory_space<hbm>>
        %dma_start3A_22 = tpu.memref_squeeze %dma_start3A_21 : memref<1x640x128xf32, #tpu.memory_space<hbm>> -> memref<640x128xf32, #tpu.memory_space<hbm>>
        %dma_start3A_23 = arith.constant 0 : i32
        %dma_start3A_24 = tpu.memref_slice %arg15[%mul3A_18, %dma_start3A_23] : memref<10240x128xf32, #tpu.memory_space<vmem_shared>> -> memref<640x128xf32, #tpu.memory_space<vmem_shared>>
        tpu.enqueue_dma source(%dma_start3A_24 : memref<640x128xf32, #tpu.memory_space<vmem_shared>>) target(%dma_start3A_22 : memref<640x128xf32, #tpu.memory_space<hbm>>) target_semaphore(%run_scoped3A : memref<!tpu.dma_semaphore, #tpu.memory_space<semaphore_mem>>)
        %dma_wait3A = arith.constant 0 : i32
        %dma_wait3A_25 = tpu.memref_slice %arg7[%arg0, %mul3A_20, %dma_wait3A] : memref<2x10000x128xf32, #tpu.memory_space<hbm>> -> memref<1x640x128xf32, #tpu.memory_space<hbm>>
        %dma_wait3A_26 = tpu.memref_squeeze %dma_wait3A_25 : memref<1x640x128xf32, #tpu.memory_space<hbm>> -> memref<640x128xf32, #tpu.memory_space<hbm>>
        %dma_wait3A_27 = arith.constant 0 : i32
        %dma_wait3A_28 = tpu.memref_slice %arg15[%mul3A_18, %dma_wait3A_27] : memref<10240x128xf32, #tpu.memory_space<vmem_shared>> -> memref<640x128xf32, #tpu.memory_space<vmem_shared>>
        tpu.wait_dma2 semaphore(%run_scoped3A : memref<!tpu.dma_semaphore, #tpu.memory_space<semaphore_mem>>) src(%dma_wait3A_28 : memref<640x128xf32, #tpu.memory_space<vmem_shared>>) dst(%dma_wait3A_26 : memref<640x128xf32, #tpu.memory_space<hbm>>)
        tpu.yield
      }) : () -> ()
    } else {
    }
    %eq3A = arith.constant 15 : i32
    %eq3A_13 = arith.cmpi eq, %arg1, %eq3A : i32
    %convert_element_type3A_14 = arith.extui %eq3A_13 : i1 to i32
    %cond3A_15 = arith.constant 0 : i32
    %cond3A_16 = arith.cmpi ne, %convert_element_type3A_14, %cond3A_15 : i32
    scf.if %cond3A_16 {
      "tpu.region"() ({
        %run_scoped3A = tpu.sem_alloc : memref<!tpu.dma_semaphore, #tpu.memory_space<semaphore_mem>>
        %dma_start3A = arith.constant 9600 : i32
        %dma_start3A_17 = arith.constant 0 : i32
        %dma_start3A_18 = tpu.memref_slice %arg7[%arg0, %dma_start3A, %dma_start3A_17] : memref<2x10000x128xf32, #tpu.memory_space<hbm>> -> memref<1x400x128xf32, #tpu.memory_space<hbm>>
        %dma_start3A_19 = tpu.memref_squeeze %dma_start3A_18 : memref<1x400x128xf32, #tpu.memory_space<hbm>> -> memref<400x128xf32, #tpu.memory_space<hbm>>
        %dma_start3A_20 = arith.constant 9600 : i32
        %dma_start3A_21 = arith.constant 0 : i32
        %dma_start3A_22 = tpu.memref_slice %arg15[%dma_start3A_20, %dma_start3A_21] : memref<10240x128xf32, #tpu.memory_space<vmem_shared>> -> memref<400x128xf32, #tpu.memory_space<vmem_shared>>
        tpu.enqueue_dma source(%dma_start3A_22 : memref<400x128xf32, #tpu.memory_space<vmem_shared>>) target(%dma_start3A_19 : memref<400x128xf32, #tpu.memory_space<hbm>>) target_semaphore(%run_scoped3A : memref<!tpu.dma_semaphore, #tpu.memory_space<semaphore_mem>>)
        %dma_wait3A = arith.constant 9600 : i32
        %dma_wait3A_23 = arith.constant 0 : i32
        %dma_wait3A_24 = tpu.memref_slice %arg7[%arg0, %dma_wait3A, %dma_wait3A_23] : memref<2x10000x128xf32, #tpu.memory_space<hbm>> -> memref<1x400x128xf32, #tpu.memory_space<hbm>>
        %dma_wait3A_25 = tpu.memref_squeeze %dma_wait3A_24 : memref<1x400x128xf32, #tpu.memory_space<hbm>> -> memref<400x128xf32, #tpu.memory_space<hbm>>
        %dma_wait3A_26 = arith.constant 9600 : i32
        %dma_wait3A_27 = arith.constant 0 : i32
        %dma_wait3A_28 = tpu.memref_slice %arg15[%dma_wait3A_26, %dma_wait3A_27] : memref<10240x128xf32, #tpu.memory_space<vmem_shared>> -> memref<400x128xf32, #tpu.memory_space<vmem_shared>>
        tpu.wait_dma2 semaphore(%run_scoped3A : memref<!tpu.dma_semaphore, #tpu.memory_space<semaphore_mem>>) src(%dma_wait3A_28 : memref<400x128xf32, #tpu.memory_space<vmem_shared>>) dst(%dma_wait3A_25 : memref<400x128xf32, #tpu.memory_space<hbm>>)
        tpu.yield
      }) : () -> ()
    } else {
    }
    return
  }
}

#map = affine_map<(d0, d1) -> (0, 0)>
#map1 = affine_map<(d0, d1) -> (0, 0, 0)>
module attributes {stable_mosaic.version = 14 : i64} {
  func.func @_agg_body(%arg0: i32, %arg1: i32, %arg2: memref<90000x128xf32, #tpu.memory_space<hbm>>, %arg3: memref<2560x128xi32, #tpu.memory_space<hbm>>, %arg4: memref<2560x128xi32, #tpu.memory_space<hbm>>, %arg5: memref<2560x128xi32, #tpu.memory_space<hbm>>, %arg6: memref<640x128xf32, #tpu.memory_space<hbm>>, %arg7: memref<2x10000x128xf32, #tpu.memory_space<hbm>>, %arg8: memref<40x128xi32, #tpu.memory_space<vmem>>, %arg9: memref<40x128xi32, #tpu.memory_space<vmem>>, %arg10: memref<40x128xi32, #tpu.memory_space<vmem>>, %arg11: memref<128xi32, #tpu.memory_space<vmem>>, %arg12: memref<128xi32, #tpu.memory_space<vmem>>, %arg13: memref<128x128xf32, #tpu.memory_space<vmem>>, %arg14: memref<128x128xf32, #tpu.memory_space<vmem>>, %arg15: memref<10240x128xf32, #tpu.memory_space<vmem_shared>>, %arg16: memref<!tpu.dma_semaphore, #tpu.memory_space<semaphore_mem>>, %arg17: memref<!tpu.dma_semaphore, #tpu.memory_space<semaphore_mem>>) attributes {dimension_semantics = [#tpu.dimension_semantics<core_parallel>, #tpu.dimension_semantics<subcore_parallel>], iteration_bounds = array<i64: 2, 16>, scalar_prefetch = 0 : i64, scratch_operands = 10 : i64, tpu.core_type = #tpu.core_type<sc_vector_subcore>, window_params = [{transform_indices = #map}, {transform_indices = #map}, {transform_indices = #map}, {transform_indices = #map}, {transform_indices = #map}, {transform_indices = #map1}]} {
    %mul3A = arith.constant 640 : i32
    %mul3A_0 = arith.muli %arg1, %mul3A : i32
    "tpu.region"() ({
      %run_scoped3A = tpu.sem_alloc : memref<!tpu.dma_semaphore, #tpu.memory_space<semaphore_mem>>
      %dma_start3A = arith.constant 0 : i32
      %dma_start3A_17 = tpu.memref_slice %arg15[%mul3A_0, %dma_start3A] : memref<10240x128xf32, #tpu.memory_space<vmem_shared>> -> memref<640x128xf32, #tpu.memory_space<vmem_shared>>
      tpu.enqueue_dma source(%arg6 : memref<640x128xf32, #tpu.memory_space<hbm>>) target(%dma_start3A_17 : memref<640x128xf32, #tpu.memory_space<vmem_shared>>) target_semaphore(%run_scoped3A : memref<!tpu.dma_semaphore, #tpu.memory_space<semaphore_mem>>)
      %dma_wait3A = arith.constant 0 : i32
      %dma_wait3A_18 = tpu.memref_slice %arg15[%mul3A_0, %dma_wait3A] : memref<10240x128xf32, #tpu.memory_space<vmem_shared>> -> memref<640x128xf32, #tpu.memory_space<vmem_shared>>
      tpu.wait_dma2 semaphore(%run_scoped3A : memref<!tpu.dma_semaphore, #tpu.memory_space<semaphore_mem>>) src(%arg6 : memref<640x128xf32, #tpu.memory_space<hbm>>) dst(%dma_wait3A_18 : memref<640x128xf32, #tpu.memory_space<vmem_shared>>)
      tpu.yield
    }) : () -> ()
    %barrier3A = arith.constant 0 : index
    tpu.barrier barrier_id(%barrier3A)
    %mul3A_1 = arith.constant 16 : i32
    %mul3A_2 = arith.muli %arg0, %mul3A_1 : i32
    %add3A = arith.addi %mul3A_2, %arg1 : i32
    %mul3A_3 = arith.constant 80 : i32
    %mul3A_4 = arith.muli %add3A, %mul3A_3 : i32
    %scan3A = arith.constant 0 : i32
    %scan3A_5 = arith.constant 0 : i32
    %scan3A_6 = arith.constant 2 : i32
    %scan3A_7 = arith.addi %scan3A_5, %scan3A_6 : i32
    %scan3A_8 = arith.constant 1 : i32
    scf.for %scan3A_17 = %scan3A_5 to %scan3A_7 step %scan3A_8  : i32 {
      %mul3A_18 = arith.constant 40 : i32
      %mul3A_19 = arith.muli %scan3A_17, %mul3A_18 : i32
      %add3A_20 = arith.addi %mul3A_4, %mul3A_19 : i32
      "tpu.region"() ({
        %run_scoped3A = tpu.sem_alloc : memref<!tpu.dma_semaphore, #tpu.memory_space<semaphore_mem>>
        %dma_start3A_173 = arith.constant 0 : i32
        %dma_start3A_174 = tpu.memref_slice %arg3[%add3A_20, %dma_start3A_173] : memref<2560x128xi32, #tpu.memory_space<hbm>> -> memref<40x128xi32, #tpu.memory_space<hbm>>
        %dma_start3A_175 = arith.constant 0 : i32
        %dma_start3A_176 = tpu.memref_slice %arg3[%add3A_20, %dma_start3A_175] : memref<2560x128xi32, #tpu.memory_space<hbm>> -> memref<40x128xi32, #tpu.memory_space<hbm>>
        tpu.enqueue_dma source(%dma_start3A_176 : memref<40x128xi32, #tpu.memory_space<hbm>>) target(%arg8 : memref<40x128xi32, #tpu.memory_space<vmem>>) target_semaphore(%run_scoped3A : memref<!tpu.dma_semaphore, #tpu.memory_space<semaphore_mem>>)
        %dma_wait3A_177 = arith.constant 0 : i32
        %dma_wait3A_178 = tpu.memref_slice %arg3[%add3A_20, %dma_wait3A_177] : memref<2560x128xi32, #tpu.memory_space<hbm>> -> memref<40x128xi32, #tpu.memory_space<hbm>>
        %dma_wait3A_179 = arith.constant 0 : i32
        %dma_wait3A_180 = tpu.memref_slice %arg3[%add3A_20, %dma_wait3A_179] : memref<2560x128xi32, #tpu.memory_space<hbm>> -> memref<40x128xi32, #tpu.memory_space<hbm>>
        tpu.wait_dma2 semaphore(%run_scoped3A : memref<!tpu.dma_semaphore, #tpu.memory_space<semaphore_mem>>) src(%dma_wait3A_180 : memref<40x128xi32, #tpu.memory_space<hbm>>) dst(%arg8 : memref<40x128xi32, #tpu.memory_space<vmem>>)
        tpu.yield
      }) : () -> ()
      "tpu.region"() ({
        %run_scoped3A = tpu.sem_alloc : memref<!tpu.dma_semaphore, #tpu.memory_space<semaphore_mem>>
        %dma_start3A_173 = arith.constant 0 : i32
        %dma_start3A_174 = tpu.memref_slice %arg4[%add3A_20, %dma_start3A_173] : memref<2560x128xi32, #tpu.memory_space<hbm>> -> memref<40x128xi32, #tpu.memory_space<hbm>>
        %dma_start3A_175 = arith.constant 0 : i32
        %dma_start3A_176 = tpu.memref_slice %arg4[%add3A_20, %dma_start3A_175] : memref<2560x128xi32, #tpu.memory_space<hbm>> -> memref<40x128xi32, #tpu.memory_space<hbm>>
        tpu.enqueue_dma source(%dma_start3A_176 : memref<40x128xi32, #tpu.memory_space<hbm>>) target(%arg9 : memref<40x128xi32, #tpu.memory_space<vmem>>) target_semaphore(%run_scoped3A : memref<!tpu.dma_semaphore, #tpu.memory_space<semaphore_mem>>)
        %dma_wait3A_177 = arith.constant 0 : i32
        %dma_wait3A_178 = tpu.memref_slice %arg4[%add3A_20, %dma_wait3A_177] : memref<2560x128xi32, #tpu.memory_space<hbm>> -> memref<40x128xi32, #tpu.memory_space<hbm>>
        %dma_wait3A_179 = arith.constant 0 : i32
        %dma_wait3A_180 = tpu.memref_slice %arg4[%add3A_20, %dma_wait3A_179] : memref<2560x128xi32, #tpu.memory_space<hbm>> -> memref<40x128xi32, #tpu.memory_space<hbm>>
        tpu.wait_dma2 semaphore(%run_scoped3A : memref<!tpu.dma_semaphore, #tpu.memory_space<semaphore_mem>>) src(%dma_wait3A_180 : memref<40x128xi32, #tpu.memory_space<hbm>>) dst(%arg9 : memref<40x128xi32, #tpu.memory_space<vmem>>)
        tpu.yield
      }) : () -> ()
      "tpu.region"() ({
        %run_scoped3A = tpu.sem_alloc : memref<!tpu.dma_semaphore, #tpu.memory_space<semaphore_mem>>
        %dma_start3A_173 = arith.constant 0 : i32
        %dma_start3A_174 = tpu.memref_slice %arg5[%add3A_20, %dma_start3A_173] : memref<2560x128xi32, #tpu.memory_space<hbm>> -> memref<40x128xi32, #tpu.memory_space<hbm>>
        %dma_start3A_175 = arith.constant 0 : i32
        %dma_start3A_176 = tpu.memref_slice %arg5[%add3A_20, %dma_start3A_175] : memref<2560x128xi32, #tpu.memory_space<hbm>> -> memref<40x128xi32, #tpu.memory_space<hbm>>
        tpu.enqueue_dma source(%dma_start3A_176 : memref<40x128xi32, #tpu.memory_space<hbm>>) target(%arg10 : memref<40x128xi32, #tpu.memory_space<vmem>>) target_semaphore(%run_scoped3A : memref<!tpu.dma_semaphore, #tpu.memory_space<semaphore_mem>>)
        %dma_wait3A_177 = arith.constant 0 : i32
        %dma_wait3A_178 = tpu.memref_slice %arg5[%add3A_20, %dma_wait3A_177] : memref<2560x128xi32, #tpu.memory_space<hbm>> -> memref<40x128xi32, #tpu.memory_space<hbm>>
        %dma_wait3A_179 = arith.constant 0 : i32
        %dma_wait3A_180 = tpu.memref_slice %arg5[%add3A_20, %dma_wait3A_179] : memref<2560x128xi32, #tpu.memory_space<hbm>> -> memref<40x128xi32, #tpu.memory_space<hbm>>
        tpu.wait_dma2 semaphore(%run_scoped3A : memref<!tpu.dma_semaphore, #tpu.memory_space<semaphore_mem>>) src(%dma_wait3A_180 : memref<40x128xi32, #tpu.memory_space<hbm>>) dst(%arg10 : memref<40x128xi32, #tpu.memory_space<vmem>>)
        tpu.yield
      }) : () -> ()
      %get3A = arith.constant 0 : i32
      %get3A_21 = arith.index_cast %get3A : i32 to index
      %get3A_22 = arith.constant 0 : index
      %get3A_23 = tpu.vector_load %arg8[%get3A_21, %get3A_22] {strides = array<i32>} : memref<40x128xi32, #tpu.memory_space<vmem>>, vector<1x16xi32>,
      %get3A_24 = vector.shape_cast %get3A_23 : vector<1x16xi32> to vector<16xi32>
      %get3A_25 = arith.constant 0 : i32
      %get3A_26 = arith.index_cast %get3A_25 : i32 to index
      %get3A_27 = arith.constant 0 : index
      %get3A_28 = tpu.vector_load %arg9[%get3A_26, %get3A_27] {strides = array<i32>} : memref<40x128xi32, #tpu.memory_space<vmem>>, vector<1x16xi32>,
      %get3A_29 = vector.shape_cast %get3A_28 : vector<1x16xi32> to vector<16xi32>
      %mul3A_30 = arith.constant 10000 : i32
      %mul3A_31 = vector.broadcast %mul3A_30 : i32 to vector<16xi32>
      %mul3A_32 = arith.muli %get3A_24, %mul3A_31 : vector<16xi32>
      %add3A_33 = arith.addi %mul3A_32, %get3A_29 : vector<16xi32>
      %swap3A = arith.constant 0 : index
      %swap3A_34 = tpu.vector_load %arg11[%swap3A] {strides = array<i32>} : memref<128xi32, #tpu.memory_space<vmem>>, vector<16xi32>,
      %swap3A_35 = vector.shape_cast %swap3A_34 : vector<16xi32> to vector<16xi32>
      %swap3A_36 = vector.shape_cast %add3A_33 : vector<16xi32> to vector<16xi32>
      tpu.vector_store %arg11[%swap3A], %swap3A_36 {strides = array<i32>} : memref<128xi32, #tpu.memory_space<vmem>>, vector<16xi32>,
      %get3A_37 = arith.constant 0 : i32
      %get3A_38 = arith.index_cast %get3A_37 : i32 to index
      %get3A_39 = arith.constant 16 : index
      %get3A_40 = tpu.vector_load %arg8[%get3A_38, %get3A_39] {strides = array<i32>} : memref<40x128xi32, #tpu.memory_space<vmem>>, vector<1x16xi32>,
      %get3A_41 = vector.shape_cast %get3A_40 : vector<1x16xi32> to vector<16xi32>
      %get3A_42 = arith.constant 0 : i32
      %get3A_43 = arith.index_cast %get3A_42 : i32 to index
      %get3A_44 = arith.constant 16 : index
      %get3A_45 = tpu.vector_load %arg9[%get3A_43, %get3A_44] {strides = array<i32>} : memref<40x128xi32, #tpu.memory_space<vmem>>, vector<1x16xi32>,
      %get3A_46 = vector.shape_cast %get3A_45 : vector<1x16xi32> to vector<16xi32>
      %mul3A_47 = arith.constant 10000 : i32
      %mul3A_48 = vector.broadcast %mul3A_47 : i32 to vector<16xi32>
      %mul3A_49 = arith.muli %get3A_41, %mul3A_48 : vector<16xi32>
      %add3A_50 = arith.addi %mul3A_49, %get3A_46 : vector<16xi32>
      %swap3A_51 = arith.constant 16 : index
      %swap3A_52 = tpu.vector_load %arg11[%swap3A_51] {strides = array<i32>} : memref<128xi32, #tpu.memory_space<vmem>>, vector<16xi32>,
      %swap3A_53 = vector.shape_cast %swap3A_52 : vector<16xi32> to vector<16xi32>
      %swap3A_54 = vector.shape_cast %add3A_50 : vector<16xi32> to vector<16xi32>
      tpu.vector_store %arg11[%swap3A_51], %swap3A_54 {strides = array<i32>} : memref<128xi32, #tpu.memory_space<vmem>>, vector<16xi32>,
      %get3A_55 = arith.constant 0 : i32
      %get3A_56 = arith.index_cast %get3A_55 : i32 to index
      %get3A_57 = arith.constant 32 : index
      %get3A_58 = tpu.vector_load %arg8[%get3A_56, %get3A_57] {strides = array<i32>} : memref<40x128xi32, #tpu.memory_space<vmem>>, vector<1x16xi32>,
      %get3A_59 = vector.shape_cast %get3A_58 : vector<1x16xi32> to vector<16xi32>
      %get3A_60 = arith.constant 0 : i32
      %get3A_61 = arith.index_cast %get3A_60 : i32 to index
      %get3A_62 = arith.constant 32 : index
      %get3A_63 = tpu.vector_load %arg9[%get3A_61, %get3A_62] {strides = array<i32>} : memref<40x128xi32, #tpu.memory_space<vmem>>, vector<1x16xi32>,
      %get3A_64 = vector.shape_cast %get3A_63 : vector<1x16xi32> to vector<16xi32>
      %mul3A_65 = arith.constant 10000 : i32
      %mul3A_66 = vector.broadcast %mul3A_65 : i32 to vector<16xi32>
      %mul3A_67 = arith.muli %get3A_59, %mul3A_66 : vector<16xi32>
      %add3A_68 = arith.addi %mul3A_67, %get3A_64 : vector<16xi32>
      %swap3A_69 = arith.constant 32 : index
      %swap3A_70 = tpu.vector_load %arg11[%swap3A_69] {strides = array<i32>} : memref<128xi32, #tpu.memory_space<vmem>>, vector<16xi32>,
      %swap3A_71 = vector.shape_cast %swap3A_70 : vector<16xi32> to vector<16xi32>
      %swap3A_72 = vector.shape_cast %add3A_68 : vector<16xi32> to vector<16xi32>
      tpu.vector_store %arg11[%swap3A_69], %swap3A_72 {strides = array<i32>} : memref<128xi32, #tpu.memory_space<vmem>>, vector<16xi32>,
      %get3A_73 = arith.constant 0 : i32
      %get3A_74 = arith.index_cast %get3A_73 : i32 to index
      %get3A_75 = arith.constant 48 : index
      %get3A_76 = tpu.vector_load %arg8[%get3A_74, %get3A_75] {strides = array<i32>} : memref<40x128xi32, #tpu.memory_space<vmem>>, vector<1x16xi32>,
      %get3A_77 = vector.shape_cast %get3A_76 : vector<1x16xi32> to vector<16xi32>
      %get3A_78 = arith.constant 0 : i32
      %get3A_79 = arith.index_cast %get3A_78 : i32 to index
      %get3A_80 = arith.constant 48 : index
      %get3A_81 = tpu.vector_load %arg9[%get3A_79, %get3A_80] {strides = array<i32>} : memref<40x128xi32, #tpu.memory_space<vmem>>, vector<1x16xi32>,
      %get3A_82 = vector.shape_cast %get3A_81 : vector<1x16xi32> to vector<16xi32>
      %mul3A_83 = arith.constant 10000 : i32
      %mul3A_84 = vector.broadcast %mul3A_83 : i32 to vector<16xi32>
      %mul3A_85 = arith.muli %get3A_77, %mul3A_84 : vector<16xi32>
      %add3A_86 = arith.addi %mul3A_85, %get3A_82 : vector<16xi32>
      %swap3A_87 = arith.constant 48 : index
      %swap3A_88 = tpu.vector_load %arg11[%swap3A_87] {strides = array<i32>} : memref<128xi32, #tpu.memory_space<vmem>>, vector<16xi32>,
      %swap3A_89 = vector.shape_cast %swap3A_88 : vector<16xi32> to vector<16xi32>
      %swap3A_90 = vector.shape_cast %add3A_86 : vector<16xi32> to vector<16xi32>
      tpu.vector_store %arg11[%swap3A_87], %swap3A_90 {strides = array<i32>} : memref<128xi32, #tpu.memory_space<vmem>>, vector<16xi32>,
      %get3A_91 = arith.constant 0 : i32
      %get3A_92 = arith.index_cast %get3A_91 : i32 to index
      %get3A_93 = arith.constant 64 : index
      %get3A_94 = tpu.vector_load %arg8[%get3A_92, %get3A_93] {strides = array<i32>} : memref<40x128xi32, #tpu.memory_space<vmem>>, vector<1x16xi32>,
      %get3A_95 = vector.shape_cast %get3A_94 : vector<1x16xi32> to vector<16xi32>
      %get3A_96 = arith.constant 0 : i32
      %get3A_97 = arith.index_cast %get3A_96 : i32 to index
      %get3A_98 = arith.constant 64 : index
      %get3A_99 = tpu.vector_load %arg9[%get3A_97, %get3A_98] {strides = array<i32>} : memref<40x128xi32, #tpu.memory_space<vmem>>, vector<1x16xi32>,
      %get3A_100 = vector.shape_cast %get3A_99 : vector<1x16xi32> to vector<16xi32>
      %mul3A_101 = arith.constant 10000 : i32
      %mul3A_102 = vector.broadcast %mul3A_101 : i32 to vector<16xi32>
      %mul3A_103 = arith.muli %get3A_95, %mul3A_102 : vector<16xi32>
      %add3A_104 = arith.addi %mul3A_103, %get3A_100 : vector<16xi32>
      %swap3A_105 = arith.constant 64 : index
      %swap3A_106 = tpu.vector_load %arg11[%swap3A_105] {strides = array<i32>} : memref<128xi32, #tpu.memory_space<vmem>>, vector<16xi32>,
      %swap3A_107 = vector.shape_cast %swap3A_106 : vector<16xi32> to vector<16xi32>
      %swap3A_108 = vector.shape_cast %add3A_104 : vector<16xi32> to vector<16xi32>
      tpu.vector_store %arg11[%swap3A_105], %swap3A_108 {strides = array<i32>} : memref<128xi32, #tpu.memory_space<vmem>>, vector<16xi32>,
      %get3A_109 = arith.constant 0 : i32
      %get3A_110 = arith.index_cast %get3A_109 : i32 to index
      %get3A_111 = arith.constant 80 : index
      %get3A_112 = tpu.vector_load %arg8[%get3A_110, %get3A_111] {strides = array<i32>} : memref<40x128xi32, #tpu.memory_space<vmem>>, vector<1x16xi32>,
      %get3A_113 = vector.shape_cast %get3A_112 : vector<1x16xi32> to vector<16xi32>
      %get3A_114 = arith.constant 0 : i32
      %get3A_115 = arith.index_cast %get3A_114 : i32 to index
      %get3A_116 = arith.constant 80 : index
      %get3A_117 = tpu.vector_load %arg9[%get3A_115, %get3A_116] {strides = array<i32>} : memref<40x128xi32, #tpu.memory_space<vmem>>, vector<1x16xi32>,
      %get3A_118 = vector.shape_cast %get3A_117 : vector<1x16xi32> to vector<16xi32>
      %mul3A_119 = arith.constant 10000 : i32
      %mul3A_120 = vector.broadcast %mul3A_119 : i32 to vector<16xi32>
      %mul3A_121 = arith.muli %get3A_113, %mul3A_120 : vector<16xi32>
      %add3A_122 = arith.addi %mul3A_121, %get3A_118 : vector<16xi32>
      %swap3A_123 = arith.constant 80 : index
      %swap3A_124 = tpu.vector_load %arg11[%swap3A_123] {strides = array<i32>} : memref<128xi32, #tpu.memory_space<vmem>>, vector<16xi32>,
      %swap3A_125 = vector.shape_cast %swap3A_124 : vector<16xi32> to vector<16xi32>
      %swap3A_126 = vector.shape_cast %add3A_122 : vector<16xi32> to vector<16xi32>
      tpu.vector_store %arg11[%swap3A_123], %swap3A_126 {strides = array<i32>} : memref<128xi32, #tpu.memory_space<vmem>>, vector<16xi32>,
      %get3A_127 = arith.constant 0 : i32
      %get3A_128 = arith.index_cast %get3A_127 : i32 to index
      %get3A_129 = arith.constant 96 : index
      %get3A_130 = tpu.vector_load %arg8[%get3A_128, %get3A_129] {strides = array<i32>} : memref<40x128xi32, #tpu.memory_space<vmem>>, vector<1x16xi32>,
      %get3A_131 = vector.shape_cast %get3A_130 : vector<1x16xi32> to vector<16xi32>
      %get3A_132 = arith.constant 0 : i32
      %get3A_133 = arith.index_cast %get3A_132 : i32 to index
      %get3A_134 = arith.constant 96 : index
      %get3A_135 = tpu.vector_load %arg9[%get3A_133, %get3A_134] {strides = array<i32>} : memref<40x128xi32, #tpu.memory_space<vmem>>, vector<1x16xi32>,
      %get3A_136 = vector.shape_cast %get3A_135 : vector<1x16xi32> to vector<16xi32>
      %mul3A_137 = arith.constant 10000 : i32
      %mul3A_138 = vector.broadcast %mul3A_137 : i32 to vector<16xi32>
      %mul3A_139 = arith.muli %get3A_131, %mul3A_138 : vector<16xi32>
      %add3A_140 = arith.addi %mul3A_139, %get3A_136 : vector<16xi32>
      %swap3A_141 = arith.constant 96 : index
      %swap3A_142 = tpu.vector_load %arg11[%swap3A_141] {strides = array<i32>} : memref<128xi32, #tpu.memory_space<vmem>>, vector<16xi32>,
      %swap3A_143 = vector.shape_cast %swap3A_142 : vector<16xi32> to vector<16xi32>
      %swap3A_144 = vector.shape_cast %add3A_140 : vector<16xi32> to vector<16xi32>
      tpu.vector_store %arg11[%swap3A_141], %swap3A_144 {strides = array<i32>} : memref<128xi32, #tpu.memory_space<vmem>>, vector<16xi32>,
      %get3A_145 = arith.constant 0 : i32
      %get3A_146 = arith.index_cast %get3A_145 : i32 to index
      %get3A_147 = arith.constant 112 : index
      %get3A_148 = tpu.vector_load %arg8[%get3A_146, %get3A_147] {strides = array<i32>} : memref<40x128xi32, #tpu.memory_space<vmem>>, vector<1x16xi32>,
      %get3A_149 = vector.shape_cast %get3A_148 : vector<1x16xi32> to vector<16xi32>
      %get3A_150 = arith.constant 0 : i32
      %get3A_151 = arith.index_cast %get3A_150 : i32 to index
      %get3A_152 = arith.constant 112 : index
      %get3A_153 = tpu.vector_load %arg9[%get3A_151, %get3A_152] {strides = array<i32>} : memref<40x128xi32, #tpu.memory_space<vmem>>, vector<1x16xi32>,
      %get3A_154 = vector.shape_cast %get3A_153 : vector<1x16xi32> to vector<16xi32>
      %mul3A_155 = arith.constant 10000 : i32
      %mul3A_156 = vector.broadcast %mul3A_155 : i32 to vector<16xi32>
      %mul3A_157 = arith.muli %get3A_149, %mul3A_156 : vector<16xi32>
      %add3A_158 = arith.addi %mul3A_157, %get3A_154 : vector<16xi32>
      %swap3A_159 = arith.constant 112 : index
      %swap3A_160 = tpu.vector_load %arg11[%swap3A_159] {strides = array<i32>} : memref<128xi32, #tpu.memory_space<vmem>>, vector<16xi32>,
      %swap3A_161 = vector.shape_cast %swap3A_160 : vector<16xi32> to vector<16xi32>
      %swap3A_162 = vector.shape_cast %add3A_158 : vector<16xi32> to vector<16xi32>
      tpu.vector_store %arg11[%swap3A_159], %swap3A_162 {strides = array<i32>} : memref<128xi32, #tpu.memory_space<vmem>>, vector<16xi32>,
      %dma_start3A = arith.constant 0 : i32
      %dma_start3A_163 = arith.constant 0 : i32
      %dma_start3A_164 = tpu.memref_slice %arg2[%dma_start3A, %dma_start3A_163] : memref<90000x128xf32, #tpu.memory_space<hbm>> -> memref<90000x128xf32, #tpu.memory_space<hbm>>
      tpu.enqueue_indirect_dma source(%dma_start3A_164 : memref<90000x128xf32, #tpu.memory_space<hbm>>) target(%arg13 : memref<128x128xf32, #tpu.memory_space<vmem>>) offsets(%arg11 : memref<128xi32, #tpu.memory_space<vmem>>) semaphore(%arg16 : memref<!tpu.dma_semaphore, #tpu.memory_space<semaphore_mem>>)
      %scan3A_165 = arith.constant 0 : i32
      %scan3A_166 = arith.constant 0 : i32
      %scan3A_167 = arith.constant 20 : i32
      %scan3A_168 = arith.addi %scan3A_166, %scan3A_167 : i32
      %scan3A_169 = arith.constant 1 : i32
      scf.for %scan3A_173 = %scan3A_166 to %scan3A_168 step %scan3A_169  : i32 {
        %mul3A_174 = arith.constant 2 : i32
        %mul3A_175 = arith.muli %mul3A_174, %scan3A_173 : i32
        %add3A_176 = arith.constant 1 : i32
        %add3A_177 = arith.addi %mul3A_175, %add3A_176 : i32
        %add3A_178 = arith.constant 2 : i32
        %add3A_179 = arith.addi %mul3A_175, %add3A_178 : i32
        %min3A = arith.constant 39 : i32
        %min3A_180 = arith.minsi %add3A_179, %min3A : i32
        %get3A_181 = arith.index_cast %add3A_177 : i32 to index
        %get3A_182 = arith.constant 0 : index
        %get3A_183 = tpu.vector_load %arg8[%get3A_181, %get3A_182] {strides = array<i32>} : memref<40x128xi32, #tpu.memory_space<vmem>>, vector<1x16xi32>,
        %get3A_184 = vector.shape_cast %get3A_183 : vector<1x16xi32> to vector<16xi32>
        %get3A_185 = arith.index_cast %add3A_177 : i32 to index
        %get3A_186 = arith.constant 0 : index
        %get3A_187 = tpu.vector_load %arg9[%get3A_185, %get3A_186] {strides = array<i32>} : memref<40x128xi32, #tpu.memory_space<vmem>>, vector<1x16xi32>,
        %get3A_188 = vector.shape_cast %get3A_187 : vector<1x16xi32> to vector<16xi32>
        %mul3A_189 = arith.constant 10000 : i32
        %mul3A_190 = vector.broadcast %mul3A_189 : i32 to vector<16xi32>
        %mul3A_191 = arith.muli %get3A_184, %mul3A_190 : vector<16xi32>
        %add3A_192 = arith.addi %mul3A_191, %get3A_188 : vector<16xi32>
        %swap3A_193 = arith.constant 0 : index
        %swap3A_194 = tpu.vector_load %arg12[%swap3A_193] {strides = array<i32>} : memref<128xi32, #tpu.memory_space<vmem>>, vector<16xi32>,
        %swap3A_195 = vector.shape_cast %swap3A_194 : vector<16xi32> to vector<16xi32>
        %swap3A_196 = vector.shape_cast %add3A_192 : vector<16xi32> to vector<16xi32>
        tpu.vector_store %arg12[%swap3A_193], %swap3A_196 {strides = array<i32>} : memref<128xi32, #tpu.memory_space<vmem>>, vector<16xi32>,
        %get3A_197 = arith.index_cast %add3A_177 : i32 to index
        %get3A_198 = arith.constant 16 : index
        %get3A_199 = tpu.vector_load %arg8[%get3A_197, %get3A_198] {strides = array<i32>} : memref<40x128xi32, #tpu.memory_space<vmem>>, vector<1x16xi32>,
        %get3A_200 = vector.shape_cast %get3A_199 : vector<1x16xi32> to vector<16xi32>
        %get3A_201 = arith.index_cast %add3A_177 : i32 to index
        %get3A_202 = arith.constant 16 : index
        %get3A_203 = tpu.vector_load %arg9[%get3A_201, %get3A_202] {strides = array<i32>} : memref<40x128xi32, #tpu.memory_space<vmem>>, vector<1x16xi32>,
        %get3A_204 = vector.shape_cast %get3A_203 : vector<1x16xi32> to vector<16xi32>
        %mul3A_205 = arith.constant 10000 : i32
        %mul3A_206 = vector.broadcast %mul3A_205 : i32 to vector<16xi32>
        %mul3A_207 = arith.muli %get3A_200, %mul3A_206 : vector<16xi32>
        %add3A_208 = arith.addi %mul3A_207, %get3A_204 : vector<16xi32>
        %swap3A_209 = arith.constant 16 : index
        %swap3A_210 = tpu.vector_load %arg12[%swap3A_209] {strides = array<i32>} : memref<128xi32, #tpu.memory_space<vmem>>, vector<16xi32>,
        %swap3A_211 = vector.shape_cast %swap3A_210 : vector<16xi32> to vector<16xi32>
        %swap3A_212 = vector.shape_cast %add3A_208 : vector<16xi32> to vector<16xi32>
        tpu.vector_store %arg12[%swap3A_209], %swap3A_212 {strides = array<i32>} : memref<128xi32, #tpu.memory_space<vmem>>, vector<16xi32>,
        %get3A_213 = arith.index_cast %add3A_177 : i32 to index
        %get3A_214 = arith.constant 32 : index
        %get3A_215 = tpu.vector_load %arg8[%get3A_213, %get3A_214] {strides = array<i32>} : memref<40x128xi32, #tpu.memory_space<vmem>>, vector<1x16xi32>,
        %get3A_216 = vector.shape_cast %get3A_215 : vector<1x16xi32> to vector<16xi32>
        %get3A_217 = arith.index_cast %add3A_177 : i32 to index
        %get3A_218 = arith.constant 32 : index
        %get3A_219 = tpu.vector_load %arg9[%get3A_217, %get3A_218] {strides = array<i32>} : memref<40x128xi32, #tpu.memory_space<vmem>>, vector<1x16xi32>,
        %get3A_220 = vector.shape_cast %get3A_219 : vector<1x16xi32> to vector<16xi32>
        %mul3A_221 = arith.constant 10000 : i32
        %mul3A_222 = vector.broadcast %mul3A_221 : i32 to vector<16xi32>
        %mul3A_223 = arith.muli %get3A_216, %mul3A_222 : vector<16xi32>
        %add3A_224 = arith.addi %mul3A_223, %get3A_220 : vector<16xi32>
        %swap3A_225 = arith.constant 32 : index
        %swap3A_226 = tpu.vector_load %arg12[%swap3A_225] {strides = array<i32>} : memref<128xi32, #tpu.memory_space<vmem>>, vector<16xi32>,
        %swap3A_227 = vector.shape_cast %swap3A_226 : vector<16xi32> to vector<16xi32>
        %swap3A_228 = vector.shape_cast %add3A_224 : vector<16xi32> to vector<16xi32>
        tpu.vector_store %arg12[%swap3A_225], %swap3A_228 {strides = array<i32>} : memref<128xi32, #tpu.memory_space<vmem>>, vector<16xi32>,
        %get3A_229 = arith.index_cast %add3A_177 : i32 to index
        %get3A_230 = arith.constant 48 : index
        %get3A_231 = tpu.vector_load %arg8[%get3A_229, %get3A_230] {strides = array<i32>} : memref<40x128xi32, #tpu.memory_space<vmem>>, vector<1x16xi32>,
        %get3A_232 = vector.shape_cast %get3A_231 : vector<1x16xi32> to vector<16xi32>
        %get3A_233 = arith.index_cast %add3A_177 : i32 to index
        %get3A_234 = arith.constant 48 : index
        %get3A_235 = tpu.vector_load %arg9[%get3A_233, %get3A_234] {strides = array<i32>} : memref<40x128xi32, #tpu.memory_space<vmem>>, vector<1x16xi32>,
        %get3A_236 = vector.shape_cast %get3A_235 : vector<1x16xi32> to vector<16xi32>
        %mul3A_237 = arith.constant 10000 : i32
        %mul3A_238 = vector.broadcast %mul3A_237 : i32 to vector<16xi32>
        %mul3A_239 = arith.muli %get3A_232, %mul3A_238 : vector<16xi32>
        %add3A_240 = arith.addi %mul3A_239, %get3A_236 : vector<16xi32>
        %swap3A_241 = arith.constant 48 : index
        %swap3A_242 = tpu.vector_load %arg12[%swap3A_241] {strides = array<i32>} : memref<128xi32, #tpu.memory_space<vmem>>, vector<16xi32>,
        %swap3A_243 = vector.shape_cast %swap3A_242 : vector<16xi32> to vector<16xi32>
        %swap3A_244 = vector.shape_cast %add3A_240 : vector<16xi32> to vector<16xi32>
        tpu.vector_store %arg12[%swap3A_241], %swap3A_244 {strides = array<i32>} : memref<128xi32, #tpu.memory_space<vmem>>, vector<16xi32>,
        %get3A_245 = arith.index_cast %add3A_177 : i32 to index
        %get3A_246 = arith.constant 64 : index
        %get3A_247 = tpu.vector_load %arg8[%get3A_245, %get3A_246] {strides = array<i32>} : memref<40x128xi32, #tpu.memory_space<vmem>>, vector<1x16xi32>,
        %get3A_248 = vector.shape_cast %get3A_247 : vector<1x16xi32> to vector<16xi32>
        %get3A_249 = arith.index_cast %add3A_177 : i32 to index
        %get3A_250 = arith.constant 64 : index
        %get3A_251 = tpu.vector_load %arg9[%get3A_249, %get3A_250] {strides = array<i32>} : memref<40x128xi32, #tpu.memory_space<vmem>>, vector<1x16xi32>,
        %get3A_252 = vector.shape_cast %get3A_251 : vector<1x16xi32> to vector<16xi32>
        %mul3A_253 = arith.constant 10000 : i32
        %mul3A_254 = vector.broadcast %mul3A_253 : i32 to vector<16xi32>
        %mul3A_255 = arith.muli %get3A_248, %mul3A_254 : vector<16xi32>
        %add3A_256 = arith.addi %mul3A_255, %get3A_252 : vector<16xi32>
        %swap3A_257 = arith.constant 64 : index
        %swap3A_258 = tpu.vector_load %arg12[%swap3A_257] {strides = array<i32>} : memref<128xi32, #tpu.memory_space<vmem>>, vector<16xi32>,
        %swap3A_259 = vector.shape_cast %swap3A_258 : vector<16xi32> to vector<16xi32>
        %swap3A_260 = vector.shape_cast %add3A_256 : vector<16xi32> to vector<16xi32>
        tpu.vector_store %arg12[%swap3A_257], %swap3A_260 {strides = array<i32>} : memref<128xi32, #tpu.memory_space<vmem>>, vector<16xi32>,
        %get3A_261 = arith.index_cast %add3A_177 : i32 to index
        %get3A_262 = arith.constant 80 : index
        %get3A_263 = tpu.vector_load %arg8[%get3A_261, %get3A_262] {strides = array<i32>} : memref<40x128xi32, #tpu.memory_space<vmem>>, vector<1x16xi32>,
        %get3A_264 = vector.shape_cast %get3A_263 : vector<1x16xi32> to vector<16xi32>
        %get3A_265 = arith.index_cast %add3A_177 : i32 to index
        %get3A_266 = arith.constant 80 : index
        %get3A_267 = tpu.vector_load %arg9[%get3A_265, %get3A_266] {strides = array<i32>} : memref<40x128xi32, #tpu.memory_space<vmem>>, vector<1x16xi32>,
        %get3A_268 = vector.shape_cast %get3A_267 : vector<1x16xi32> to vector<16xi32>
        %mul3A_269 = arith.constant 10000 : i32
        %mul3A_270 = vector.broadcast %mul3A_269 : i32 to vector<16xi32>
        %mul3A_271 = arith.muli %get3A_264, %mul3A_270 : vector<16xi32>
        %add3A_272 = arith.addi %mul3A_271, %get3A_268 : vector<16xi32>
        %swap3A_273 = arith.constant 80 : index
        %swap3A_274 = tpu.vector_load %arg12[%swap3A_273] {strides = array<i32>} : memref<128xi32, #tpu.memory_space<vmem>>, vector<16xi32>,
        %swap3A_275 = vector.shape_cast %swap3A_274 : vector<16xi32> to vector<16xi32>
        %swap3A_276 = vector.shape_cast %add3A_272 : vector<16xi32> to vector<16xi32>
        tpu.vector_store %arg12[%swap3A_273], %swap3A_276 {strides = array<i32>} : memref<128xi32, #tpu.memory_space<vmem>>, vector<16xi32>,
        %get3A_277 = arith.index_cast %add3A_177 : i32 to index
        %get3A_278 = arith.constant 96 : index
        %get3A_279 = tpu.vector_load %arg8[%get3A_277, %get3A_278] {strides = array<i32>} : memref<40x128xi32, #tpu.memory_space<vmem>>, vector<1x16xi32>,
        %get3A_280 = vector.shape_cast %get3A_279 : vector<1x16xi32> to vector<16xi32>
        %get3A_281 = arith.index_cast %add3A_177 : i32 to index
        %get3A_282 = arith.constant 96 : index
        %get3A_283 = tpu.vector_load %arg9[%get3A_281, %get3A_282] {strides = array<i32>} : memref<40x128xi32, #tpu.memory_space<vmem>>, vector<1x16xi32>,
        %get3A_284 = vector.shape_cast %get3A_283 : vector<1x16xi32> to vector<16xi32>
        %mul3A_285 = arith.constant 10000 : i32
        %mul3A_286 = vector.broadcast %mul3A_285 : i32 to vector<16xi32>
        %mul3A_287 = arith.muli %get3A_280, %mul3A_286 : vector<16xi32>
        %add3A_288 = arith.addi %mul3A_287, %get3A_284 : vector<16xi32>
        %swap3A_289 = arith.constant 96 : index
        %swap3A_290 = tpu.vector_load %arg12[%swap3A_289] {strides = array<i32>} : memref<128xi32, #tpu.memory_space<vmem>>, vector<16xi32>,
        %swap3A_291 = vector.shape_cast %swap3A_290 : vector<16xi32> to vector<16xi32>
        %swap3A_292 = vector.shape_cast %add3A_288 : vector<16xi32> to vector<16xi32>
        tpu.vector_store %arg12[%swap3A_289], %swap3A_292 {strides = array<i32>} : memref<128xi32, #tpu.memory_space<vmem>>, vector<16xi32>,
        %get3A_293 = arith.index_cast %add3A_177 : i32 to index
        %get3A_294 = arith.constant 112 : index
        %get3A_295 = tpu.vector_load %arg8[%get3A_293, %get3A_294] {strides = array<i32>} : memref<40x128xi32, #tpu.memory_space<vmem>>, vector<1x16xi32>,
        %get3A_296 = vector.shape_cast %get3A_295 : vector<1x16xi32> to vector<16xi32>
        %get3A_297 = arith.index_cast %add3A_177 : i32 to index
        %get3A_298 = arith.constant 112 : index
        %get3A_299 = tpu.vector_load %arg9[%get3A_297, %get3A_298] {strides = array<i32>} : memref<40x128xi32, #tpu.memory_space<vmem>>, vector<1x16xi32>,
        %get3A_300 = vector.shape_cast %get3A_299 : vector<1x16xi32> to vector<16xi32>
        %mul3A_301 = arith.constant 10000 : i32
        %mul3A_302 = vector.broadcast %mul3A_301 : i32 to vector<16xi32>
        %mul3A_303 = arith.muli %get3A_296, %mul3A_302 : vector<16xi32>
        %add3A_304 = arith.addi %mul3A_303, %get3A_300 : vector<16xi32>
        %swap3A_305 = arith.constant 112 : index
        %swap3A_306 = tpu.vector_load %arg12[%swap3A_305] {strides = array<i32>} : memref<128xi32, #tpu.memory_space<vmem>>, vector<16xi32>,
        %swap3A_307 = vector.shape_cast %swap3A_306 : vector<16xi32> to vector<16xi32>
        %swap3A_308 = vector.shape_cast %add3A_304 : vector<16xi32> to vector<16xi32>
        tpu.vector_store %arg12[%swap3A_305], %swap3A_308 {strides = array<i32>} : memref<128xi32, #tpu.memory_space<vmem>>, vector<16xi32>,
        %dma_start3A_309 = arith.constant 0 : i32
        %dma_start3A_310 = arith.constant 0 : i32
        %dma_start3A_311 = tpu.memref_slice %arg2[%dma_start3A_309, %dma_start3A_310] : memref<90000x128xf32, #tpu.memory_space<hbm>> -> memref<90000x128xf32, #tpu.memory_space<hbm>>
        tpu.enqueue_indirect_dma source(%dma_start3A_311 : memref<90000x128xf32, #tpu.memory_space<hbm>>) target(%arg14 : memref<128x128xf32, #tpu.memory_space<vmem>>) offsets(%arg12 : memref<128xi32, #tpu.memory_space<vmem>>) semaphore(%arg17 : memref<!tpu.dma_semaphore, #tpu.memory_space<semaphore_mem>>)
        %dma_wait3A_312 = arith.constant 0 : i32
        %dma_wait3A_313 = arith.constant 0 : i32
        %dma_wait3A_314 = tpu.memref_slice %arg2[%dma_wait3A_312, %dma_wait3A_313] : memref<90000x128xf32, #tpu.memory_space<hbm>> -> memref<90000x128xf32, #tpu.memory_space<hbm>>
        tpu.wait_indirect_dma semaphore(%arg16 : memref<!tpu.dma_semaphore, #tpu.memory_space<semaphore_mem>>) src(%dma_wait3A_314 : memref<90000x128xf32, #tpu.memory_space<hbm>>) dst(%arg13 : memref<128x128xf32, #tpu.memory_space<vmem>>)
        "tpu.region"() ({
          %run_scoped3A = tpu.sem_alloc : memref<!tpu.dma_semaphore, #tpu.memory_space<semaphore_mem>>
          %dma_start3A_449 = arith.constant 0 : i32
          %dma_start3A_450 = tpu.memref_slice %arg10[%mul3A_175, %dma_start3A_449] : memref<40x128xi32, #tpu.memory_space<vmem>> -> memref<1x128xi32, #tpu.memory_space<vmem>>
          %dma_start3A_451 = tpu.memref_squeeze %dma_start3A_450 : memref<1x128xi32, #tpu.memory_space<vmem>> -> memref<128xi32, #tpu.memory_space<vmem>>
          %dma_start3A_452 = arith.constant 0 : i32
          %dma_start3A_453 = arith.constant 0 : i32
          %dma_start3A_454 = tpu.memref_slice %arg15[%dma_start3A_452, %dma_start3A_453] : memref<10240x128xf32, #tpu.memory_space<vmem_shared>> -> memref<10240x128xf32, #tpu.memory_space<vmem_shared>>
          tpu.enqueue_indirect_dma source(%arg13 : memref<128x128xf32, #tpu.memory_space<vmem>>) target(%dma_start3A_454 : memref<10240x128xf32, #tpu.memory_space<vmem_shared>>) offsets(%dma_start3A_451 : memref<128xi32, #tpu.memory_space<vmem>>) semaphore(%run_scoped3A : memref<!tpu.dma_semaphore, #tpu.memory_space<semaphore_mem>>) {add = true}
          %dma_wait3A_455 = arith.constant 0 : i32
          %dma_wait3A_456 = tpu.memref_slice %arg10[%mul3A_175, %dma_wait3A_455] : memref<40x128xi32, #tpu.memory_space<vmem>> -> memref<1x128xi32, #tpu.memory_space<vmem>>
          %dma_wait3A_457 = tpu.memref_squeeze %dma_wait3A_456 : memref<1x128xi32, #tpu.memory_space<vmem>> -> memref<128xi32, #tpu.memory_space<vmem>>
          %dma_wait3A_458 = arith.constant 0 : i32
          %dma_wait3A_459 = arith.constant 0 : i32
          %dma_wait3A_460 = tpu.memref_slice %arg15[%dma_wait3A_458, %dma_wait3A_459] : memref<10240x128xf32, #tpu.memory_space<vmem_shared>> -> memref<10240x128xf32, #tpu.memory_space<vmem_shared>>
          tpu.wait_indirect_dma semaphore(%run_scoped3A : memref<!tpu.dma_semaphore, #tpu.memory_space<semaphore_mem>>) src(%arg13 : memref<128x128xf32, #tpu.memory_space<vmem>>) dst(%dma_wait3A_460 : memref<10240x128xf32, #tpu.memory_space<vmem_shared>>)
          tpu.yield
        }) : () -> ()
        %get3A_315 = arith.index_cast %min3A_180 : i32 to index
        %get3A_316 = arith.constant 0 : index
        %get3A_317 = tpu.vector_load %arg8[%get3A_315, %get3A_316] {strides = array<i32>} : memref<40x128xi32, #tpu.memory_space<vmem>>, vector<1x16xi32>,
        %get3A_318 = vector.shape_cast %get3A_317 : vector<1x16xi32> to vector<16xi32>
        %get3A_319 = arith.index_cast %min3A_180 : i32 to index
        %get3A_320 = arith.constant 0 : index
        %get3A_321 = tpu.vector_load %arg9[%get3A_319, %get3A_320] {strides = array<i32>} : memref<40x128xi32, #tpu.memory_space<vmem>>, vector<1x16xi32>,
        %get3A_322 = vector.shape_cast %get3A_321 : vector<1x16xi32> to vector<16xi32>
        %mul3A_323 = arith.constant 10000 : i32
        %mul3A_324 = vector.broadcast %mul3A_323 : i32 to vector<16xi32>
        %mul3A_325 = arith.muli %get3A_318, %mul3A_324 : vector<16xi32>
        %add3A_326 = arith.addi %mul3A_325, %get3A_322 : vector<16xi32>
        %swap3A_327 = arith.constant 0 : index
        %swap3A_328 = tpu.vector_load %arg11[%swap3A_327] {strides = array<i32>} : memref<128xi32, #tpu.memory_space<vmem>>, vector<16xi32>,
        %swap3A_329 = vector.shape_cast %swap3A_328 : vector<16xi32> to vector<16xi32>
        %swap3A_330 = vector.shape_cast %add3A_326 : vector<16xi32> to vector<16xi32>
        tpu.vector_store %arg11[%swap3A_327], %swap3A_330 {strides = array<i32>} : memref<128xi32, #tpu.memory_space<vmem>>, vector<16xi32>,
        %get3A_331 = arith.index_cast %min3A_180 : i32 to index
        %get3A_332 = arith.constant 16 : index
        %get3A_333 = tpu.vector_load %arg8[%get3A_331, %get3A_332] {strides = array<i32>} : memref<40x128xi32, #tpu.memory_space<vmem>>, vector<1x16xi32>,
        %get3A_334 = vector.shape_cast %get3A_333 : vector<1x16xi32> to vector<16xi32>
        %get3A_335 = arith.index_cast %min3A_180 : i32 to index
        %get3A_336 = arith.constant 16 : index
        %get3A_337 = tpu.vector_load %arg9[%get3A_335, %get3A_336] {strides = array<i32>} : memref<40x128xi32, #tpu.memory_space<vmem>>, vector<1x16xi32>,
        %get3A_338 = vector.shape_cast %get3A_337 : vector<1x16xi32> to vector<16xi32>
        %mul3A_339 = arith.constant 10000 : i32
        %mul3A_340 = vector.broadcast %mul3A_339 : i32 to vector<16xi32>
        %mul3A_341 = arith.muli %get3A_334, %mul3A_340 : vector<16xi32>
        %add3A_342 = arith.addi %mul3A_341, %get3A_338 : vector<16xi32>
        %swap3A_343 = arith.constant 16 : index
        %swap3A_344 = tpu.vector_load %arg11[%swap3A_343] {strides = array<i32>} : memref<128xi32, #tpu.memory_space<vmem>>, vector<16xi32>,
        %swap3A_345 = vector.shape_cast %swap3A_344 : vector<16xi32> to vector<16xi32>
        %swap3A_346 = vector.shape_cast %add3A_342 : vector<16xi32> to vector<16xi32>
        tpu.vector_store %arg11[%swap3A_343], %swap3A_346 {strides = array<i32>} : memref<128xi32, #tpu.memory_space<vmem>>, vector<16xi32>,
        %get3A_347 = arith.index_cast %min3A_180 : i32 to index
        %get3A_348 = arith.constant 32 : index
        %get3A_349 = tpu.vector_load %arg8[%get3A_347, %get3A_348] {strides = array<i32>} : memref<40x128xi32, #tpu.memory_space<vmem>>, vector<1x16xi32>,
        %get3A_350 = vector.shape_cast %get3A_349 : vector<1x16xi32> to vector<16xi32>
        %get3A_351 = arith.index_cast %min3A_180 : i32 to index
        %get3A_352 = arith.constant 32 : index
        %get3A_353 = tpu.vector_load %arg9[%get3A_351, %get3A_352] {strides = array<i32>} : memref<40x128xi32, #tpu.memory_space<vmem>>, vector<1x16xi32>,
        %get3A_354 = vector.shape_cast %get3A_353 : vector<1x16xi32> to vector<16xi32>
        %mul3A_355 = arith.constant 10000 : i32
        %mul3A_356 = vector.broadcast %mul3A_355 : i32 to vector<16xi32>
        %mul3A_357 = arith.muli %get3A_350, %mul3A_356 : vector<16xi32>
        %add3A_358 = arith.addi %mul3A_357, %get3A_354 : vector<16xi32>
        %swap3A_359 = arith.constant 32 : index
        %swap3A_360 = tpu.vector_load %arg11[%swap3A_359] {strides = array<i32>} : memref<128xi32, #tpu.memory_space<vmem>>, vector<16xi32>,
        %swap3A_361 = vector.shape_cast %swap3A_360 : vector<16xi32> to vector<16xi32>
        %swap3A_362 = vector.shape_cast %add3A_358 : vector<16xi32> to vector<16xi32>
        tpu.vector_store %arg11[%swap3A_359], %swap3A_362 {strides = array<i32>} : memref<128xi32, #tpu.memory_space<vmem>>, vector<16xi32>,
        %get3A_363 = arith.index_cast %min3A_180 : i32 to index
        %get3A_364 = arith.constant 48 : index
        %get3A_365 = tpu.vector_load %arg8[%get3A_363, %get3A_364] {strides = array<i32>} : memref<40x128xi32, #tpu.memory_space<vmem>>, vector<1x16xi32>,
        %get3A_366 = vector.shape_cast %get3A_365 : vector<1x16xi32> to vector<16xi32>
        %get3A_367 = arith.index_cast %min3A_180 : i32 to index
        %get3A_368 = arith.constant 48 : index
        %get3A_369 = tpu.vector_load %arg9[%get3A_367, %get3A_368] {strides = array<i32>} : memref<40x128xi32, #tpu.memory_space<vmem>>, vector<1x16xi32>,
        %get3A_370 = vector.shape_cast %get3A_369 : vector<1x16xi32> to vector<16xi32>
        %mul3A_371 = arith.constant 10000 : i32
        %mul3A_372 = vector.broadcast %mul3A_371 : i32 to vector<16xi32>
        %mul3A_373 = arith.muli %get3A_366, %mul3A_372 : vector<16xi32>
        %add3A_374 = arith.addi %mul3A_373, %get3A_370 : vector<16xi32>
        %swap3A_375 = arith.constant 48 : index
        %swap3A_376 = tpu.vector_load %arg11[%swap3A_375] {strides = array<i32>} : memref<128xi32, #tpu.memory_space<vmem>>, vector<16xi32>,
        %swap3A_377 = vector.shape_cast %swap3A_376 : vector<16xi32> to vector<16xi32>
        %swap3A_378 = vector.shape_cast %add3A_374 : vector<16xi32> to vector<16xi32>
        tpu.vector_store %arg11[%swap3A_375], %swap3A_378 {strides = array<i32>} : memref<128xi32, #tpu.memory_space<vmem>>, vector<16xi32>,
        %get3A_379 = arith.index_cast %min3A_180 : i32 to index
        %get3A_380 = arith.constant 64 : index
        %get3A_381 = tpu.vector_load %arg8[%get3A_379, %get3A_380] {strides = array<i32>} : memref<40x128xi32, #tpu.memory_space<vmem>>, vector<1x16xi32>,
        %get3A_382 = vector.shape_cast %get3A_381 : vector<1x16xi32> to vector<16xi32>
        %get3A_383 = arith.index_cast %min3A_180 : i32 to index
        %get3A_384 = arith.constant 64 : index
        %get3A_385 = tpu.vector_load %arg9[%get3A_383, %get3A_384] {strides = array<i32>} : memref<40x128xi32, #tpu.memory_space<vmem>>, vector<1x16xi32>,
        %get3A_386 = vector.shape_cast %get3A_385 : vector<1x16xi32> to vector<16xi32>
        %mul3A_387 = arith.constant 10000 : i32
        %mul3A_388 = vector.broadcast %mul3A_387 : i32 to vector<16xi32>
        %mul3A_389 = arith.muli %get3A_382, %mul3A_388 : vector<16xi32>
        %add3A_390 = arith.addi %mul3A_389, %get3A_386 : vector<16xi32>
        %swap3A_391 = arith.constant 64 : index
        %swap3A_392 = tpu.vector_load %arg11[%swap3A_391] {strides = array<i32>} : memref<128xi32, #tpu.memory_space<vmem>>, vector<16xi32>,
        %swap3A_393 = vector.shape_cast %swap3A_392 : vector<16xi32> to vector<16xi32>
        %swap3A_394 = vector.shape_cast %add3A_390 : vector<16xi32> to vector<16xi32>
        tpu.vector_store %arg11[%swap3A_391], %swap3A_394 {strides = array<i32>} : memref<128xi32, #tpu.memory_space<vmem>>, vector<16xi32>,
        %get3A_395 = arith.index_cast %min3A_180 : i32 to index
        %get3A_396 = arith.constant 80 : index
        %get3A_397 = tpu.vector_load %arg8[%get3A_395, %get3A_396] {strides = array<i32>} : memref<40x128xi32, #tpu.memory_space<vmem>>, vector<1x16xi32>,
        %get3A_398 = vector.shape_cast %get3A_397 : vector<1x16xi32> to vector<16xi32>
        %get3A_399 = arith.index_cast %min3A_180 : i32 to index
        %get3A_400 = arith.constant 80 : index
        %get3A_401 = tpu.vector_load %arg9[%get3A_399, %get3A_400] {strides = array<i32>} : memref<40x128xi32, #tpu.memory_space<vmem>>, vector<1x16xi32>,
        %get3A_402 = vector.shape_cast %get3A_401 : vector<1x16xi32> to vector<16xi32>
        %mul3A_403 = arith.constant 10000 : i32
        %mul3A_404 = vector.broadcast %mul3A_403 : i32 to vector<16xi32>
        %mul3A_405 = arith.muli %get3A_398, %mul3A_404 : vector<16xi32>
        %add3A_406 = arith.addi %mul3A_405, %get3A_402 : vector<16xi32>
        %swap3A_407 = arith.constant 80 : index
        %swap3A_408 = tpu.vector_load %arg11[%swap3A_407] {strides = array<i32>} : memref<128xi32, #tpu.memory_space<vmem>>, vector<16xi32>,
        %swap3A_409 = vector.shape_cast %swap3A_408 : vector<16xi32> to vector<16xi32>
        %swap3A_410 = vector.shape_cast %add3A_406 : vector<16xi32> to vector<16xi32>
        tpu.vector_store %arg11[%swap3A_407], %swap3A_410 {strides = array<i32>} : memref<128xi32, #tpu.memory_space<vmem>>, vector<16xi32>,
        %get3A_411 = arith.index_cast %min3A_180 : i32 to index
        %get3A_412 = arith.constant 96 : index
        %get3A_413 = tpu.vector_load %arg8[%get3A_411, %get3A_412] {strides = array<i32>} : memref<40x128xi32, #tpu.memory_space<vmem>>, vector<1x16xi32>,
        %get3A_414 = vector.shape_cast %get3A_413 : vector<1x16xi32> to vector<16xi32>
        %get3A_415 = arith.index_cast %min3A_180 : i32 to index
        %get3A_416 = arith.constant 96 : index
        %get3A_417 = tpu.vector_load %arg9[%get3A_415, %get3A_416] {strides = array<i32>} : memref<40x128xi32, #tpu.memory_space<vmem>>, vector<1x16xi32>,
        %get3A_418 = vector.shape_cast %get3A_417 : vector<1x16xi32> to vector<16xi32>
        %mul3A_419 = arith.constant 10000 : i32
        %mul3A_420 = vector.broadcast %mul3A_419 : i32 to vector<16xi32>
        %mul3A_421 = arith.muli %get3A_414, %mul3A_420 : vector<16xi32>
        %add3A_422 = arith.addi %mul3A_421, %get3A_418 : vector<16xi32>
        %swap3A_423 = arith.constant 96 : index
        %swap3A_424 = tpu.vector_load %arg11[%swap3A_423] {strides = array<i32>} : memref<128xi32, #tpu.memory_space<vmem>>, vector<16xi32>,
        %swap3A_425 = vector.shape_cast %swap3A_424 : vector<16xi32> to vector<16xi32>
        %swap3A_426 = vector.shape_cast %add3A_422 : vector<16xi32> to vector<16xi32>
        tpu.vector_store %arg11[%swap3A_423], %swap3A_426 {strides = array<i32>} : memref<128xi32, #tpu.memory_space<vmem>>, vector<16xi32>,
        %get3A_427 = arith.index_cast %min3A_180 : i32 to index
        %get3A_428 = arith.constant 112 : index
        %get3A_429 = tpu.vector_load %arg8[%get3A_427, %get3A_428] {strides = array<i32>} : memref<40x128xi32, #tpu.memory_space<vmem>>, vector<1x16xi32>,
        %get3A_430 = vector.shape_cast %get3A_429 : vector<1x16xi32> to vector<16xi32>
        %get3A_431 = arith.index_cast %min3A_180 : i32 to index
        %get3A_432 = arith.constant 112 : index
        %get3A_433 = tpu.vector_load %arg9[%get3A_431, %get3A_432] {strides = array<i32>} : memref<40x128xi32, #tpu.memory_space<vmem>>, vector<1x16xi32>,
        %get3A_434 = vector.shape_cast %get3A_433 : vector<1x16xi32> to vector<16xi32>
        %mul3A_435 = arith.constant 10000 : i32
        %mul3A_436 = vector.broadcast %mul3A_435 : i32 to vector<16xi32>
        %mul3A_437 = arith.muli %get3A_430, %mul3A_436 : vector<16xi32>
        %add3A_438 = arith.addi %mul3A_437, %get3A_434 : vector<16xi32>
        %swap3A_439 = arith.constant 112 : index
        %swap3A_440 = tpu.vector_load %arg11[%swap3A_439] {strides = array<i32>} : memref<128xi32, #tpu.memory_space<vmem>>, vector<16xi32>,
        %swap3A_441 = vector.shape_cast %swap3A_440 : vector<16xi32> to vector<16xi32>
        %swap3A_442 = vector.shape_cast %add3A_438 : vector<16xi32> to vector<16xi32>
        tpu.vector_store %arg11[%swap3A_439], %swap3A_442 {strides = array<i32>} : memref<128xi32, #tpu.memory_space<vmem>>, vector<16xi32>,
        %dma_start3A_443 = arith.constant 0 : i32
        %dma_start3A_444 = arith.constant 0 : i32
        %dma_start3A_445 = tpu.memref_slice %arg2[%dma_start3A_443, %dma_start3A_444] : memref<90000x128xf32, #tpu.memory_space<hbm>> -> memref<90000x128xf32, #tpu.memory_space<hbm>>
        tpu.enqueue_indirect_dma source(%dma_start3A_445 : memref<90000x128xf32, #tpu.memory_space<hbm>>) target(%arg13 : memref<128x128xf32, #tpu.memory_space<vmem>>) offsets(%arg11 : memref<128xi32, #tpu.memory_space<vmem>>) semaphore(%arg16 : memref<!tpu.dma_semaphore, #tpu.memory_space<semaphore_mem>>)
        %dma_wait3A_446 = arith.constant 0 : i32
        %dma_wait3A_447 = arith.constant 0 : i32
        %dma_wait3A_448 = tpu.memref_slice %arg2[%dma_wait3A_446, %dma_wait3A_447] : memref<90000x128xf32, #tpu.memory_space<hbm>> -> memref<90000x128xf32, #tpu.memory_space<hbm>>
        tpu.wait_indirect_dma semaphore(%arg17 : memref<!tpu.dma_semaphore, #tpu.memory_space<semaphore_mem>>) src(%dma_wait3A_448 : memref<90000x128xf32, #tpu.memory_space<hbm>>) dst(%arg14 : memref<128x128xf32, #tpu.memory_space<vmem>>)
        "tpu.region"() ({
          %run_scoped3A = tpu.sem_alloc : memref<!tpu.dma_semaphore, #tpu.memory_space<semaphore_mem>>
          %dma_start3A_449 = arith.constant 0 : i32
          %dma_start3A_450 = tpu.memref_slice %arg10[%add3A_177, %dma_start3A_449] : memref<40x128xi32, #tpu.memory_space<vmem>> -> memref<1x128xi32, #tpu.memory_space<vmem>>
          %dma_start3A_451 = tpu.memref_squeeze %dma_start3A_450 : memref<1x128xi32, #tpu.memory_space<vmem>> -> memref<128xi32, #tpu.memory_space<vmem>>
          %dma_start3A_452 = arith.constant 0 : i32
          %dma_start3A_453 = arith.constant 0 : i32
          %dma_start3A_454 = tpu.memref_slice %arg15[%dma_start3A_452, %dma_start3A_453] : memref<10240x128xf32, #tpu.memory_space<vmem_shared>> -> memref<10240x128xf32, #tpu.memory_space<vmem_shared>>
          tpu.enqueue_indirect_dma source(%arg14 : memref<128x128xf32, #tpu.memory_space<vmem>>) target(%dma_start3A_454 : memref<10240x128xf32, #tpu.memory_space<vmem_shared>>) offsets(%dma_start3A_451 : memref<128xi32, #tpu.memory_space<vmem>>) semaphore(%run_scoped3A : memref<!tpu.dma_semaphore, #tpu.memory_space<semaphore_mem>>) {add = true}
          %dma_wait3A_455 = arith.constant 0 : i32
          %dma_wait3A_456 = tpu.memref_slice %arg10[%add3A_177, %dma_wait3A_455] : memref<40x128xi32, #tpu.memory_space<vmem>> -> memref<1x128xi32, #tpu.memory_space<vmem>>
          %dma_wait3A_457 = tpu.memref_squeeze %dma_wait3A_456 : memref<1x128xi32, #tpu.memory_space<vmem>> -> memref<128xi32, #tpu.memory_space<vmem>>
          %dma_wait3A_458 = arith.constant 0 : i32
          %dma_wait3A_459 = arith.constant 0 : i32
          %dma_wait3A_460 = tpu.memref_slice %arg15[%dma_wait3A_458, %dma_wait3A_459] : memref<10240x128xf32, #tpu.memory_space<vmem_shared>> -> memref<10240x128xf32, #tpu.memory_space<vmem_shared>>
          tpu.wait_indirect_dma semaphore(%run_scoped3A : memref<!tpu.dma_semaphore, #tpu.memory_space<semaphore_mem>>) src(%arg14 : memref<128x128xf32, #tpu.memory_space<vmem>>) dst(%dma_wait3A_460 : memref<10240x128xf32, #tpu.memory_space<vmem_shared>>)
          tpu.yield
        }) : () -> ()
      }
      %scan3A_170 = arith.constant 20 : i32
      %dma_wait3A = arith.constant 0 : i32
      %dma_wait3A_171 = arith.constant 0 : i32
      %dma_wait3A_172 = tpu.memref_slice %arg2[%dma_wait3A, %dma_wait3A_171] : memref<90000x128xf32, #tpu.memory_space<hbm>> -> memref<90000x128xf32, #tpu.memory_space<hbm>>
      tpu.wait_indirect_dma semaphore(%arg16 : memref<!tpu.dma_semaphore, #tpu.memory_space<semaphore_mem>>) src(%dma_wait3A_172 : memref<90000x128xf32, #tpu.memory_space<hbm>>) dst(%arg13 : memref<128x128xf32, #tpu.memory_space<vmem>>)
    }
    %scan3A_9 = arith.constant 2 : i32
    %barrier3A_10 = arith.constant 0 : index
    tpu.barrier barrier_id(%barrier3A_10)
    %lt3A = arith.constant 15 : i32
    %lt3A_11 = arith.cmpi slt, %arg1, %lt3A : i32
    %convert_element_type3A = arith.extui %lt3A_11 : i1 to i32
    %cond3A = arith.constant 0 : i32
    %cond3A_12 = arith.cmpi ne, %convert_element_type3A, %cond3A : i32
    scf.if %cond3A_12 {
      %mul3A_17 = arith.constant 640 : i32
      %mul3A_18 = arith.muli %arg1, %mul3A_17 : i32
      %mul3A_19 = arith.constant 640 : i32
      %mul3A_20 = arith.muli %arg1, %mul3A_19 : i32
      "tpu.region"() ({
        %run_scoped3A = tpu.sem_alloc : memref<!tpu.dma_semaphore, #tpu.memory_space<semaphore_mem>>
        %dma_start3A = arith.constant 0 : i32
        %dma_start3A_21 = tpu.memref_slice %arg7[%arg0, %mul3A_20, %dma_start3A] : memref<2x10000x128xf32, #tpu.memory_space<hbm>> -> memref<1x640x128xf32, #tpu.memory_space<hbm>>
        %dma_start3A_22 = tpu.memref_squeeze %dma_start3A_21 : memref<1x640x128xf32, #tpu.memory_space<hbm>> -> memref<640x128xf32, #tpu.memory_space<hbm>>
        %dma_start3A_23 = arith.constant 0 : i32
        %dma_start3A_24 = tpu.memref_slice %arg15[%mul3A_18, %dma_start3A_23] : memref<10240x128xf32, #tpu.memory_space<vmem_shared>> -> memref<640x128xf32, #tpu.memory_space<vmem_shared>>
        tpu.enqueue_dma source(%dma_start3A_24 : memref<640x128xf32, #tpu.memory_space<vmem_shared>>) target(%dma_start3A_22 : memref<640x128xf32, #tpu.memory_space<hbm>>) target_semaphore(%run_scoped3A : memref<!tpu.dma_semaphore, #tpu.memory_space<semaphore_mem>>)
        %dma_wait3A = arith.constant 0 : i32
        %dma_wait3A_25 = tpu.memref_slice %arg7[%arg0, %mul3A_20, %dma_wait3A] : memref<2x10000x128xf32, #tpu.memory_space<hbm>> -> memref<1x640x128xf32, #tpu.memory_space<hbm>>
        %dma_wait3A_26 = tpu.memref_squeeze %dma_wait3A_25 : memref<1x640x128xf32, #tpu.memory_space<hbm>> -> memref<640x128xf32, #tpu.memory_space<hbm>>
        %dma_wait3A_27 = arith.constant 0 : i32
        %dma_wait3A_28 = tpu.memref_slice %arg15[%mul3A_18, %dma_wait3A_27] : memref<10240x128xf32, #tpu.memory_space<vmem_shared>> -> memref<640x128xf32, #tpu.memory_space<vmem_shared>>
        tpu.wait_dma2 semaphore(%run_scoped3A : memref<!tpu.dma_semaphore, #tpu.memory_space<semaphore_mem>>) src(%dma_wait3A_28 : memref<640x128xf32, #tpu.memory_space<vmem_shared>>) dst(%dma_wait3A_26 : memref<640x128xf32, #tpu.memory_space<hbm>>)
        tpu.yield
      }) : () -> ()
    } else {
    }
    %eq3A = arith.constant 15 : i32
    %eq3A_13 = arith.cmpi eq, %arg1, %eq3A : i32
    %convert_element_type3A_14 = arith.extui %eq3A_13 : i1 to i32
    %cond3A_15 = arith.constant 0 : i32
    %cond3A_16 = arith.cmpi ne, %convert_element_type3A_14, %cond3A_15 : i32
    scf.if %cond3A_16 {
      "tpu.region"() ({
        %run_scoped3A = tpu.sem_alloc : memref<!tpu.dma_semaphore, #tpu.memory_space<semaphore_mem>>
        %dma_start3A = arith.constant 9600 : i32
        %dma_start3A_17 = arith.constant 0 : i32
        %dma_start3A_18 = tpu.memref_slice %arg7[%arg0, %dma_start3A, %dma_start3A_17] : memref<2x10000x128xf32, #tpu.memory_space<hbm>> -> memref<1x400x128xf32, #tpu.memory_space<hbm>>
        %dma_start3A_19 = tpu.memref_squeeze %dma_start3A_18 : memref<1x400x128xf32, #tpu.memory_space<hbm>> -> memref<400x128xf32, #tpu.memory_space<hbm>>
        %dma_start3A_20 = arith.constant 9600 : i32
        %dma_start3A_21 = arith.constant 0 : i32
        %dma_start3A_22 = tpu.memref_slice %arg15[%dma_start3A_20, %dma_start3A_21] : memref<10240x128xf32, #tpu.memory_space<vmem_shared>> -> memref<400x128xf32, #tpu.memory_space<vmem_shared>>
        tpu.enqueue_dma source(%dma_start3A_22 : memref<400x128xf32, #tpu.memory_space<vmem_shared>>) target(%dma_start3A_19 : memref<400x128xf32, #tpu.memory_space<hbm>>) target_semaphore(%run_scoped3A : memref<!tpu.dma_semaphore, #tpu.memory_space<semaphore_mem>>)
        %dma_wait3A = arith.constant 9600 : i32
        %dma_wait3A_23 = arith.constant 0 : i32
        %dma_wait3A_24 = tpu.memref_slice %arg7[%arg0, %dma_wait3A, %dma_wait3A_23] : memref<2x10000x128xf32, #tpu.memory_space<hbm>> -> memref<1x400x128xf32, #tpu.memory_space<hbm>>
        %dma_wait3A_25 = tpu.memref_squeeze %dma_wait3A_24 : memref<1x400x128xf32, #tpu.memory_space<hbm>> -> memref<400x128xf32, #tpu.memory_space<hbm>>
        %dma_wait3A_26 = arith.constant 9600 : i32
        %dma_wait3A_27 = arith.constant 0 : i32
        %dma_wait3A_28 = tpu.memref_slice %arg15[%dma_wait3A_26, %dma_wait3A_27] : memref<10240x128xf32, #tpu.memory_space<vmem_shared>> -> memref<400x128xf32, #tpu.memory_space<vmem_shared>>
        tpu.wait_dma2 semaphore(%run_scoped3A : memref<!tpu.dma_semaphore, #tpu.memory_space<semaphore_mem>>) src(%dma_wait3A_28 : memref<400x128xf32, #tpu.memory_space<vmem_shared>>) dst(%dma_wait3A_25 : memref<400x128xf32, #tpu.memory_space<hbm>>)
        tpu.yield
      }) : () -> ()
    } else {
    }
    return
  }
}

module attributes {stable_mosaic.version = 14 : i64} {
  func.func @_weights_body(%arg0: memref<8x8xf32, #tpu.memory_space<vmem>>, %arg1: memref<8x128x128xf32, #tpu.memory_space<vmem>>, %arg2: memref<128x128xf32, #tpu.memory_space<vmem>>, %arg3: memref<9x128x128xf32, #tpu.memory_space<vmem>>) attributes {dimension_semantics = [], scalar_prefetch = 0 : i64, scratch_operands = 0 : i64, tpu.core_type = #tpu.core_type<tc>} {
    %get3A = arith.constant 0 : index
    %get3A_0 = arith.constant 0 : index
    %get3A_1 = arith.constant 0 : index
    %get3A_2 = vector.load %arg1[%get3A, %get3A_0, %get3A_1] : memref<8x128x128xf32, #tpu.memory_space<vmem>>, vector<8x128x128xf32>
    %convert_element_type3A = arith.truncf %get3A_2 : vector<8x128x128xf32> to vector<8x128x128xbf16>
    %convert_element_type3A_3 = arith.extf %convert_element_type3A : vector<8x128x128xbf16> to vector<8x128x128xf32>
    %get3A_4 = arith.constant 0 : index
    %get3A_5 = arith.constant 0 : index
    %get3A_6 = vector.load %arg0[%get3A_4, %get3A_5] : memref<8x8xf32, #tpu.memory_space<vmem>>, vector<1x8xf32>
    %get3A_7 = vector.shape_cast %get3A_6 : vector<1x8xf32> to vector<8xf32>
    %convert_element_type3A_8 = arith.truncf %get3A_7 : vector<8xf32> to vector<8xbf16>
    %convert_element_type3A_9 = arith.extf %convert_element_type3A_8 : vector<8xbf16> to vector<8xf32>
    %broadcast_in_dim3A = vector.shape_cast %convert_element_type3A_9 : vector<8xf32> to vector<8x1x1xf32>
    %mul3A = vector.broadcast %broadcast_in_dim3A : vector<8x1x1xf32> to vector<8x128x128xf32>
    %mul3A_10 = arith.mulf %mul3A, %convert_element_type3A_3 : vector<8x128x128xf32>
    %reduce_sum3A = arith.constant dense<0.000000e+00> : vector<128x128xf32>
    %reduce_sum3A_11 = vector.multi_reduction <add>, %mul3A_10, %reduce_sum3A [0] : vector<8x128x128xf32> to vector<128x128xf32>
    %swap3A = arith.constant 0 : index
    %swap3A_12 = arith.constant 0 : index
    %swap3A_13 = arith.constant 0 : index
    %swap3A_14 = vector.load %arg3[%swap3A, %swap3A_12, %swap3A_13] : memref<9x128x128xf32, #tpu.memory_space<vmem>>, vector<1x128x128xf32>
    %swap3A_15 = vector.shape_cast %swap3A_14 : vector<1x128x128xf32> to vector<128x128xf32>
    %swap3A_16 = vector.shape_cast %reduce_sum3A_11 : vector<128x128xf32> to vector<1x128x128xf32>
    tpu.vector_store %arg3[%swap3A, %swap3A_12, %swap3A_13], %swap3A_16 {strides = array<i32>} : memref<9x128x128xf32, #tpu.memory_space<vmem>>, vector<1x128x128xf32>,
    %get3A_17 = arith.constant 1 : index
    %get3A_18 = arith.constant 0 : index
    %get3A_19 = vector.load %arg0[%get3A_17, %get3A_18] : memref<8x8xf32, #tpu.memory_space<vmem>>, vector<1x8xf32>
    %get3A_20 = vector.shape_cast %get3A_19 : vector<1x8xf32> to vector<8xf32>
    %convert_element_type3A_21 = arith.truncf %get3A_20 : vector<8xf32> to vector<8xbf16>
    %convert_element_type3A_22 = arith.extf %convert_element_type3A_21 : vector<8xbf16> to vector<8xf32>
    %broadcast_in_dim3A_23 = vector.shape_cast %convert_element_type3A_22 : vector<8xf32> to vector<8x1x1xf32>
    %mul3A_24 = vector.broadcast %broadcast_in_dim3A_23 : vector<8x1x1xf32> to vector<8x128x128xf32>
    %mul3A_25 = arith.mulf %mul3A_24, %convert_element_type3A_3 : vector<8x128x128xf32>
    %reduce_sum3A_26 = arith.constant dense<0.000000e+00> : vector<128x128xf32>
    %reduce_sum3A_27 = vector.multi_reduction <add>, %mul3A_25, %reduce_sum3A_26 [0] : vector<8x128x128xf32> to vector<128x128xf32>
    %swap3A_28 = arith.constant 1 : index
    %swap3A_29 = arith.constant 0 : index
    %swap3A_30 = arith.constant 0 : index
    %swap3A_31 = vector.load %arg3[%swap3A_28, %swap3A_29, %swap3A_30] : memref<9x128x128xf32, #tpu.memory_space<vmem>>, vector<1x128x128xf32>
    %swap3A_32 = vector.shape_cast %swap3A_31 : vector<1x128x128xf32> to vector<128x128xf32>
    %swap3A_33 = vector.shape_cast %reduce_sum3A_27 : vector<128x128xf32> to vector<1x128x128xf32>
    tpu.vector_store %arg3[%swap3A_28, %swap3A_29, %swap3A_30], %swap3A_33 {strides = array<i32>} : memref<9x128x128xf32, #tpu.memory_space<vmem>>, vector<1x128x128xf32>,
    %get3A_34 = arith.constant 2 : index
    %get3A_35 = arith.constant 0 : index
    %get3A_36 = vector.load %arg0[%get3A_34, %get3A_35] : memref<8x8xf32, #tpu.memory_space<vmem>>, vector<1x8xf32>
    %get3A_37 = vector.shape_cast %get3A_36 : vector<1x8xf32> to vector<8xf32>
    %convert_element_type3A_38 = arith.truncf %get3A_37 : vector<8xf32> to vector<8xbf16>
    %convert_element_type3A_39 = arith.extf %convert_element_type3A_38 : vector<8xbf16> to vector<8xf32>
    %broadcast_in_dim3A_40 = vector.shape_cast %convert_element_type3A_39 : vector<8xf32> to vector<8x1x1xf32>
    %mul3A_41 = vector.broadcast %broadcast_in_dim3A_40 : vector<8x1x1xf32> to vector<8x128x128xf32>
    %mul3A_42 = arith.mulf %mul3A_41, %convert_element_type3A_3 : vector<8x128x128xf32>
    %reduce_sum3A_43 = arith.constant dense<0.000000e+00> : vector<128x128xf32>
    %reduce_sum3A_44 = vector.multi_reduction <add>, %mul3A_42, %reduce_sum3A_43 [0] : vector<8x128x128xf32> to vector<128x128xf32>
    %swap3A_45 = arith.constant 2 : index
    %swap3A_46 = arith.constant 0 : index
    %swap3A_47 = arith.constant 0 : index
    %swap3A_48 = vector.load %arg3[%swap3A_45, %swap3A_46, %swap3A_47] : memref<9x128x128xf32, #tpu.memory_space<vmem>>, vector<1x128x128xf32>
    %swap3A_49 = vector.shape_cast %swap3A_48 : vector<1x128x128xf32> to vector<128x128xf32>
    %swap3A_50 = vector.shape_cast %reduce_sum3A_44 : vector<128x128xf32> to vector<1x128x128xf32>
    tpu.vector_store %arg3[%swap3A_45, %swap3A_46, %swap3A_47], %swap3A_50 {strides = array<i32>} : memref<9x128x128xf32, #tpu.memory_space<vmem>>, vector<1x128x128xf32>,
    %get3A_51 = arith.constant 3 : index
    %get3A_52 = arith.constant 0 : index
    %get3A_53 = vector.load %arg0[%get3A_51, %get3A_52] : memref<8x8xf32, #tpu.memory_space<vmem>>, vector<1x8xf32>
    %get3A_54 = vector.shape_cast %get3A_53 : vector<1x8xf32> to vector<8xf32>
    %convert_element_type3A_55 = arith.truncf %get3A_54 : vector<8xf32> to vector<8xbf16>
    %convert_element_type3A_56 = arith.extf %convert_element_type3A_55 : vector<8xbf16> to vector<8xf32>
    %broadcast_in_dim3A_57 = vector.shape_cast %convert_element_type3A_56 : vector<8xf32> to vector<8x1x1xf32>
    %mul3A_58 = vector.broadcast %broadcast_in_dim3A_57 : vector<8x1x1xf32> to vector<8x128x128xf32>
    %mul3A_59 = arith.mulf %mul3A_58, %convert_element_type3A_3 : vector<8x128x128xf32>
    %reduce_sum3A_60 = arith.constant dense<0.000000e+00> : vector<128x128xf32>
    %reduce_sum3A_61 = vector.multi_reduction <add>, %mul3A_59, %reduce_sum3A_60 [0] : vector<8x128x128xf32> to vector<128x128xf32>
    %swap3A_62 = arith.constant 3 : index
    %swap3A_63 = arith.constant 0 : index
    %swap3A_64 = arith.constant 0 : index
    %swap3A_65 = vector.load %arg3[%swap3A_62, %swap3A_63, %swap3A_64] : memref<9x128x128xf32, #tpu.memory_space<vmem>>, vector<1x128x128xf32>
    %swap3A_66 = vector.shape_cast %swap3A_65 : vector<1x128x128xf32> to vector<128x128xf32>
    %swap3A_67 = vector.shape_cast %reduce_sum3A_61 : vector<128x128xf32> to vector<1x128x128xf32>
    tpu.vector_store %arg3[%swap3A_62, %swap3A_63, %swap3A_64], %swap3A_67 {strides = array<i32>} : memref<9x128x128xf32, #tpu.memory_space<vmem>>, vector<1x128x128xf32>,
    %get3A_68 = arith.constant 4 : index
    %get3A_69 = arith.constant 0 : index
    %get3A_70 = vector.load %arg0[%get3A_68, %get3A_69] : memref<8x8xf32, #tpu.memory_space<vmem>>, vector<1x8xf32>
    %get3A_71 = vector.shape_cast %get3A_70 : vector<1x8xf32> to vector<8xf32>
    %convert_element_type3A_72 = arith.truncf %get3A_71 : vector<8xf32> to vector<8xbf16>
    %convert_element_type3A_73 = arith.extf %convert_element_type3A_72 : vector<8xbf16> to vector<8xf32>
    %broadcast_in_dim3A_74 = vector.shape_cast %convert_element_type3A_73 : vector<8xf32> to vector<8x1x1xf32>
    %mul3A_75 = vector.broadcast %broadcast_in_dim3A_74 : vector<8x1x1xf32> to vector<8x128x128xf32>
    %mul3A_76 = arith.mulf %mul3A_75, %convert_element_type3A_3 : vector<8x128x128xf32>
    %reduce_sum3A_77 = arith.constant dense<0.000000e+00> : vector<128x128xf32>
    %reduce_sum3A_78 = vector.multi_reduction <add>, %mul3A_76, %reduce_sum3A_77 [0] : vector<8x128x128xf32> to vector<128x128xf32>
    %swap3A_79 = arith.constant 4 : index
    %swap3A_80 = arith.constant 0 : index
    %swap3A_81 = arith.constant 0 : index
    %swap3A_82 = vector.load %arg3[%swap3A_79, %swap3A_80, %swap3A_81] : memref<9x128x128xf32, #tpu.memory_space<vmem>>, vector<1x128x128xf32>
    %swap3A_83 = vector.shape_cast %swap3A_82 : vector<1x128x128xf32> to vector<128x128xf32>
    %swap3A_84 = vector.shape_cast %reduce_sum3A_78 : vector<128x128xf32> to vector<1x128x128xf32>
    tpu.vector_store %arg3[%swap3A_79, %swap3A_80, %swap3A_81], %swap3A_84 {strides = array<i32>} : memref<9x128x128xf32, #tpu.memory_space<vmem>>, vector<1x128x128xf32>,
    %get3A_85 = arith.constant 5 : index
    %get3A_86 = arith.constant 0 : index
    %get3A_87 = vector.load %arg0[%get3A_85, %get3A_86] : memref<8x8xf32, #tpu.memory_space<vmem>>, vector<1x8xf32>
    %get3A_88 = vector.shape_cast %get3A_87 : vector<1x8xf32> to vector<8xf32>
    %convert_element_type3A_89 = arith.truncf %get3A_88 : vector<8xf32> to vector<8xbf16>
    %convert_element_type3A_90 = arith.extf %convert_element_type3A_89 : vector<8xbf16> to vector<8xf32>
    %broadcast_in_dim3A_91 = vector.shape_cast %convert_element_type3A_90 : vector<8xf32> to vector<8x1x1xf32>
    %mul3A_92 = vector.broadcast %broadcast_in_dim3A_91 : vector<8x1x1xf32> to vector<8x128x128xf32>
    %mul3A_93 = arith.mulf %mul3A_92, %convert_element_type3A_3 : vector<8x128x128xf32>
    %reduce_sum3A_94 = arith.constant dense<0.000000e+00> : vector<128x128xf32>
    %reduce_sum3A_95 = vector.multi_reduction <add>, %mul3A_93, %reduce_sum3A_94 [0] : vector<8x128x128xf32> to vector<128x128xf32>
    %swap3A_96 = arith.constant 5 : index
    %swap3A_97 = arith.constant 0 : index
    %swap3A_98 = arith.constant 0 : index
    %swap3A_99 = vector.load %arg3[%swap3A_96, %swap3A_97, %swap3A_98] : memref<9x128x128xf32, #tpu.memory_space<vmem>>, vector<1x128x128xf32>
    %swap3A_100 = vector.shape_cast %swap3A_99 : vector<1x128x128xf32> to vector<128x128xf32>
    %swap3A_101 = vector.shape_cast %reduce_sum3A_95 : vector<128x128xf32> to vector<1x128x128xf32>
    tpu.vector_store %arg3[%swap3A_96, %swap3A_97, %swap3A_98], %swap3A_101 {strides = array<i32>} : memref<9x128x128xf32, #tpu.memory_space<vmem>>, vector<1x128x128xf32>,
    %get3A_102 = arith.constant 6 : index
    %get3A_103 = arith.constant 0 : index
    %get3A_104 = vector.load %arg0[%get3A_102, %get3A_103] : memref<8x8xf32, #tpu.memory_space<vmem>>, vector<1x8xf32>
    %get3A_105 = vector.shape_cast %get3A_104 : vector<1x8xf32> to vector<8xf32>
    %convert_element_type3A_106 = arith.truncf %get3A_105 : vector<8xf32> to vector<8xbf16>
    %convert_element_type3A_107 = arith.extf %convert_element_type3A_106 : vector<8xbf16> to vector<8xf32>
    %broadcast_in_dim3A_108 = vector.shape_cast %convert_element_type3A_107 : vector<8xf32> to vector<8x1x1xf32>
    %mul3A_109 = vector.broadcast %broadcast_in_dim3A_108 : vector<8x1x1xf32> to vector<8x128x128xf32>
    %mul3A_110 = arith.mulf %mul3A_109, %convert_element_type3A_3 : vector<8x128x128xf32>
    %reduce_sum3A_111 = arith.constant dense<0.000000e+00> : vector<128x128xf32>
    %reduce_sum3A_112 = vector.multi_reduction <add>, %mul3A_110, %reduce_sum3A_111 [0] : vector<8x128x128xf32> to vector<128x128xf32>
    %swap3A_113 = arith.constant 6 : index
    %swap3A_114 = arith.constant 0 : index
    %swap3A_115 = arith.constant 0 : index
    %swap3A_116 = vector.load %arg3[%swap3A_113, %swap3A_114, %swap3A_115] : memref<9x128x128xf32, #tpu.memory_space<vmem>>, vector<1x128x128xf32>
    %swap3A_117 = vector.shape_cast %swap3A_116 : vector<1x128x128xf32> to vector<128x128xf32>
    %swap3A_118 = vector.shape_cast %reduce_sum3A_112 : vector<128x128xf32> to vector<1x128x128xf32>
    tpu.vector_store %arg3[%swap3A_113, %swap3A_114, %swap3A_115], %swap3A_118 {strides = array<i32>} : memref<9x128x128xf32, #tpu.memory_space<vmem>>, vector<1x128x128xf32>,
    %get3A_119 = arith.constant 7 : index
    %get3A_120 = arith.constant 0 : index
    %get3A_121 = vector.load %arg0[%get3A_119, %get3A_120] : memref<8x8xf32, #tpu.memory_space<vmem>>, vector<1x8xf32>
    %get3A_122 = vector.shape_cast %get3A_121 : vector<1x8xf32> to vector<8xf32>
    %convert_element_type3A_123 = arith.truncf %get3A_122 : vector<8xf32> to vector<8xbf16>
    %convert_element_type3A_124 = arith.extf %convert_element_type3A_123 : vector<8xbf16> to vector<8xf32>
    %broadcast_in_dim3A_125 = vector.shape_cast %convert_element_type3A_124 : vector<8xf32> to vector<8x1x1xf32>
    %mul3A_126 = vector.broadcast %broadcast_in_dim3A_125 : vector<8x1x1xf32> to vector<8x128x128xf32>
    %mul3A_127 = arith.mulf %mul3A_126, %convert_element_type3A_3 : vector<8x128x128xf32>
    %reduce_sum3A_128 = arith.constant dense<0.000000e+00> : vector<128x128xf32>
    %reduce_sum3A_129 = vector.multi_reduction <add>, %mul3A_127, %reduce_sum3A_128 [0] : vector<8x128x128xf32> to vector<128x128xf32>
    %swap3A_130 = arith.constant 7 : index
    %swap3A_131 = arith.constant 0 : index
    %swap3A_132 = arith.constant 0 : index
    %swap3A_133 = vector.load %arg3[%swap3A_130, %swap3A_131, %swap3A_132] : memref<9x128x128xf32, #tpu.memory_space<vmem>>, vector<1x128x128xf32>
    %swap3A_134 = vector.shape_cast %swap3A_133 : vector<1x128x128xf32> to vector<128x128xf32>
    %swap3A_135 = vector.shape_cast %reduce_sum3A_129 : vector<128x128xf32> to vector<1x128x128xf32>
    tpu.vector_store %arg3[%swap3A_130, %swap3A_131, %swap3A_132], %swap3A_135 {strides = array<i32>} : memref<9x128x128xf32, #tpu.memory_space<vmem>>, vector<1x128x128xf32>,
    %get3A_136 = arith.constant 0 : index
    %get3A_137 = arith.constant 0 : index
    %get3A_138 = vector.load %arg2[%get3A_136, %get3A_137] : memref<128x128xf32, #tpu.memory_space<vmem>>, vector<128x128xf32>
    %swap3A_139 = arith.constant 8 : index
    %swap3A_140 = arith.constant 0 : index
    %swap3A_141 = arith.constant 0 : index
    %swap3A_142 = vector.load %arg3[%swap3A_139, %swap3A_140, %swap3A_141] : memref<9x128x128xf32, #tpu.memory_space<vmem>>, vector<1x128x128xf32>
    %swap3A_143 = vector.shape_cast %swap3A_142 : vector<1x128x128xf32> to vector<128x128xf32>
    %swap3A_144 = vector.shape_cast %get3A_138 : vector<128x128xf32> to vector<1x128x128xf32>
    tpu.vector_store %arg3[%swap3A_139, %swap3A_140, %swap3A_141], %swap3A_144 {strides = array<i32>} : memref<9x128x128xf32, #tpu.memory_space<vmem>>, vector<1x128x128xf32>,
    return
  }
}

module attributes {stable_mosaic.version = 14 : i64} {
  func.func @_transform_body(%arg0: i32, %arg1: i32, %arg2: memref<2000x128xf32, #tpu.memory_space<vmem>>, %arg3: memref<1x128x128xf32, #tpu.memory_space<vmem>>, %arg4: memref<1x2000x128xf32, #tpu.memory_space<vmem>>) attributes {dimension_semantics = [#tpu.dimension_semantics<arbitrary>, #tpu.dimension_semantics<arbitrary>], iteration_bounds = array<i64: 9, 5>, scalar_prefetch = 0 : i64, scratch_operands = 0 : i64, tpu.core_type = #tpu.core_type<tc>, window_params = [{transform_indices = @transform_0, window_bounds = array<i64: 2000, 128>}, {transform_indices = @transform_1, window_bounds = array<i64: 1, 128, 128>}, {transform_indices = @transform_2, window_bounds = array<i64: 1, 2000, 128>}]} {
    %get3A = arith.constant 0 : index
    %get3A_0 = arith.constant 0 : index
    %get3A_1 = vector.load %arg2[%get3A, %get3A_0] : memref<2000x128xf32, #tpu.memory_space<vmem>>, vector<2000x128xf32>
    %convert_element_type3A = arith.truncf %get3A_1 : vector<2000x128xf32> to vector<2000x128xbf16>
    %get3A_2 = arith.constant 0 : index
    %get3A_3 = arith.constant 0 : index
    %get3A_4 = arith.constant 0 : index
    %get3A_5 = vector.load %arg3[%get3A_2, %get3A_3, %get3A_4] : memref<1x128x128xf32, #tpu.memory_space<vmem>>, vector<1x128x128xf32>
    %get3A_6 = vector.shape_cast %get3A_5 : vector<1x128x128xf32> to vector<128x128xf32>
    %convert_element_type3A_7 = arith.truncf %get3A_6 : vector<128x128xf32> to vector<128x128xbf16>
    %dot_general3A = arith.constant dense<0.000000e+00> : vector<2000x128xf32>
    %dot_general3A_8 = tpu.matmul %convert_element_type3A, %convert_element_type3A_7, %dot_general3A {dimension_numbers = #tpu.dot_dimension_numbers<[1], [0], [0], [1], [0, 0, 1, 1], [], []>, transpose_lhs_hint = false} : vector<2000x128xbf16>, vector<128x128xbf16>, vector<2000x128xf32> -> vector<2000x128xf32>
    %swap3A = arith.constant 0 : index
    %swap3A_9 = arith.constant 0 : index
    %swap3A_10 = arith.constant 0 : index
    %swap3A_11 = vector.load %arg4[%swap3A, %swap3A_9, %swap3A_10] : memref<1x2000x128xf32, #tpu.memory_space<vmem>>, vector<1x2000x128xf32>
    %swap3A_12 = vector.shape_cast %swap3A_11 : vector<1x2000x128xf32> to vector<2000x128xf32>
    %swap3A_13 = vector.shape_cast %dot_general3A_8 : vector<2000x128xf32> to vector<1x2000x128xf32>
    tpu.vector_store %arg4[%swap3A, %swap3A_9, %swap3A_10], %swap3A_13 {strides = array<i32>} : memref<1x2000x128xf32, #tpu.memory_space<vmem>>, vector<1x2000x128xf32>,
    return
  }
  func.func @transform_0(%arg0: i32, %arg1: i32) -> (i32, i32) {
    %c0_i32 = arith.constant 0 : i32
    %c0_i32_0 = arith.constant 0 : i32
    return %arg1, %c0_i32 : i32, i32
  }
  func.func @transform_1(%arg0: i32, %arg1: i32) -> (i32, i32, i32) {
    %c0_i32 = arith.constant 0 : i32
    %c0_i32_0 = arith.constant 0 : i32
    %c0_i32_1 = arith.constant 0 : i32
    return %arg0, %c0_i32, %c0_i32_0 : i32, i32, i32
  }
  func.func @transform_2(%arg0: i32, %arg1: i32) -> (i32, i32, i32) {
    %c0_i32 = arith.constant 0 : i32
    %c0_i32_0 = arith.constant 0 : i32
    return %arg0, %arg1, %c0_i32 : i32, i32, i32
  }
}

module attributes {stable_mosaic.version = 14 : i64} {
  func.func @_combine_body(%arg0: i32, %arg1: memref<2000x128xf32, #tpu.memory_space<vmem>>, %arg2: memref<2x2000x128xf32, #tpu.memory_space<vmem>>, %arg3: memref<1x128xf32, #tpu.memory_space<vmem>>, %arg4: memref<1x128xf32, #tpu.memory_space<vmem>>, %arg5: memref<2000x128xf32, #tpu.memory_space<vmem>>) attributes {dimension_semantics = [#tpu.dimension_semantics<arbitrary>], iteration_bounds = array<i64: 5>, scalar_prefetch = 0 : i64, scratch_operands = 0 : i64, tpu.core_type = #tpu.core_type<tc>, window_params = [{transform_indices = @transform_0, window_bounds = array<i64: 2000, 128>}, {transform_indices = @transform_1, window_bounds = array<i64: 2, 2000, 128>}, {pipeline_mode = #tpu.pipeline_mode<synchronous>, transform_indices = @transform_2, window_bounds = array<i64: 1, 128>}, {pipeline_mode = #tpu.pipeline_mode<synchronous>, transform_indices = @transform_3, window_bounds = array<i64: 1, 128>}, {transform_indices = @transform_4, window_bounds = array<i64: 2000, 128>}]} {
    %get3A = arith.constant 0 : index
    %get3A_0 = arith.constant 0 : index
    %get3A_1 = vector.load %arg1[%get3A, %get3A_0] : memref<2000x128xf32, #tpu.memory_space<vmem>>, vector<2000x128xf32>
    %get3A_2 = arith.constant 0 : index
    %get3A_3 = arith.constant 0 : index
    %get3A_4 = arith.constant 0 : index
    %get3A_5 = vector.load %arg2[%get3A_2, %get3A_3, %get3A_4] : memref<2x2000x128xf32, #tpu.memory_space<vmem>>, vector<1x2000x128xf32>
    %get3A_6 = vector.shape_cast %get3A_5 : vector<1x2000x128xf32> to vector<2000x128xf32>
    %add3A = arith.addf %get3A_1, %get3A_6 : vector<2000x128xf32>
    %get3A_7 = arith.constant 1 : index
    %get3A_8 = arith.constant 0 : index
    %get3A_9 = arith.constant 0 : index
    %get3A_10 = vector.load %arg2[%get3A_7, %get3A_8, %get3A_9] : memref<2x2000x128xf32, #tpu.memory_space<vmem>>, vector<1x2000x128xf32>
    %get3A_11 = vector.shape_cast %get3A_10 : vector<1x2000x128xf32> to vector<2000x128xf32>
    %add3A_12 = arith.addf %add3A, %get3A_11 : vector<2000x128xf32>
    %max3A = arith.constant 0.000000e+00 : f32
    %max3A_13 = vector.broadcast %max3A : f32 to vector<2000x128xf32>
    %max3A_14 = arith.maximumf %add3A_12, %max3A_13 : vector<2000x128xf32>
    %reduce_sum3A = arith.constant dense<0.000000e+00> : vector<2000xf32>
    %reduce_sum3A_15 = vector.multi_reduction <add>, %max3A_14, %reduce_sum3A [1] : vector<2000x128xf32> to vector<2000xf32>
    %broadcast_in_dim3A = vector.shape_cast %reduce_sum3A_15 : vector<2000xf32> to vector<2000x1xf32>
    %div3A = arith.constant 1.280000e+02 : f32
    %div3A_16 = vector.broadcast %div3A : f32 to vector<2000x1xf32>
    %div3A_17 = arith.divf %broadcast_in_dim3A, %div3A_16 : vector<2000x1xf32>
    %sub3A = vector.broadcast %div3A_17 : vector<2000x1xf32> to vector<2000x128xf32>
    %sub3A_18 = arith.subf %max3A_14, %sub3A : vector<2000x128xf32>
    %mul3A = arith.mulf %sub3A_18, %sub3A_18 : vector<2000x128xf32>
    %reduce_sum3A_19 = arith.constant dense<0.000000e+00> : vector<2000xf32>
    %reduce_sum3A_20 = vector.multi_reduction <add>, %mul3A, %reduce_sum3A_19 [1] : vector<2000x128xf32> to vector<2000xf32>
    %broadcast_in_dim3A_21 = vector.shape_cast %reduce_sum3A_20 : vector<2000xf32> to vector<2000x1xf32>
    %div3A_22 = arith.constant 1.280000e+02 : f32
    %div3A_23 = vector.broadcast %div3A_22 : f32 to vector<2000x1xf32>
    %div3A_24 = arith.divf %broadcast_in_dim3A_21, %div3A_23 : vector<2000x1xf32>
    %add3A_25 = arith.constant 9.99999974E-6 : f32
    %add3A_26 = vector.broadcast %add3A_25 : f32 to vector<2000x1xf32>
    %add3A_27 = arith.addf %div3A_24, %add3A_26 : vector<2000x1xf32>
    %sqrt3A = math.sqrt %add3A_27 : vector<2000x1xf32>
    %div3A_28 = vector.broadcast %sqrt3A : vector<2000x1xf32> to vector<2000x128xf32>
    %div3A_29 = arith.divf %sub3A_18, %div3A_28 : vector<2000x128xf32>
    %get3A_30 = arith.constant 0 : index
    %get3A_31 = arith.constant 0 : index
    %get3A_32 = vector.load %arg3[%get3A_30, %get3A_31] : memref<1x128xf32, #tpu.memory_space<vmem>>, vector<1x128xf32>
    %mul3A_33 = vector.broadcast %get3A_32 : vector<1x128xf32> to vector<2000x128xf32>
    %mul3A_34 = arith.mulf %div3A_29, %mul3A_33 : vector<2000x128xf32>
    %get3A_35 = arith.constant 0 : index
    %get3A_36 = arith.constant 0 : index
    %get3A_37 = vector.load %arg4[%get3A_35, %get3A_36] : memref<1x128xf32, #tpu.memory_space<vmem>>, vector<1x128xf32>
    %add3A_38 = vector.broadcast %get3A_37 : vector<1x128xf32> to vector<2000x128xf32>
    %add3A_39 = arith.addf %mul3A_34, %add3A_38 : vector<2000x128xf32>
    %swap3A = arith.constant 0 : index
    %swap3A_40 = arith.constant 0 : index
    %swap3A_41 = vector.load %arg5[%swap3A, %swap3A_40] : memref<2000x128xf32, #tpu.memory_space<vmem>>, vector<2000x128xf32>
    tpu.vector_store %arg5[%swap3A, %swap3A_40], %add3A_39 {strides = array<i32>} : memref<2000x128xf32, #tpu.memory_space<vmem>>, vector<2000x128xf32>,
    return
  }
  func.func @transform_0(%arg0: i32) -> (i32, i32) {
    %c0_i32 = arith.constant 0 : i32
    %c0_i32_0 = arith.constant 0 : i32
    return %arg0, %c0_i32 : i32, i32
  }
  func.func @transform_1(%arg0: i32) -> (i32, i32, i32) {
    %c0_i32 = arith.constant 0 : i32
    %c0_i32_0 = arith.constant 0 : i32
    %c0_i32_1 = arith.constant 0 : i32
    return %c0_i32, %arg0, %c0_i32_0 : i32, i32, i32
  }
  func.func @transform_2(%arg0: i32) -> (i32, i32) {
    %c0_i32 = arith.constant 0 : i32
    %c0_i32_0 = arith.constant 0 : i32
    %c0_i32_1 = arith.constant 0 : i32
    return %c0_i32, %c0_i32_0 : i32, i32
  }
  func.func @transform_3(%arg0: i32) -> (i32, i32) {
    %c0_i32 = arith.constant 0 : i32
    %c0_i32_0 = arith.constant 0 : i32
    %c0_i32_1 = arith.constant 0 : i32
    return %c0_i32, %c0_i32_0 : i32, i32
  }
  func.func @transform_4(%arg0: i32) -> (i32, i32) {
    %c0_i32 = arith.constant 0 : i32
    %c0_i32_0 = arith.constant 0 : i32
    return %arg0, %c0_i32 : i32, i32
  }
}

module attributes {stable_mosaic.version = 14 : i64} {
  func.func @_predict_body(%arg0: memref<4096x128xf32, #tpu.memory_space<vmem>>, %arg1: memref<4096x128xf32, #tpu.memory_space<vmem>>, %arg2: memref<4096x128xf32, #tpu.memory_space<vmem>>, %arg3: memref<384x128xf32, #tpu.memory_space<vmem>>, %arg4: memref<1x128xf32, #tpu.memory_space<vmem>>, %arg5: memref<1x128xf32, #tpu.memory_space<vmem>>, %arg6: memref<1xf32, #tpu.memory_space<smem>>, %arg7: memref<4096xf32, #tpu.memory_space<vmem>>) attributes {dimension_semantics = [], scalar_prefetch = 0 : i64, scratch_operands = 0 : i64, tpu.core_type = #tpu.core_type<tc>} {
    %get3A = arith.constant 0 : index
    %get3A_0 = arith.constant 0 : index
    %get3A_1 = vector.load %arg0[%get3A, %get3A_0] : memref<4096x128xf32, #tpu.memory_space<vmem>>, vector<4096x128xf32>
    %get3A_2 = arith.constant 0 : index
    %get3A_3 = arith.constant 0 : index
    %get3A_4 = vector.load %arg3[%get3A_2, %get3A_3] : memref<384x128xf32, #tpu.memory_space<vmem>>, vector<128x128xf32>
    %convert_element_type3A = arith.truncf %get3A_1 : vector<4096x128xf32> to vector<4096x128xbf16>
    %convert_element_type3A_5 = arith.truncf %get3A_4 : vector<128x128xf32> to vector<128x128xbf16>
    %dot_general3A = arith.constant dense<0.000000e+00> : vector<4096x128xf32>
    %dot_general3A_6 = tpu.matmul %convert_element_type3A, %convert_element_type3A_5, %dot_general3A {dimension_numbers = #tpu.dot_dimension_numbers<[1], [0], [0], [1], [0, 0, 1, 1], [], []>, transpose_lhs_hint = false} : vector<4096x128xbf16>, vector<128x128xbf16>, vector<4096x128xf32> -> vector<4096x128xf32>
    %get3A_7 = arith.constant 0 : index
    %get3A_8 = arith.constant 0 : index
    %get3A_9 = vector.load %arg1[%get3A_7, %get3A_8] : memref<4096x128xf32, #tpu.memory_space<vmem>>, vector<4096x128xf32>
    %get3A_10 = arith.constant 128 : index
    %get3A_11 = arith.constant 0 : index
    %get3A_12 = vector.load %arg3[%get3A_10, %get3A_11] : memref<384x128xf32, #tpu.memory_space<vmem>>, vector<128x128xf32>
    %convert_element_type3A_13 = arith.truncf %get3A_9 : vector<4096x128xf32> to vector<4096x128xbf16>
    %convert_element_type3A_14 = arith.truncf %get3A_12 : vector<128x128xf32> to vector<128x128xbf16>
    %dot_general3A_15 = arith.constant dense<0.000000e+00> : vector<4096x128xf32>
    %dot_general3A_16 = tpu.matmul %convert_element_type3A_13, %convert_element_type3A_14, %dot_general3A_15 {dimension_numbers = #tpu.dot_dimension_numbers<[1], [0], [0], [1], [0, 0, 1, 1], [], []>, transpose_lhs_hint = false} : vector<4096x128xbf16>, vector<128x128xbf16>, vector<4096x128xf32> -> vector<4096x128xf32>
    %add3A = arith.addf %dot_general3A_6, %dot_general3A_16 : vector<4096x128xf32>
    %get3A_17 = arith.constant 0 : index
    %get3A_18 = arith.constant 0 : index
    %get3A_19 = vector.load %arg2[%get3A_17, %get3A_18] : memref<4096x128xf32, #tpu.memory_space<vmem>>, vector<4096x128xf32>
    %get3A_20 = arith.constant 256 : index
    %get3A_21 = arith.constant 0 : index
    %get3A_22 = vector.load %arg3[%get3A_20, %get3A_21] : memref<384x128xf32, #tpu.memory_space<vmem>>, vector<128x128xf32>
    %convert_element_type3A_23 = arith.truncf %get3A_19 : vector<4096x128xf32> to vector<4096x128xbf16>
    %convert_element_type3A_24 = arith.truncf %get3A_22 : vector<128x128xf32> to vector<128x128xbf16>
    %dot_general3A_25 = arith.constant dense<0.000000e+00> : vector<4096x128xf32>
    %dot_general3A_26 = tpu.matmul %convert_element_type3A_23, %convert_element_type3A_24, %dot_general3A_25 {dimension_numbers = #tpu.dot_dimension_numbers<[1], [0], [0], [1], [0, 0, 1, 1], [], []>, transpose_lhs_hint = false} : vector<4096x128xbf16>, vector<128x128xbf16>, vector<4096x128xf32> -> vector<4096x128xf32>
    %add3A_27 = arith.addf %add3A, %dot_general3A_26 : vector<4096x128xf32>
    %get3A_28 = arith.constant 0 : index
    %get3A_29 = arith.constant 0 : index
    %get3A_30 = vector.load %arg4[%get3A_28, %get3A_29] : memref<1x128xf32, #tpu.memory_space<vmem>>, vector<1x128xf32>
    %add3A_31 = vector.broadcast %get3A_30 : vector<1x128xf32> to vector<4096x128xf32>
    %add3A_32 = arith.addf %add3A_27, %add3A_31 : vector<4096x128xf32>
    %max3A = arith.constant 0.000000e+00 : f32
    %max3A_33 = vector.broadcast %max3A : f32 to vector<4096x128xf32>
    %max3A_34 = arith.maximumf %add3A_32, %max3A_33 : vector<4096x128xf32>
    %convert_element_type3A_35 = arith.truncf %max3A_34 : vector<4096x128xf32> to vector<4096x128xbf16>
    %convert_element_type3A_36 = arith.extf %convert_element_type3A_35 : vector<4096x128xbf16> to vector<4096x128xf32>
    %get3A_37 = arith.constant 0 : index
    %get3A_38 = arith.constant 0 : index
    %get3A_39 = vector.load %arg5[%get3A_37, %get3A_38] : memref<1x128xf32, #tpu.memory_space<vmem>>, vector<1x128xf32>
    %convert_element_type3A_40 = arith.truncf %get3A_39 : vector<1x128xf32> to vector<1x128xbf16>
    %convert_element_type3A_41 = arith.extf %convert_element_type3A_40 : vector<1x128xbf16> to vector<1x128xf32>
    %mul3A = vector.broadcast %convert_element_type3A_41 : vector<1x128xf32> to vector<4096x128xf32>
    %mul3A_42 = arith.mulf %convert_element_type3A_36, %mul3A : vector<4096x128xf32>
    %reduce_sum3A = arith.constant dense<0.000000e+00> : vector<4096xf32>
    %reduce_sum3A_43 = vector.multi_reduction <add>, %mul3A_42, %reduce_sum3A [1] : vector<4096x128xf32> to vector<4096xf32>
    %get3A_44 = arith.constant 0 : index
    %get3A_45 = memref.load %arg6[%get3A_44] : memref<1xf32, #tpu.memory_space<smem>>
    %add3A_46 = vector.broadcast %get3A_45 : f32 to vector<4096xf32>
    %add3A_47 = arith.addf %reduce_sum3A_43, %add3A_46 : vector<4096xf32>
    %swap3A = arith.constant 0 : index
    %swap3A_48 = vector.load %arg7[%swap3A] : memref<4096xf32, #tpu.memory_space<vmem>>, vector<4096xf32>
    tpu.vector_store %arg7[%swap3A], %add3A_47 {strides = array<i32>} : memref<4096xf32, #tpu.memory_space<vmem>>, vector<4096xf32>,
    return
  }
}

</mosaic_0001>

<sc_bundles>
// kernel: kernel.12.cloned.1.call-start
scs
__scs_entry_jumppad:
0x0: {  	(pc) =	sbr.rel $0x88, $3  }
0x1: {  	(tag) =	ssettag $0x0;
	lr =	simm.s32 $0x1  }
0x2: {  	[smem:$0x3F8C] =	sst lr;
	_ =	strace $0xD0000000  }
0x3: {  	_ = 	snop  }
0x4: {  	_ = 	snop  }
0x5: {  	_ = 	snop  }
0x6: {  	_ = 	snop  }
0x7: {  	_ = 	snop  }
__scs_overlays_trampoline_lowered:
0x8: {  	[smem:$0x3F9B] =	sst s0  }
0x9: {  	[smem:$0x3F9C] =	sst s1  }
0xa: {  	[smem:$0x3F9D] =	sst s2  }
0xb: {  	[smem:$0x3F9E] =	sst s3  }
0xc: {  	[smem:$0x3F9F] =	sst s4  }
0xd: {  	[smem:$0x3FA0] =	sst s5  }
0xe: {  	[smem:$0x3FA1] =	sst s6  }
0xf: {  	[smem:$0x3FA2] =	sst s7  }
0x10: {  	[smem:$0x3FA3] =	sst s8  }
0x11: {  	[smem:$0x3FA4] =	sst s9;
	s0 =	simm.s32 @!p0 $0x0  }
0x12: {  	s1 =	sld [smem:$0x3F8A];
	s0 =	simm.s32 @p0 $0x1  }
0x13: {  	[smem:$0x3FA5] =	sst s0;
	s0 =	simm.s32 @!p1 $0x0  }
0x14: {  	s2 =	sld [smem:$0x3F89];
	s0 =	simm.s32 @p1 $0x1  }
0x15: {  	[smem:$0x3FA6] =	sst s0;
	s0 =	simm.s32 @!p2 $0x0  }
0x16: {  	s3 =	sld [smem:$0x3FDB];
	s0 =	simm.s32 @p2 $0x1  }
0x17: {  	s4 =	simm.s32 $0x1BF5;
	[smem:$0x3FA8] =	sst s0  }
0x18: {  	s0 =	sld [smem:$0x3F8B];
	_ =	swait.ge [sflag:s4], $0x0  }
0x19: {  	s7 =	sld [smem:$0x3F8C]  }
0x1a: {  	s8 =	sadd.s32 $0xFFFFE003, lr  }
0x1b: {  	s9 =	sadd.s32 $0xFFFFFEF7, lr;
	s5 =	simm.s32 $0xFFFFFFFF;
	p2 =	slt.u32 s8, $0xFFFFF086  }
0x1c: {  	p1 =	slt.u32 s9, $0xF7A;
	s5 =	simm.s32 @!p2 $0x0  }
0x1d: {  	s5 =	simm.s32 @p1 $0x1;
	p0 =	seq.s32 s7, s2  }
0x1e: {  	s7 =	smul.u32 @!p0 $0xF7A, s2;
	p2 =	seq.s32 @!p0 s5, $0x0  }
0x1f: {  	s9 =	smul.u32 $0xF7A, s1;
	s8 =	simm.s32 @!p0 $0x1BF5;
	p2 =	por !p2, p0  }
0x20: {  	[sflag:s8] =	ssyncset.s32 @!p0 $0xFFFFF086;
	s6 =	sadd.s32 @!p0 s3, s7;
	s7 =	simm.s32 @!p0 $0x108  }
0x21: {  	s3 =	sadd.s32 s3, s9;
	s6 =	sadd.s32 @!p0 $0x88, s6;
	s7 =	simm.s32 @p2 $0x1082  }
0x22: {  	[simem:s7], [sflag:s8] =	dma.local @!p0 [hbm:s6], $0xF7A  }
0x23: {  	s9 =	sor.u32 $0xD0000000, s2;
	s6 =	simm.s32 $0x108;
	_ =	swait.ge @!p0 [sflag:s8], $0x0  }
0x24: {  	s3 =	sadd.s32 $0x88, s3;
	s6 =	simm.s32 @!p1 $0x1082;
	[sflag:s4] =	ssyncset.s32 $0xFFFFF086  }
0x25: {  	[simem:s6], [sflag:s4] =	dma.local [hbm:s3], $0xF7A  }
0x26: {  	[smem:$0x3F8C] =	sst s1;
	(tag) =	ssettag s2;
	_ =	strace s9  }
0x27: {  	s1 =	sld [smem:$0x3F9C]  }
0x28: {  	s2 =	sld [smem:$0x3F9D]  }
0x29: {  	s4 =	sld [smem:$0x3F9F]  }
0x2a: {  	p0 =	seq.s32 s5, $0x0;
	s5 =	sld [smem:$0x3FA0]  }
0x2b: {  	s6 =	sld [smem:$0x3FA1]  }
0x2c: {  	s7 =	sld [smem:$0x3FA2]  }
0x2d: {  	s3 =	simm.s32 $0x108;
	s8 =	sld [smem:$0x3FA3]  }
0x2e: {  	s3 =	simm.s32 @!p0 $0x1082;
	s9 =	sld [smem:$0x3FA4]  }
0x2f: {  	lr =	sadd.s32 s0, s3;
	s0 =	sld [smem:$0x3F9B]  }
0x30: {  	s3 =	sld [smem:$0x3F9E]  }
0x31: {  	[smem:$0x3FA7] =	sst s10  }
0x32: {  	s10 =	sld [smem:$0x3FA5];
	_ =	sdelay $0x3  }
0x33: {  	p0 =	seq.s32 s10, $0x1;
	s10 =	sld [smem:$0x3FA7];
	_ =	sdelay $0x3  }
0x34: {  	[smem:$0x3FA7] =	sst s10  }
0x35: {  	s10 =	sld [smem:$0x3FA6];
	_ =	sdelay $0x3  }
0x36: {  	p1 =	seq.s32 s10, $0x1;
	s10 =	sld [smem:$0x3FA7];
	_ =	sdelay $0x3  }
0x37: {  	[smem:$0x3FA7] =	sst s10  }
0x38: {  	s10 =	sld [smem:$0x3FA8]  }
0x39: {  	_ = 	snop;
	(pc) =	sbr.ind lr, $3  }
0x3a: {  	_ = 	snop  }
0x3b: {  	_ = 	snop  }
0x3c: {  	p2 =	seq.s32 s10, $0x1;
	s10 =	sld [smem:$0x3FA7]  }
0x3d: {  	_ =	shalt  }
0x3e: {  	_ =	shalt  }
0x3f: {  	_ =	shalt  }
0x40: {  	_ =	shalt  }
0x41: {  	_ =	shalt  }
0x42: {  	_ =	shalt  }
0x43: {  	_ =	shalt  }
0x44: {  	_ =	shalt  }
0x45: {  	_ =	shalt  }
0x46: {  	_ =	shalt  }
0x47: {  	_ =	shalt  }
0x48: {  	_ =	shalt  }
0x49: {  	_ =	shalt  }
0x4a: {  	_ =	shalt  }
0x4b: {  	_ =	shalt  }
0x4c: {  	_ =	shalt  }
0x4d: {  	_ =	shalt  }
0x4e: {  	_ =	shalt  }
0x4f: {  	_ =	shalt  }
0x50: {  	_ =	shalt  }
0x51: {  	_ =	shalt  }
0x52: {  	_ =	shalt  }
0x53: {  	_ =	shalt  }
0x54: {  	_ =	shalt  }
0x55: {  	_ =	shalt  }
0x56: {  	_ =	shalt  }
0x57: {  	_ =	shalt  }
0x58: {  	_ =	shalt  }
0x59: {  	_ =	shalt  }
0x5a: {  	_ =	shalt  }
0x5b: {  	_ =	shalt  }
0x5c: {  	_ =	shalt  }
0x5d: {  	_ =	shalt  }
0x5e: {  	_ =	shalt  }
0x5f: {  	_ =	shalt  }
0x60: {  	_ =	shalt  }
0x61: {  	_ =	shalt  }
0x62: {  	_ =	shalt  }
0x63: {  	_ =	shalt  }
0x64: {  	_ =	shalt  }
0x65: {  	_ =	shalt  }
0x66: {  	_ =	shalt  }
0x67: {  	_ =	shalt  }
0x68: {  	_ =	shalt  }
0x69: {  	_ =	shalt  }
0x6a: {  	_ =	shalt  }
0x6b: {  	_ =	shalt  }
0x6c: {  	_ =	shalt  }
0x6d: {  	_ =	shalt  }
0x6e: {  	_ =	shalt  }
0x6f: {  	_ =	shalt  }
0x70: {  	_ =	shalt  }
0x71: {  	_ =	shalt  }
0x72: {  	_ =	shalt  }
0x73: {  	_ =	shalt  }
0x74: {  	_ =	shalt  }
0x75: {  	_ =	shalt  }
0x76: {  	_ =	shalt  }
0x77: {  	_ =	shalt  }
0x78: {  	_ =	shalt  }
0x79: {  	_ =	shalt  }
0x7a: {  	_ =	shalt  }
0x7b: {  	_ =	shalt  }
0x7c: {  	_ =	shalt  }
0x7d: {  	_ =	shalt  }
0x7e: {  	_ =	shalt  }
0x7f: {  	_ =	shalt  }
0x80: {  	_ =	shalt  }
0x81: {  	_ =	shalt  }
0x82: {  	_ =	shalt  }
0x83: {  	_ =	shalt  }
0x84: {  	_ =	shalt  }
0x85: {  	_ =	shalt  }
0x86: {  	_ =	shalt  }
0x87: {  	_ =	shalt  }
.Lfunc_end0:
.L_simem_size_0:
called_computation_lowered:
.L_overlay_start_0:
0x88: {  	s2 =	sld [smem:$0x3FD9]  }
0x89: {  	s3 =	sld [smem:$0x3FFE];
	_ =	sdelay $0x1  }
0x8a: {  	s1 =	srdreg.scid  }
0x8b: {  	s0 =	sand.u32 $0x1, s1  }
0x8c: {  	s16 =	sshll.u32 s0, $0xA;
	s2 =	sadd.s32 s3, s2  }
0x8d: {  	s2 =	sadd.s32 s2, s16  }
0x8e: {  	[smem:$0x3FB3] =	sst s2  }
0x8f: {  	_ = 	snop  }
0x90: {  	(tm) =	ssettm $0x1  }
0x91: {  	s17 =	sld [smem:$0x3FFB];
	_ =	sdelay $0x3  }
0x92: {  	_ =	strace s17  }
0x93: {  	s2 =	sld [smem:$0x3FFC];
	_ =	sdelay $0x3  }
0x94: {  	_ =	strace s2  }
0x95: {  	s2 =	sld [smem:$0x3FFD];
	_ =	sdelay $0x3  }
0x96: {  	_ =	strace s2  }
0x97: {  	_ =	strace $0x8FFFFFFF  }
0x98: {  	s18 =	sld [smem:$0x3FDB];
	_ =	sdelay $0x1  }
0x99: {  	s19 =	simm.s32 $_scs_section_size  }
0x9a: {  	s4 =	simm.s32 $_size__tile_overlayer_lowered;
	s5 =	simm.s32 $_tile_overlayer_lowered  }
0x9b: {  	s22 =	simm.s32 $0x1BFF;
	s21 =	sshll.u32 s5, $0x1;
	s2 =	sadd.s32 s19, s18  }
0x9c: {  	s6 =	simm.s32 $0x0;
	s20 =	sshll.u32 s4, $0x1;
	s4 =	sadd.s32 s21, s2  }
0x9d: {  	[timem:s6], [sflag:s22] =	dma.local [hbm:s4], s20  }
0x9e: {  	_ =	swait.ge [sflag:s22], s20  }
0x9f: {  	s3 =	ssub.s32 $0x0, s20;
	[sflag:s22] =	ssyncset.done $0x0  }
0xa0: {  	[sflag:s22] =	ssyncadd.s32 s3;
	_ =	sdelay $0x1  }
0xa1: {  	s23 =	simm.s32 $0x1B8B  }
0xa2: {  	_ =	swait.ge [sflag:s23], $0x1  }
0xa3: {  	[sflag:s23] =	ssyncset.done $0x0  }
0xa4: {  	s25 =	simm.s32 $0x1B8E;
	s24 =	sld [smem:$0x3FFE];
	[sflag:s23] =	ssyncadd.s32 $0xFFFFFFFF  }
0xa5: {  	s26 =	simm.s32 $execute0_lowered;
	[smem:$0x3FD2] =	sst s25  }
0xa6: {  	s4 =	sshll.u32 s26, $0x1;
	_ =	strace $0x80000046;
	[dreg:$0x1] =	wrdreg $0xFFFFFFFF  }
0xa7: {  	s28 =	simm.s32 $_size_execute0_lowered;
	s2 =	sadd.s32 s2, s4;
	[dreg:$0x0] =	wrdreg $0x0  }
0xa8: {  	s4 =	sshll.u32 s28, $0x1;
	[dreg:$0x2] =	wrdreg s2  }
0xa9: {  	[dreg:$0x3] =	wrdreg s4  }
0xaa: {  	[dreg:$0x4] =	wrdreg $0xC0  }
0xab: {  	_ =	task [dreg:s6], $0x5FFFF  }
0xac: {  	[dreg:$0x1] =	wrdreg $0xFFFFFFFF  }
0xad: {  	[dreg:$0x0] =	wrdreg $0x60  }
0xae: {  	[dreg:$0x2] =	wrdreg s24  }
0xaf: {  	[dreg:$0x3] =	wrdreg $0xBD000  }
0xb0: {  	[dreg:$0x4] =	wrdreg $0x9  }
0xb1: {  	_ =	task.clear_ibuf [dreg:s6], $0x5FFFF;
	_ =	strace $0x90000046  }
0xb2: {  	s29 =	simm.s32 $0x9;
	_ =	strace $0x80000048  }
0xb3: {  	_ =	swait.ge [sflag:s29], $0x1  }
0xb4: {  	[sflag:s29] =	ssyncadd.s32 $0xFFFFFFFF  }
0xb5: {  	_ =	strace $0x90000048  }
0xb6: {  	_ =	sfence  }
0xb7: {  	s30 =	sld [smem:$0x0];
	_ =	sdelay $0x2  }
0xb8: {  	s31 =	sshll.u32 s1, $0xD;
	s1 =	sshrl.u32 s1, $0x2  }
0xb9: {  	s3 =	sand.u32 $0x4000, s31;
	s1 =	sadd.s32 s1, s30  }
0xba: {  	s0 =	sor.u32 s3, s0;
	s1 =	sshll.u32 s1, $0x11  }
0xbb: {  	s0 =	sor.u32 s1, s0  }
0xbc: {  	s0 =	sadd.s32 $0x8F2B, s0  }
0xbd: {  	[sflag:s0] =	ssyncadd.remote.s32 $0x1  }
0xbe: {  	_ =	sfence.sel $0xFFFF  }
0xbf: {  	[dreg:$0x0] =	wrdreg $0xFFFFFFFF;
	(pc) =	sbr.abs _section_cstart, $3  }
0xc0: {  	[dreg:$0x1] =	wrdreg $0xFFFFFFFF  }
0xc1: {  	_ =	task.clear_ibuf [dreg:s6], $0x2FFFF;
	_ =	strace $0x9FFFFFFF  }
0xc2: {  	(tm) =	ssettm $0x7FFFFFFF  }
0xc3: {  	_ =	shalt  }
tec
execute0_lowered:
.L_overlay_start_1:
0x0: {  	(tag) =	ssettag $0x1  }
0x1: {  	s9 =	rddreg [dreg:$0x0]  }
0x2: {  	s1 =	rddreg [dreg:$0x1]  }
0x3: {  	s0 =	rddreg [dreg:$0x2]  }
0x4: {  	s2 =	simm.s32 $0x0;
	s10 =	srdreg.scid;
	s4 =	stileid.u32  }
0x5: {  	s17 =	simm.s32 $0x1400;
	s18 =	simm.s32 $0x80;
	s19 =	simm.s32 $0x3C00  }
0x6: {  	s20 =	simm.s32 $0x3D00;
	s21 =	simm.s32 $0x3C80;
	s22 =	simm.s32 $0x7D00  }
0x7: {  	s23 =	simm.s32 $0x1;
	[smem:$0x7FF] =	sst s2;
	s3 =	sadd.s32 $0xD200, s9  }
0x8: {  	s24 =	simm.s32 $0x2;
	s6 =	sadd.s32 $0x16CC00, s9;
	s7 =	sadd.s32 $0x176C00, s9  }
0x9: {  	s5 =	sadd.s32 $0x3200, s9;
	s8 =	sadd.s32 $0x180C00, s9;
	s29 =	smul.u32 $0x50000, s4  }
0xa: {  	s11 =	sand.u32 $0x1, s10;
	s13 =	sadd.s32 $0x183400, s9;
	s15 =	smul.u32 $0x14000, s4  }
0xb: {  	s31 =	sshll.u32 s4, $0x6;
	s25 =	sadd.s32 $0x12C000, s1;
	p0 =	seq.s32 s4, $0xF  }
0xc: {  	_ =	strace $0x80000047;
	s30 =	ssub.s32 $0x2, s11;
	s12 =	smul.u32 $0x138800, s11  }
0xd: {  	s11 =	sshll.u32 s11, $0x4;
	s25 =	sshrl.u32 @p0 s25, $0x3;
	s14 =	sshrl.u32 s30, $0x1  }
0xe: {  	s10 =	sshrl.u32 s29, $0x2;
	s11 =	sor.u32 s4, s11;
	s14 =	ssub.s32 s30, s14  }
0xf: {  	s9 =	sadd.s32 s10, s1;
	s10 =	sor.u32 $0x1C03, s31;
	s15 =	sadd.s32 s15, s12  }
0x10: {  	s16 =	sshrl.u32 s12, $0x3;
	s11 =	smul.u32 $0x50, s11;
	s15 =	sshrl.u32 s15, $0x3  }
0x11: {  	s14 =	smax.u32 s14, $0x1;
	s12 =	sadd.s32 s13, s15;
	s13 =	sadd.s32 s13, s16  }
0x12: {  	s15 =	sshrl.u32 s9, $0x3;
	s16 =	simm.s32 $0x3;
	s13 =	sadd.s32 $0x25800, s13  }
.LBB2_1:
0x13: {  	[spmem:s15], [sflag:s10] =	dma.local [hbm:s8], $0x2800  }
0x14: {  	_ =	swait.ge [sflag:s16], $0x2800  }
0x15: {  	[sflag:s16] =	ssyncset.done $0x0  }
0x16: {  	[sflag:s16] =	ssyncadd.s32 $0xFFFFD800  }
0x17: {  	p2 =	por $0x1, $0x1;
	s26 =	simm.s32 $0x0;
	[bflag:$0x0] =	sbarrier.arrive $0xFFFF  }
.LBB2_2:
0x18: {  	s26 =	sadd.s32 s11, s26  }
0x19: {  	s26 =	sshll.u32 s26, $0x4  }
0x1a: {  	s29 =	simm.s32 $0x0;
	s28 =	sadd.s32 s5, s26  }
0x1b: {  	[tilespmem:s29], [sflag:$0x3] =	stream.linear.gather [hbm4b:s28+s29], $0x1400, $0x38;
	[tilespmem:$0x1FD00] =	vst v63  }
0x1c: {  	_ =	swait.ge [sflag:s16], $0x1400  }
0x1d: {  	[sflag:s16] =	ssyncset.done $0x0  }
0x1e: {  	s28 =	sadd.s32 s6, s26;
	[sflag:s16] =	ssyncadd.s32 $0xFFFFEC00  }
0x1f: {  	[tilespmem:s17], [sflag:$0x3] =	stream.linear.gather [hbm4b:s28+s29], $0x1400, $0x38;
	[tilespmem:$0x1FD00] =	vst v63  }
0x20: {  	_ =	swait.ge [sflag:s16], $0x1400  }
0x21: {  	[sflag:s16] =	ssyncset.done $0x0  }
0x22: {  	s28 =	sadd.s32 s7, s26;
	s26 =	simm.s32 $0x2800;
	[sflag:s16] =	ssyncadd.s32 $0xFFFFEC00  }
0x23: {  	[tilespmem:s26], [sflag:$0x3] =	stream.linear.gather [hbm4b:s28+s29], $0x1400, $0x38;
	[tilespmem:$0x1FD00] =	vst v63  }
0x24: {  	_ =	swait.ge [sflag:s16], $0x1400  }
0x25: {  	[sflag:s16] =	ssyncset.done $0x0  }
0x26: {  	[sflag:s16] =	ssyncadd.s32 $0xFFFFEC00  }
0x27: {  	v0 =	vld [tilespmem:$0x0]  }
0x28: {  	v1 =	vld [tilespmem:$0x1400]  }
0x29: {  	v2 =	vld [tilespmem:$0x10]  }
0x2a: {  	v3 =	vld [tilespmem:$0x1410]  }
0x2b: {  	v4 =	vld [tilespmem:$0x20]  }
0x2c: {  	v5 =	vld [tilespmem:$0x1420]  }
0x2d: {  	v6 =	vld [tilespmem:$0x30]  }
0x2e: {  	v7 =	vld [tilespmem:$0x1430]  }
0x2f: {  	v8 =	vld [tilespmem:$0x40]  }
0x30: {  	v9 =	vld [tilespmem:$0x1440]  }
0x31: {  	v10 =	vld [tilespmem:$0x50]  }
0x32: {  	v11 =	vld [tilespmem:$0x1450];
	v0 =	vmul.u32 $0x2710, v0  }
0x33: {  	v12 =	vld [tilespmem:$0x60];
	v2 =	vmul.u32 $0x2710, v2  }
0x34: {  	v32 =	vld [tilespmem:$0x70];
	v31 =	vmul.u32 $0x2710, v4;
	v0 =	vadd.s32 v1, v0  }
0x35: {  	v35 =	vld [tilespmem:$0x1460];
	v34 =	vmul.u32 $0x2710, v6;
	v33 =	vadd.s32 v3, v2;
	[tilespmem:$0x3C00] =	vst v0  }
0x36: {  	v38 =	vld [tilespmem:$0x1470];
	v37 =	vmul.u32 $0x2710, v8;
	v36 =	vadd.s32 v5, v31;
	[tilespmem:$0x3C10] =	vst v33  }
0x37: {  	v40 =	vmul.u32 $0x2710, v10;
	v39 =	vadd.s32 v7, v34;
	[tilespmem:$0x3C20] =	vst v36  }
0x38: {  	v42 =	vmul.u32 $0x2710, v12;
	v41 =	vadd.s32 v9, v37;
	[tilespmem:$0x3C30] =	vst v39  }
0x39: {  	v44 =	vmul.u32 $0x2710, v32;
	v43 =	vadd.s32 v11, v40;
	[tilespmem:$0x3C40] =	vst v41  }
0x3a: {  	v45 =	vadd.s32 v35, v42;
	[tilespmem:$0x3C50] =	vst v43  }
0x3b: {  	v46 =	vadd.s32 v38, v44;
	[tilespmem:$0x3C60] =	vst v45  }
0x3c: {  	s28 =	simm.s32 $0xF0;
	[tilespmem:$0x3C70] =	vst v46  }
0x3d: {  	[tilespmem:s20], [sflag:$0x1] =	stream.indirect.gather [hbm4b:s3+s18], $0x80, s19, s18, $0xb8;
	[tilespmem:$0x1FD00] =	vst v63  }
0x3e: {  	v0 =	vld [tilespmem:s28+$0xFFFFFF90]  }
0x3f: {  	s30 =	simm.s32 $0x14F0  }
0x40: {  	v47 =	vld [tilespmem:s30+$0xFFFFFF90];
	_ =	sdelay $0x2  }
0x41: {  	v0 =	vmul.u32 $0x2710, v0;
	_ =	sdelay $0x1  }
0x42: {  	v0 =	vadd.s32 v47, v0  }
0x43: {  	[tilespmem:$0x3C80] =	vst v0  }
0x44: {  	v0 =	vld [tilespmem:s28+$0xFFFFFFA0];
	_ =	sdelay $0x1  }
0x45: {  	v48 =	vld [tilespmem:s30+$0xFFFFFFA0];
	_ =	sdelay $0x2  }
0x46: {  	v0 =	vmul.u32 $0x2710, v0;
	_ =	sdelay $0x1  }
0x47: {  	v0 =	vadd.s32 v48, v0  }
0x48: {  	[tilespmem:$0x3C90] =	vst v0  }
0x49: {  	v0 =	vld [tilespmem:s28+$0xFFFFFFB0];
	_ =	sdelay $0x1  }
0x4a: {  	v49 =	vld [tilespmem:s30+$0xFFFFFFB0];
	_ =	sdelay $0x2  }
0x4b: {  	v0 =	vmul.u32 $0x2710, v0;
	_ =	sdelay $0x1  }
0x4c: {  	v0 =	vadd.s32 v49, v0  }
0x4d: {  	[tilespmem:$0x3CA0] =	vst v0  }
0x4e: {  	v0 =	vld [tilespmem:s28+$0xFFFFFFC0];
	_ =	sdelay $0x1  }
0x4f: {  	v50 =	vld [tilespmem:s30+$0xFFFFFFC0];
	_ =	sdelay $0x2  }
0x50: {  	v0 =	vmul.u32 $0x2710, v0;
	_ =	sdelay $0x1  }
0x51: {  	v0 =	vadd.s32 v50, v0  }
0x52: {  	[tilespmem:$0x3CB0] =	vst v0  }
0x53: {  	v0 =	vld [tilespmem:s28+$0xFFFFFFD0];
	_ =	sdelay $0x1  }
0x54: {  	v51 =	vld [tilespmem:s30+$0xFFFFFFD0];
	_ =	sdelay $0x2  }
0x55: {  	v0 =	vmul.u32 $0x2710, v0;
	_ =	sdelay $0x1  }
0x56: {  	v0 =	vadd.s32 v51, v0  }
0x57: {  	[tilespmem:$0x3CC0] =	vst v0  }
0x58: {  	v0 =	vld [tilespmem:s28+$0xFFFFFFE0];
	_ =	sdelay $0x1  }
0x59: {  	v52 =	vld [tilespmem:s30+$0xFFFFFFE0];
	_ =	sdelay $0x2  }
0x5a: {  	v0 =	vmul.u32 $0x2710, v0;
	_ =	sdelay $0x1  }
0x5b: {  	v0 =	vadd.s32 v52, v0  }
0x5c: {  	[tilespmem:$0x3CD0] =	vst v0  }
0x5d: {  	v0 =	vld [tilespmem:s28+$0xFFFFFFF0];
	_ =	sdelay $0x1  }
0x5e: {  	v53 =	vld [tilespmem:s30+$0xFFFFFFF0];
	_ =	sdelay $0x2  }
0x5f: {  	v0 =	vmul.u32 $0x2710, v0;
	_ =	sdelay $0x1  }
0x60: {  	v0 =	vadd.s32 v53, v0  }
0x61: {  	[tilespmem:$0x3CE0] =	vst v0  }
0x62: {  	v0 =	vld [tilespmem:s28+$0x0];
	_ =	sdelay $0x1  }
0x63: {  	v54 =	vld [tilespmem:s30+$0x0];
	_ =	sdelay $0x2  }
0x64: {  	v0 =	vmul.u32 $0x2710, v0;
	_ =	sdelay $0x1  }
0x65: {  	v0 =	vadd.s32 v54, v0  }
0x66: {  	[tilespmem:$0x3CF0] =	vst v0  }
0x67: {  	[tilespmem:s22], [sflag:$0x2] =	stream.indirect.gather [hbm4b:s3+s18], $0x80, s21, s18, $0xb8;
	[tilespmem:$0x1FD00] =	vst v63  }
0x68: {  	_ =	swait.ge [sflag:s23], $0x4000  }
0x69: {  	[sflag:s23] =	ssyncset.done $0x0  }
0x6a: {  	[sflag:s23] =	ssyncadd.s32 $0xFFFFC000  }
0x6b: {  	[spmem:s1] =	stream.indirect.scatter.add.f32 [tilespmem:s20], [sflag:$0x3], $0x80, s26, s18, $0xb8;
	[tilespmem:$0x1FD00] =	vst v63  }
0x6c: {  	_ =	swait.ge [sflag:s16], $0x4000  }
0x6d: {  	s29 =	smin.u32 s29, $0x25;
	[sflag:s16] =	ssyncset.done $0x0  }
0x6e: {  	s29 =	sshll.u32 s29, $0x7;
	[sflag:s16] =	ssyncadd.s32 $0xFFFFC000  }
0x6f: {  	v55 =	vld [tilespmem:s29+$0x100];
	_ =	sdelay $0x1  }
0x70: {  	v56 =	vld [tilespmem:s29+$0x1500];
	_ =	sdelay $0x2  }
0x71: {  	v0 =	vmul.u32 $0x2710, v55;
	_ =	sdelay $0x1  }
0x72: {  	v0 =	vadd.s32 v56, v0  }
0x73: {  	[tilespmem:$0x3C00] =	vst v0  }
0x74: {  	v0 =	vld [tilespmem:s29+$0x110];
	_ =	sdelay $0x1  }
0x75: {  	v57 =	vld [tilespmem:s29+$0x1510];
	_ =	sdelay $0x2  }
0x76: {  	v0 =	vmul.u32 $0x2710, v0;
	_ =	sdelay $0x1  }
0x77: {  	v0 =	vadd.s32 v57, v0  }
0x78: {  	[tilespmem:$0x3C10] =	vst v0  }
0x79: {  	v0 =	vld [tilespmem:s29+$0x120];
	_ =	sdelay $0x1  }
0x7a: {  	v58 =	vld [tilespmem:s29+$0x1520];
	_ =	sdelay $0x2  }
0x7b: {  	v0 =	vmul.u32 $0x2710, v0;
	_ =	sdelay $0x1  }
0x7c: {  	v0 =	vadd.s32 v58, v0  }
0x7d: {  	[tilespmem:$0x3C20] =	vst v0  }
0x7e: {  	v0 =	vld [tilespmem:s29+$0x130];
	_ =	sdelay $0x1  }
0x7f: {  	v59 =	vld [tilespmem:s29+$0x1530];
	_ =	sdelay $0x2  }
0x80: {  	v0 =	vmul.u32 $0x2710, v0;
	_ =	sdelay $0x1  }
0x81: {  	v0 =	vadd.s32 v59, v0  }
0x82: {  	[tilespmem:$0x3C30] =	vst v0  }
0x83: {  	v0 =	vld [tilespmem:s29+$0x140];
	_ =	sdelay $0x1  }
0x84: {  	v60 =	vld [tilespmem:s29+$0x1540];
	_ =	sdelay $0x2  }
0x85: {  	v0 =	vmul.u32 $0x2710, v0;
	_ =	sdelay $0x1  }
0x86: {  	v0 =	vadd.s32 v60, v0  }
0x87: {  	[tilespmem:$0x3C40] =	vst v0  }
0x88: {  	v0 =	vld [tilespmem:s29+$0x150];
	_ =	sdelay $0x1  }
0x89: {  	v61 =	vld [tilespmem:s29+$0x1550];
	_ =	sdelay $0x2  }
0x8a: {  	v0 =	vmul.u32 $0x2710, v0;
	_ =	sdelay $0x1  }
0x8b: {  	v0 =	vadd.s32 v61, v0  }
0x8c: {  	[tilespmem:$0x3C50] =	vst v0  }
0x8d: {  	v0 =	vld [tilespmem:s29+$0x160];
	_ =	sdelay $0x1  }
0x8e: {  	v62 =	vld [tilespmem:s29+$0x1560];
	_ =	sdelay $0x2  }
0x8f: {  	v0 =	vmul.u32 $0x2710, v0;
	_ =	sdelay $0x1  }
0x90: {  	v0 =	vadd.s32 v62, v0  }
0x91: {  	[tilespmem:$0x3C60] =	vst v0  }
0x92: {  	v0 =	vld [tilespmem:s29+$0x170];
	_ =	sdelay $0x1  }
0x93: {  	v63 =	vld [tilespmem:s29+$0x1570];
	_ =	sdelay $0x2  }
0x94: {  	v0 =	vmul.u32 $0x2710, v0;
	_ =	sdelay $0x1  }
0x95: {  	v0 =	vadd.s32 v63, v0  }
0x96: {  	[tilespmem:$0x3C70] =	vst v0  }
0x97: {  	[tilespmem:s20], [sflag:$0x1] =	stream.indirect.gather [hbm4b:s3+s18], $0x80, s19, s18, $0xb8;
	[tilespmem:$0x1FD00] =	vst v63  }
0x98: {  	_ =	swait.ge [sflag:s24], $0x4000  }
0x99: {  	[sflag:s24] =	ssyncset.done $0x0  }
0x9a: {  	s29 =	simm.s32 $0x2880;
	[sflag:s24] =	ssyncadd.s32 $0xFFFFC000  }
0x9b: {  	[spmem:s1] =	stream.indirect.scatter.add.f32 [tilespmem:s22], [sflag:$0x3], $0x80, s29, s18, $0xb8;
	[tilespmem:$0x1FD00] =	vst v63  }
0x9c: {  	p1 =	por p2, p2;
	_ =	swait.ge [sflag:s16], $0x4000  }
0x9d: {  	s30 =	simm.s32 $0x15F0;
	s29 =	simm.s32 $0x2;
	[sflag:s16] =	ssyncset.done $0x0  }
.LBB2_3:
0x9e: {  	[sflag:s16] =	ssyncadd.s32 $0xFFFFC000;
	s26 =	sadd.s32 $0x100, s26;
	s28 =	sadd.s32 $0x100, s28  }
0x9f: {  	p2 =	sne.s32 s29, $0x26;
	s31 =	smov.u32 s29;
	s29 =	sadd.s32 $0x2, s29;
	v0 =	vld [tilespmem:s28+$0xFFFFFF90]  }
0xa0: {  	_ = 	snop  }
0xa1: {  	v1 =	vld [tilespmem:s30+$0xFFFFFF90];
	_ =	sdelay $0x2  }
0xa2: {  	v0 =	vmul.u32 $0x2710, v0;
	_ =	sdelay $0x1  }
0xa3: {  	v0 =	vadd.s32 v1, v0  }
0xa4: {  	[tilespmem:$0x3C80] =	vst v0  }
0xa5: {  	v0 =	vld [tilespmem:s28+$0xFFFFFFA0];
	_ =	sdelay $0x1  }
0xa6: {  	v1 =	vld [tilespmem:s30+$0xFFFFFFA0];
	_ =	sdelay $0x2  }
0xa7: {  	v0 =	vmul.u32 $0x2710, v0;
	_ =	sdelay $0x1  }
0xa8: {  	v0 =	vadd.s32 v1, v0  }
0xa9: {  	[tilespmem:$0x3C90] =	vst v0  }
0xaa: {  	v0 =	vld [tilespmem:s28+$0xFFFFFFB0];
	_ =	sdelay $0x1  }
0xab: {  	v1 =	vld [tilespmem:s30+$0xFFFFFFB0];
	_ =	sdelay $0x2  }
0xac: {  	v0 =	vmul.u32 $0x2710, v0;
	_ =	sdelay $0x1  }
0xad: {  	v0 =	vadd.s32 v1, v0  }
0xae: {  	[tilespmem:$0x3CA0] =	vst v0  }
0xaf: {  	v0 =	vld [tilespmem:s28+$0xFFFFFFC0];
	_ =	sdelay $0x1  }
0xb0: {  	v1 =	vld [tilespmem:s30+$0xFFFFFFC0];
	_ =	sdelay $0x2  }
0xb1: {  	v0 =	vmul.u32 $0x2710, v0;
	_ =	sdelay $0x1  }
0xb2: {  	v0 =	vadd.s32 v1, v0  }
0xb3: {  	[tilespmem:$0x3CB0] =	vst v0  }
0xb4: {  	v0 =	vld [tilespmem:s28+$0xFFFFFFD0];
	_ =	sdelay $0x1  }
0xb5: {  	v1 =	vld [tilespmem:s30+$0xFFFFFFD0];
	_ =	sdelay $0x2  }
0xb6: {  	v0 =	vmul.u32 $0x2710, v0;
	_ =	sdelay $0x1  }
0xb7: {  	v0 =	vadd.s32 v1, v0  }
0xb8: {  	[tilespmem:$0x3CC0] =	vst v0  }
0xb9: {  	v0 =	vld [tilespmem:s28+$0xFFFFFFE0];
	_ =	sdelay $0x1  }
0xba: {  	v1 =	vld [tilespmem:s30+$0xFFFFFFE0];
	_ =	sdelay $0x2  }
0xbb: {  	v0 =	vmul.u32 $0x2710, v0;
	_ =	sdelay $0x1  }
0xbc: {  	v0 =	vadd.s32 v1, v0  }
0xbd: {  	[tilespmem:$0x3CD0] =	vst v0  }
0xbe: {  	v0 =	vld [tilespmem:s28+$0xFFFFFFF0]  }
0xbf: {  	v1 =	vld [tilespmem:s30+$0xFFFFFFF0];
	_ =	sdelay $0x3  }
0xc0: {  	v0 =	vmul.u32 $0x2710, v0;
	_ =	sdelay $0x1  }
0xc1: {  	v0 =	vadd.s32 v1, v0  }
0xc2: {  	[tilespmem:$0x3CE0] =	vst v0  }
0xc3: {  	v0 =	vld [tilespmem:s28+$0x0]  }
0xc4: {  	v1 =	vld [tilespmem:s30+$0x0];
	_ =	sdelay $0x3  }
0xc5: {  	v0 =	vmul.u32 $0x2710, v0;
	_ =	sdelay $0x1  }
0xc6: {  	v0 =	vadd.s32 v1, v0  }
0xc7: {  	[tilespmem:$0x3CF0] =	vst v0  }
0xc8: {  	[tilespmem:s22], [sflag:$0x2] =	stream.indirect.gather [hbm4b:s3+s18], $0x80, s21, s18, $0xb8;
	[tilespmem:$0x1FD00] =	vst v63  }
0xc9: {  	_ =	swait.ge [sflag:s23], $0x4000  }
0xca: {  	[sflag:s23] =	ssyncset.done $0x0  }
0xcb: {  	[sflag:s23] =	ssyncadd.s32 $0xFFFFC000  }
0xcc: {  	[spmem:s1] =	stream.indirect.scatter.add.f32 [tilespmem:s20], [sflag:$0x3], $0x80, s26, s18, $0xb8;
	[tilespmem:$0x1FD00] =	vst v63  }
0xcd: {  	_ =	swait.ge [sflag:s16], $0x4000  }
0xce: {  	s31 =	smin.u32 s31, $0x25;
	[sflag:s16] =	ssyncset.done $0x0  }
0xcf: {  	s31 =	sshll.u32 s31, $0x7;
	[sflag:s16] =	ssyncadd.s32 $0xFFFFC000  }
0xd0: {  	v0 =	vld [tilespmem:s31+$0x100];
	_ =	sdelay $0x1  }
0xd1: {  	v1 =	vld [tilespmem:s31+$0x1500];
	_ =	sdelay $0x2  }
0xd2: {  	v0 =	vmul.u32 $0x2710, v0;
	_ =	sdelay $0x1  }
0xd3: {  	v0 =	vadd.s32 v1, v0  }
0xd4: {  	[tilespmem:$0x3C00] =	vst v0  }
0xd5: {  	v0 =	vld [tilespmem:s31+$0x110];
	_ =	sdelay $0x1  }
0xd6: {  	v1 =	vld [tilespmem:s31+$0x1510];
	_ =	sdelay $0x2  }
0xd7: {  	v0 =	vmul.u32 $0x2710, v0;
	_ =	sdelay $0x1  }
0xd8: {  	v0 =	vadd.s32 v1, v0  }
0xd9: {  	[tilespmem:$0x3C10] =	vst v0  }
0xda: {  	v0 =	vld [tilespmem:s31+$0x120];
	_ =	sdelay $0x1  }
0xdb: {  	v1 =	vld [tilespmem:s31+$0x1520];
	_ =	sdelay $0x2  }
0xdc: {  	v0 =	vmul.u32 $0x2710, v0;
	_ =	sdelay $0x1  }
0xdd: {  	v0 =	vadd.s32 v1, v0  }
0xde: {  	[tilespmem:$0x3C20] =	vst v0  }
0xdf: {  	v0 =	vld [tilespmem:s31+$0x130];
	_ =	sdelay $0x1  }
0xe0: {  	v1 =	vld [tilespmem:s31+$0x1530];
	_ =	sdelay $0x2  }
0xe1: {  	v0 =	vmul.u32 $0x2710, v0;
	_ =	sdelay $0x1  }
0xe2: {  	v0 =	vadd.s32 v1, v0  }
0xe3: {  	[tilespmem:$0x3C30] =	vst v0  }
0xe4: {  	v0 =	vld [tilespmem:s31+$0x140];
	_ =	sdelay $0x1  }
0xe5: {  	v1 =	vld [tilespmem:s31+$0x1540];
	_ =	sdelay $0x2  }
0xe6: {  	v0 =	vmul.u32 $0x2710, v0;
	_ =	sdelay $0x1  }
0xe7: {  	v0 =	vadd.s32 v1, v0  }
0xe8: {  	[tilespmem:$0x3C40] =	vst v0  }
0xe9: {  	v0 =	vld [tilespmem:s31+$0x150]  }
0xea: {  	v1 =	vld [tilespmem:s31+$0x1550];
	_ =	sdelay $0x3  }
0xeb: {  	v0 =	vmul.u32 $0x2710, v0;
	_ =	sdelay $0x1  }
0xec: {  	v0 =	vadd.s32 v1, v0  }
0xed: {  	[tilespmem:$0x3C50] =	vst v0  }
0xee: {  	v0 =	vld [tilespmem:s31+$0x160]  }
0xef: {  	v1 =	vld [tilespmem:s31+$0x1560];
	_ =	sdelay $0x3  }
0xf0: {  	v0 =	vmul.u32 $0x2710, v0;
	_ =	sdelay $0x1  }
0xf1: {  	v0 =	vadd.s32 v1, v0  }
0xf2: {  	[tilespmem:$0x3C60] =	vst v0  }
0xf3: {  	v0 =	vld [tilespmem:s31+$0x170]  }
0xf4: {  	v1 =	vld [tilespmem:s31+$0x1570];
	_ =	sdelay $0x3  }
0xf5: {  	v0 =	vmul.u32 $0x2710, v0;
	_ =	sdelay $0x1  }
0xf6: {  	v0 =	vadd.s32 v1, v0  }
0xf7: {  	[tilespmem:$0x3C70] =	vst v0  }
0xf8: {  	[tilespmem:s20], [sflag:$0x1] =	stream.indirect.gather [hbm4b:s3+s18], $0x80, s19, s18, $0xb8;
	[tilespmem:$0x1FD00] =	vst v63  }
0xf9: {  	_ =	swait.ge [sflag:s24], $0x4000  }
.Ltmp0:
0xfa: {  	[sflag:s24] =	ssyncset.done $0x0;
	(pc) =	sbr.rel @p2 .LBB2_3-.Ltmp0, $4  }
0xfb: {  	s31 =	sadd.s32 $0x80, s26;
	[sflag:s24] =	ssyncadd.s32 $0xFFFFC000  }
0xfc: {  	[spmem:s1] =	stream.indirect.scatter.add.f32 [tilespmem:s22], [sflag:$0x3], $0x80, s31, s18, $0xb8;
	[tilespmem:$0x1FD00] =	vst v63  }
0xfd: {  	_ =	swait.ge [sflag:s16], $0x4000  }
0xfe: {  	s30 =	sadd.s32 $0x100, s30;
	[sflag:s16] =	ssyncset.done $0x0  }
.Ltmp1:
0xff: {  	(pc) =	sbr.rel @p1 .LBB2_2-.Ltmp1, $4  }
0x100: {  	[sflag:s16] =	ssyncadd.s32 $0xFFFFC000  }
0x101: {  	_ =	swait.ge [sflag:s23], $0x4000  }
0x102: {  	[sflag:s23] =	ssyncset.done $0x0  }
0x103: {  	s26 =	simm.s32 $0x28;
	p2 =	por $0x0, $0x0;
	[sflag:s23] =	ssyncadd.s32 $0xFFFFC000  }
0x104: {  	[bflag:$0x0] =	sbarrier.arrive $0xFFFF;
	s26 =	simm.s32 @p0 $0x3  }
0x105: {  	[hbm:s13], [sflag:s10] =	dma.local @p0 [spmem:s25], $0x1900  }
0x106: {  	_ =	swait.ge @p0 [sflag:s26], $0x1900  }
0x107: {  	s2 =	sadd.s32 $0x1, s2;
	[sflag:s26] =	ssyncset.done @p0 $0x0  }
0x108: {  	p1 =	sne.s32 s2, s14;
	[sflag:s26] =	ssyncadd.s32 @p0 $0xFFFFE700;
	s26 =	sshrl.u32 @!p0 s9, $0x3  }
0x109: {  	[hbm:s12], [sflag:s10] =	dma.local @!p0 [spmem:s26], $0x2800  }
.Ltmp2:
0x10a: {  	_ = 	snop;
	(pc) =	sbr.rel @p1 .LBB2_1-.Ltmp2, $4  }
0x10b: {  	s26 =	simm.s32 @!p0 $0x3  }
0x10c: {  	_ =	swait.ge @!p0 [sflag:s26], $0x2800  }
0x10d: {  	[sflag:s26] =	ssyncset.done @!p0 $0x0  }
0x10e: {  	[sflag:s26] =	ssyncadd.s32 @!p0 $0xFFFFD800  }
0x10f: {  	_ =	sfence.sel $0x180000  }
0x110: {  	[bflag:$0x0] =	sbarrier.arrive $0xFFFF  }
0x111: {  	p0 =	sne.s32 s4, $0x0;
	_ =	strace $0x90000047  }
0x112: {  	s0 =	sadd.s32 @!p0 $0x100000, s0;
	[bflag:$0x2] =	sbarrier.arrive $0xFFFF  }
0x113: {  	[sflag:s0] =	ssyncadd.tile.s32 @!p0 $0x1;
	_ =	shalt  }
.Lfunc_end2:
_tile_overlayer_lowered:
.L_overlay_start_2:
0x114: {  	(tag) =	ssettag $0x2  }
0x115: {  	s0 =	rddreg [dreg:$0x0];
	s2 =	stileid.u32  }
0x116: {  	s1 =	rddreg [dreg:$0x1];
	p0 =	sne.s32 s2, $0x0  }
0x117: {  	s3 =	rddreg [dreg:$0x2];
	[bflag:$0x3] =	sbarrier.arrive $0xFFFF;
	s2 =	simm.s32 @!p0 $0x1C03  }
0x118: {  	[timem:s3], [sflag:s2] =	dma.local @!p0 [hbm:s0], s1  }
0x119: {  	s0 =	simm.s32 @!p0 $0x3  }
0x11a: {  	_ =	swait.ge @!p0 [sflag:s0], s1  }
0x11b: {  	s1 =	ssub.s32 @!p0 $0x0, s1;
	[sflag:s0] =	ssyncset.done @!p0 $0x0  }
0x11c: {  	[sflag:s0] =	ssyncadd.s32 @!p0 s1  }
0x11d: {  	[bflag:$0x3] =	sbarrier.arrive $0xFFFF  }
0x11e: {  	_ =	shalt  }

// kernel: kernel.15.cloned.1.call-start
scs
__scs_entry_jumppad:
0x0: {  	(pc) =	sbr.rel $0x88, $3  }
0x1: {  	(tag) =	ssettag $0x0;
	lr =	simm.s32 $0x1  }
0x2: {  	[smem:$0x3F8C] =	sst lr;
	_ =	strace $0xD0000000  }
0x3: {  	_ = 	snop  }
0x4: {  	_ = 	snop  }
0x5: {  	_ = 	snop  }
0x6: {  	_ = 	snop  }
0x7: {  	_ = 	snop  }
__scs_overlays_trampoline_lowered:
0x8: {  	[smem:$0x3F9B] =	sst s0  }
0x9: {  	[smem:$0x3F9C] =	sst s1  }
0xa: {  	[smem:$0x3F9D] =	sst s2  }
0xb: {  	[smem:$0x3F9E] =	sst s3  }
0xc: {  	[smem:$0x3F9F] =	sst s4  }
0xd: {  	[smem:$0x3FA0] =	sst s5  }
0xe: {  	[smem:$0x3FA1] =	sst s6  }
0xf: {  	[smem:$0x3FA2] =	sst s7  }
0x10: {  	[smem:$0x3FA3] =	sst s8  }
0x11: {  	[smem:$0x3FA4] =	sst s9;
	s0 =	simm.s32 @!p0 $0x0  }
0x12: {  	s1 =	sld [smem:$0x3F8A];
	s0 =	simm.s32 @p0 $0x1  }
0x13: {  	[smem:$0x3FA5] =	sst s0;
	s0 =	simm.s32 @!p1 $0x0  }
0x14: {  	s2 =	sld [smem:$0x3F89];
	s0 =	simm.s32 @p1 $0x1  }
0x15: {  	[smem:$0x3FA6] =	sst s0;
	s0 =	simm.s32 @!p2 $0x0  }
0x16: {  	s3 =	sld [smem:$0x3FDB];
	s0 =	simm.s32 @p2 $0x1  }
0x17: {  	s4 =	simm.s32 $0x1BF5;
	[smem:$0x3FA8] =	sst s0  }
0x18: {  	s0 =	sld [smem:$0x3F8B];
	_ =	swait.ge [sflag:s4], $0x0  }
0x19: {  	s7 =	sld [smem:$0x3F8C]  }
0x1a: {  	s8 =	sadd.s32 $0xFFFFE003, lr  }
0x1b: {  	s9 =	sadd.s32 $0xFFFFFEF7, lr;
	s5 =	simm.s32 $0xFFFFFFFF;
	p2 =	slt.u32 s8, $0xFFFFF086  }
0x1c: {  	p1 =	slt.u32 s9, $0xF7A;
	s5 =	simm.s32 @!p2 $0x0  }
0x1d: {  	s5 =	simm.s32 @p1 $0x1;
	p0 =	seq.s32 s7, s2  }
0x1e: {  	s7 =	smul.u32 @!p0 $0xF7A, s2;
	p2 =	seq.s32 @!p0 s5, $0x0  }
0x1f: {  	s9 =	smul.u32 $0xF7A, s1;
	s8 =	simm.s32 @!p0 $0x1BF5;
	p2 =	por !p2, p0  }
0x20: {  	[sflag:s8] =	ssyncset.s32 @!p0 $0xFFFFF086;
	s6 =	sadd.s32 @!p0 s3, s7;
	s7 =	simm.s32 @!p0 $0x108  }
0x21: {  	s3 =	sadd.s32 s3, s9;
	s6 =	sadd.s32 @!p0 $0x88, s6;
	s7 =	simm.s32 @p2 $0x1082  }
0x22: {  	[simem:s7], [sflag:s8] =	dma.local @!p0 [hbm:s6], $0xF7A  }
0x23: {  	s9 =	sor.u32 $0xD0000000, s2;
	s6 =	simm.s32 $0x108;
	_ =	swait.ge @!p0 [sflag:s8], $0x0  }
0x24: {  	s3 =	sadd.s32 $0x88, s3;
	s6 =	simm.s32 @!p1 $0x1082;
	[sflag:s4] =	ssyncset.s32 $0xFFFFF086  }
0x25: {  	[simem:s6], [sflag:s4] =	dma.local [hbm:s3], $0xF7A  }
0x26: {  	[smem:$0x3F8C] =	sst s1;
	(tag) =	ssettag s2;
	_ =	strace s9  }
0x27: {  	s1 =	sld [smem:$0x3F9C]  }
0x28: {  	s2 =	sld [smem:$0x3F9D]  }
0x29: {  	s4 =	sld [smem:$0x3F9F]  }
0x2a: {  	p0 =	seq.s32 s5, $0x0;
	s5 =	sld [smem:$0x3FA0]  }
0x2b: {  	s6 =	sld [smem:$0x3FA1]  }
0x2c: {  	s7 =	sld [smem:$0x3FA2]  }
0x2d: {  	s3 =	simm.s32 $0x108;
	s8 =	sld [smem:$0x3FA3]  }
0x2e: {  	s3 =	simm.s32 @!p0 $0x1082;
	s9 =	sld [smem:$0x3FA4]  }
0x2f: {  	lr =	sadd.s32 s0, s3;
	s0 =	sld [smem:$0x3F9B]  }
0x30: {  	s3 =	sld [smem:$0x3F9E]  }
0x31: {  	[smem:$0x3FA7] =	sst s10  }
0x32: {  	s10 =	sld [smem:$0x3FA5];
	_ =	sdelay $0x3  }
0x33: {  	p0 =	seq.s32 s10, $0x1;
	s10 =	sld [smem:$0x3FA7];
	_ =	sdelay $0x3  }
0x34: {  	[smem:$0x3FA7] =	sst s10  }
0x35: {  	s10 =	sld [smem:$0x3FA6];
	_ =	sdelay $0x3  }
0x36: {  	p1 =	seq.s32 s10, $0x1;
	s10 =	sld [smem:$0x3FA7];
	_ =	sdelay $0x3  }
0x37: {  	[smem:$0x3FA7] =	sst s10  }
0x38: {  	s10 =	sld [smem:$0x3FA8]  }
0x39: {  	_ = 	snop;
	(pc) =	sbr.ind lr, $3  }
0x3a: {  	_ = 	snop  }
0x3b: {  	_ = 	snop  }
0x3c: {  	p2 =	seq.s32 s10, $0x1;
	s10 =	sld [smem:$0x3FA7]  }
0x3d: {  	_ =	shalt  }
0x3e: {  	_ =	shalt  }
0x3f: {  	_ =	shalt  }
0x40: {  	_ =	shalt  }
0x41: {  	_ =	shalt  }
0x42: {  	_ =	shalt  }
0x43: {  	_ =	shalt  }
0x44: {  	_ =	shalt  }
0x45: {  	_ =	shalt  }
0x46: {  	_ =	shalt  }
0x47: {  	_ =	shalt  }
0x48: {  	_ =	shalt  }
0x49: {  	_ =	shalt  }
0x4a: {  	_ =	shalt  }
0x4b: {  	_ =	shalt  }
0x4c: {  	_ =	shalt  }
0x4d: {  	_ =	shalt  }
0x4e: {  	_ =	shalt  }
0x4f: {  	_ =	shalt  }
0x50: {  	_ =	shalt  }
0x51: {  	_ =	shalt  }
0x52: {  	_ =	shalt  }
0x53: {  	_ =	shalt  }
0x54: {  	_ =	shalt  }
0x55: {  	_ =	shalt  }
0x56: {  	_ =	shalt  }
0x57: {  	_ =	shalt  }
0x58: {  	_ =	shalt  }
0x59: {  	_ =	shalt  }
0x5a: {  	_ =	shalt  }
0x5b: {  	_ =	shalt  }
0x5c: {  	_ =	shalt  }
0x5d: {  	_ =	shalt  }
0x5e: {  	_ =	shalt  }
0x5f: {  	_ =	shalt  }
0x60: {  	_ =	shalt  }
0x61: {  	_ =	shalt  }
0x62: {  	_ =	shalt  }
0x63: {  	_ =	shalt  }
0x64: {  	_ =	shalt  }
0x65: {  	_ =	shalt  }
0x66: {  	_ =	shalt  }
0x67: {  	_ =	shalt  }
0x68: {  	_ =	shalt  }
0x69: {  	_ =	shalt  }
0x6a: {  	_ =	shalt  }
0x6b: {  	_ =	shalt  }
0x6c: {  	_ =	shalt  }
0x6d: {  	_ =	shalt  }
0x6e: {  	_ =	shalt  }
0x6f: {  	_ =	shalt  }
0x70: {  	_ =	shalt  }
0x71: {  	_ =	shalt  }
0x72: {  	_ =	shalt  }
0x73: {  	_ =	shalt  }
0x74: {  	_ =	shalt  }
0x75: {  	_ =	shalt  }
0x76: {  	_ =	shalt  }
0x77: {  	_ =	shalt  }
0x78: {  	_ =	shalt  }
0x79: {  	_ =	shalt  }
0x7a: {  	_ =	shalt  }
0x7b: {  	_ =	shalt  }
0x7c: {  	_ =	shalt  }
0x7d: {  	_ =	shalt  }
0x7e: {  	_ =	shalt  }
0x7f: {  	_ =	shalt  }
0x80: {  	_ =	shalt  }
0x81: {  	_ =	shalt  }
0x82: {  	_ =	shalt  }
0x83: {  	_ =	shalt  }
0x84: {  	_ =	shalt  }
0x85: {  	_ =	shalt  }
0x86: {  	_ =	shalt  }
0x87: {  	_ =	shalt  }
.Lfunc_end0:
.L_simem_size_0:
called_computation.1_lowered:
.L_overlay_start_0:
0x88: {  	s2 =	sld [smem:$0x3FD9]  }
0x89: {  	s3 =	sld [smem:$0x3FFE];
	_ =	sdelay $0x1  }
0x8a: {  	s1 =	srdreg.scid  }
0x8b: {  	s0 =	sand.u32 $0x1, s1  }
0x8c: {  	s16 =	sshll.u32 s0, $0xA;
	s2 =	sadd.s32 s3, s2  }
0x8d: {  	s2 =	sadd.s32 s2, s16  }
0x8e: {  	[smem:$0x3FB3] =	sst s2  }
0x8f: {  	_ = 	snop  }
0x90: {  	(tm) =	ssettm $0x1  }
0x91: {  	s17 =	sld [smem:$0x3FFB];
	_ =	sdelay $0x3  }
0x92: {  	_ =	strace s17  }
0x93: {  	s2 =	sld [smem:$0x3FFC];
	_ =	sdelay $0x3  }
0x94: {  	_ =	strace s2  }
0x95: {  	s2 =	sld [smem:$0x3FFD];
	_ =	sdelay $0x3  }
0x96: {  	_ =	strace s2  }
0x97: {  	_ =	strace $0x8FFFFFFF  }
0x98: {  	s18 =	sld [smem:$0x3FDB];
	_ =	sdelay $0x1  }
0x99: {  	s19 =	simm.s32 $_scs_section_size  }
0x9a: {  	s4 =	simm.s32 $_size__tile_overlayer_lowered;
	s5 =	simm.s32 $_tile_overlayer_lowered  }
0x9b: {  	s22 =	simm.s32 $0x1BFF;
	s21 =	sshll.u32 s5, $0x1;
	s2 =	sadd.s32 s19, s18  }
0x9c: {  	s6 =	simm.s32 $0x0;
	s20 =	sshll.u32 s4, $0x1;
	s4 =	sadd.s32 s21, s2  }
0x9d: {  	[timem:s6], [sflag:s22] =	dma.local [hbm:s4], s20  }
0x9e: {  	_ =	swait.ge [sflag:s22], s20  }
0x9f: {  	s3 =	ssub.s32 $0x0, s20;
	[sflag:s22] =	ssyncset.done $0x0  }
0xa0: {  	[sflag:s22] =	ssyncadd.s32 s3;
	_ =	sdelay $0x1  }
0xa1: {  	s23 =	simm.s32 $0x1B8B  }
0xa2: {  	_ =	swait.ge [sflag:s23], $0x1  }
0xa3: {  	[sflag:s23] =	ssyncset.done $0x0  }
0xa4: {  	s25 =	simm.s32 $0x1B8E;
	s24 =	sld [smem:$0x3FFE];
	[sflag:s23] =	ssyncadd.s32 $0xFFFFFFFF  }
0xa5: {  	s26 =	simm.s32 $execute0_lowered;
	[smem:$0x3FD2] =	sst s25  }
0xa6: {  	s4 =	sshll.u32 s26, $0x1;
	_ =	strace $0x80000049;
	[dreg:$0x1] =	wrdreg $0xFFFFFFFF  }
0xa7: {  	s28 =	simm.s32 $_size_execute0_lowered;
	s2 =	sadd.s32 s2, s4;
	[dreg:$0x0] =	wrdreg $0x0  }
0xa8: {  	s4 =	sshll.u32 s28, $0x1;
	[dreg:$0x2] =	wrdreg s2  }
0xa9: {  	[dreg:$0x3] =	wrdreg s4  }
0xaa: {  	[dreg:$0x4] =	wrdreg $0xC0  }
0xab: {  	_ =	task [dreg:s6], $0x5FFFF  }
0xac: {  	[dreg:$0x1] =	wrdreg $0xFFFFFFFF  }
0xad: {  	[dreg:$0x0] =	wrdreg $0x60  }
0xae: {  	[dreg:$0x2] =	wrdreg s24  }
0xaf: {  	[dreg:$0x3] =	wrdreg $0xBD000  }
0xb0: {  	[dreg:$0x4] =	wrdreg $0x9  }
0xb1: {  	_ =	task.clear_ibuf [dreg:s6], $0x5FFFF;
	_ =	strace $0x90000049  }
0xb2: {  	s29 =	simm.s32 $0x9;
	_ =	strace $0x8000004B  }
0xb3: {  	_ =	swait.ge [sflag:s29], $0x1  }
0xb4: {  	[sflag:s29] =	ssyncadd.s32 $0xFFFFFFFF  }
0xb5: {  	_ =	strace $0x9000004B  }
0xb6: {  	_ =	sfence  }
0xb7: {  	s30 =	sld [smem:$0x0];
	_ =	sdelay $0x2  }
0xb8: {  	s31 =	sshll.u32 s1, $0xD;
	s1 =	sshrl.u32 s1, $0x2  }
0xb9: {  	s3 =	sand.u32 $0x4000, s31;
	s1 =	sadd.s32 s1, s30  }
0xba: {  	s0 =	sor.u32 s3, s0;
	s1 =	sshll.u32 s1, $0x11  }
0xbb: {  	s0 =	sor.u32 s1, s0  }
0xbc: {  	s0 =	sadd.s32 $0x8F2B, s0  }
0xbd: {  	[sflag:s0] =	ssyncadd.remote.s32 $0x1  }
0xbe: {  	_ =	sfence.sel $0xFFFF  }
0xbf: {  	[dreg:$0x0] =	wrdreg $0xFFFFFFFF;
	(pc) =	sbr.abs _section_cstart, $3  }
0xc0: {  	[dreg:$0x1] =	wrdreg $0xFFFFFFFF  }
0xc1: {  	_ =	task.clear_ibuf [dreg:s6], $0x2FFFF;
	_ =	strace $0x9FFFFFFF  }
0xc2: {  	(tm) =	ssettm $0x7FFFFFFF  }
0xc3: {  	_ =	shalt  }
tec
execute0_lowered:
.L_overlay_start_1:
0x0: {  	(tag) =	ssettag $0x1  }
0x1: {  	s9 =	rddreg [dreg:$0x0]  }
0x2: {  	s1 =	rddreg [dreg:$0x1]  }
0x3: {  	s0 =	rddreg [dreg:$0x2]  }
0x4: {  	s2 =	simm.s32 $0x0;
	s10 =	srdreg.scid;
	s4 =	stileid.u32  }
0x5: {  	s17 =	simm.s32 $0x1400;
	s18 =	simm.s32 $0x80;
	s19 =	simm.s32 $0x3C00  }
0x6: {  	s20 =	simm.s32 $0x3D00;
	s21 =	simm.s32 $0x3C80;
	s22 =	simm.s32 $0x7D00  }
0x7: {  	s23 =	simm.s32 $0x1;
	[smem:$0x7FF] =	sst s2;
	s3 =	sadd.s32 $0xD200, s9  }
0x8: {  	s24 =	simm.s32 $0x2;
	s6 =	sadd.s32 $0x16CC00, s9;
	s7 =	sadd.s32 $0x176C00, s9  }
0x9: {  	s5 =	sadd.s32 $0x3200, s9;
	s8 =	sadd.s32 $0x180C00, s9;
	s29 =	smul.u32 $0x50000, s4  }
0xa: {  	s11 =	sand.u32 $0x1, s10;
	s13 =	sadd.s32 $0x183400, s9;
	s15 =	smul.u32 $0x14000, s4  }
0xb: {  	s31 =	sshll.u32 s4, $0x6;
	s25 =	sadd.s32 $0x12C000, s1;
	p0 =	seq.s32 s4, $0xF  }
0xc: {  	_ =	strace $0x8000004A;
	s30 =	ssub.s32 $0x2, s11;
	s12 =	smul.u32 $0x138800, s11  }
0xd: {  	s11 =	sshll.u32 s11, $0x4;
	s25 =	sshrl.u32 @p0 s25, $0x3;
	s14 =	sshrl.u32 s30, $0x1  }
0xe: {  	s10 =	sshrl.u32 s29, $0x2;
	s11 =	sor.u32 s4, s11;
	s14 =	ssub.s32 s30, s14  }
0xf: {  	s9 =	sadd.s32 s10, s1;
	s10 =	sor.u32 $0x1C03, s31;
	s15 =	sadd.s32 s15, s12  }
0x10: {  	s16 =	sshrl.u32 s12, $0x3;
	s11 =	smul.u32 $0x50, s11;
	s15 =	sshrl.u32 s15, $0x3  }
0x11: {  	s14 =	smax.u32 s14, $0x1;
	s12 =	sadd.s32 s13, s15;
	s13 =	sadd.s32 s13, s16  }
0x12: {  	s15 =	sshrl.u32 s9, $0x3;
	s16 =	simm.s32 $0x3;
	s13 =	sadd.s32 $0x25800, s13  }
.LBB2_1:
0x13: {  	[spmem:s15], [sflag:s10] =	dma.local [hbm:s8], $0x2800  }
0x14: {  	_ =	swait.ge [sflag:s16], $0x2800  }
0x15: {  	[sflag:s16] =	ssyncset.done $0x0  }
0x16: {  	[sflag:s16] =	ssyncadd.s32 $0xFFFFD800  }
0x17: {  	p2 =	por $0x1, $0x1;
	s26 =	simm.s32 $0x0;
	[bflag:$0x0] =	sbarrier.arrive $0xFFFF  }
.LBB2_2:
0x18: {  	s26 =	sadd.s32 s11, s26  }
0x19: {  	s26 =	sshll.u32 s26, $0x4  }
0x1a: {  	s29 =	simm.s32 $0x0;
	s28 =	sadd.s32 s5, s26  }
0x1b: {  	[tilespmem:s29], [sflag:$0x3] =	stream.linear.gather [hbm4b:s28+s29], $0x1400, $0x38;
	[tilespmem:$0x1FD00] =	vst v63  }
0x1c: {  	_ =	swait.ge [sflag:s16], $0x1400  }
0x1d: {  	[sflag:s16] =	ssyncset.done $0x0  }
0x1e: {  	s28 =	sadd.s32 s6, s26;
	[sflag:s16] =	ssyncadd.s32 $0xFFFFEC00  }
0x1f: {  	[tilespmem:s17], [sflag:$0x3] =	stream.linear.gather [hbm4b:s28+s29], $0x1400, $0x38;
	[tilespmem:$0x1FD00] =	vst v63  }
0x20: {  	_ =	swait.ge [sflag:s16], $0x1400  }
0x21: {  	[sflag:s16] =	ssyncset.done $0x0  }
0x22: {  	s28 =	sadd.s32 s7, s26;
	s26 =	simm.s32 $0x2800;
	[sflag:s16] =	ssyncadd.s32 $0xFFFFEC00  }
0x23: {  	[tilespmem:s26], [sflag:$0x3] =	stream.linear.gather [hbm4b:s28+s29], $0x1400, $0x38;
	[tilespmem:$0x1FD00] =	vst v63  }
0x24: {  	_ =	swait.ge [sflag:s16], $0x1400  }
0x25: {  	[sflag:s16] =	ssyncset.done $0x0  }
0x26: {  	[sflag:s16] =	ssyncadd.s32 $0xFFFFEC00  }
0x27: {  	v0 =	vld [tilespmem:$0x0]  }
0x28: {  	v1 =	vld [tilespmem:$0x1400]  }
0x29: {  	v2 =	vld [tilespmem:$0x10]  }
0x2a: {  	v3 =	vld [tilespmem:$0x1410]  }
0x2b: {  	v4 =	vld [tilespmem:$0x20]  }
0x2c: {  	v5 =	vld [tilespmem:$0x1420]  }
0x2d: {  	v6 =	vld [tilespmem:$0x30]  }
0x2e: {  	v7 =	vld [tilespmem:$0x1430]  }
0x2f: {  	v8 =	vld [tilespmem:$0x40]  }
0x30: {  	v9 =	vld [tilespmem:$0x1440]  }
0x31: {  	v10 =	vld [tilespmem:$0x50]  }
0x32: {  	v11 =	vld [tilespmem:$0x1450];
	v0 =	vmul.u32 $0x2710, v0  }
0x33: {  	v12 =	vld [tilespmem:$0x60];
	v2 =	vmul.u32 $0x2710, v2  }
0x34: {  	v32 =	vld [tilespmem:$0x70];
	v31 =	vmul.u32 $0x2710, v4;
	v0 =	vadd.s32 v1, v0  }
0x35: {  	v35 =	vld [tilespmem:$0x1460];
	v34 =	vmul.u32 $0x2710, v6;
	v33 =	vadd.s32 v3, v2;
	[tilespmem:$0x3C00] =	vst v0  }
0x36: {  	v38 =	vld [tilespmem:$0x1470];
	v37 =	vmul.u32 $0x2710, v8;
	v36 =	vadd.s32 v5, v31;
	[tilespmem:$0x3C10] =	vst v33  }
0x37: {  	v40 =	vmul.u32 $0x2710, v10;
	v39 =	vadd.s32 v7, v34;
	[tilespmem:$0x3C20] =	vst v36  }
0x38: {  	v42 =	vmul.u32 $0x2710, v12;
	v41 =	vadd.s32 v9, v37;
	[tilespmem:$0x3C30] =	vst v39  }
0x39: {  	v44 =	vmul.u32 $0x2710, v32;
	v43 =	vadd.s32 v11, v40;
	[tilespmem:$0x3C40] =	vst v41  }
0x3a: {  	v45 =	vadd.s32 v35, v42;
	[tilespmem:$0x3C50] =	vst v43  }
0x3b: {  	v46 =	vadd.s32 v38, v44;
	[tilespmem:$0x3C60] =	vst v45  }
0x3c: {  	s28 =	simm.s32 $0xF0;
	[tilespmem:$0x3C70] =	vst v46  }
0x3d: {  	[tilespmem:s20], [sflag:$0x1] =	stream.indirect.gather [hbm4b:s3+s18], $0x80, s19, s18, $0xb8;
	[tilespmem:$0x1FD00] =	vst v63  }
0x3e: {  	v0 =	vld [tilespmem:s28+$0xFFFFFF90]  }
0x3f: {  	s30 =	simm.s32 $0x14F0  }
0x40: {  	v47 =	vld [tilespmem:s30+$0xFFFFFF90];
	_ =	sdelay $0x2  }
0x41: {  	v0 =	vmul.u32 $0x2710, v0;
	_ =	sdelay $0x1  }
0x42: {  	v0 =	vadd.s32 v47, v0  }
0x43: {  	[tilespmem:$0x3C80] =	vst v0  }
0x44: {  	v0 =	vld [tilespmem:s28+$0xFFFFFFA0];
	_ =	sdelay $0x1  }
0x45: {  	v48 =	vld [tilespmem:s30+$0xFFFFFFA0];
	_ =	sdelay $0x2  }
0x46: {  	v0 =	vmul.u32 $0x2710, v0;
	_ =	sdelay $0x1  }
0x47: {  	v0 =	vadd.s32 v48, v0  }
0x48: {  	[tilespmem:$0x3C90] =	vst v0  }
0x49: {  	v0 =	vld [tilespmem:s28+$0xFFFFFFB0];
	_ =	sdelay $0x1  }
0x4a: {  	v49 =	vld [tilespmem:s30+$0xFFFFFFB0];
	_ =	sdelay $0x2  }
0x4b: {  	v0 =	vmul.u32 $0x2710, v0;
	_ =	sdelay $0x1  }
0x4c: {  	v0 =	vadd.s32 v49, v0  }
0x4d: {  	[tilespmem:$0x3CA0] =	vst v0  }
0x4e: {  	v0 =	vld [tilespmem:s28+$0xFFFFFFC0];
	_ =	sdelay $0x1  }
0x4f: {  	v50 =	vld [tilespmem:s30+$0xFFFFFFC0];
	_ =	sdelay $0x2  }
0x50: {  	v0 =	vmul.u32 $0x2710, v0;
	_ =	sdelay $0x1  }
0x51: {  	v0 =	vadd.s32 v50, v0  }
0x52: {  	[tilespmem:$0x3CB0] =	vst v0  }
0x53: {  	v0 =	vld [tilespmem:s28+$0xFFFFFFD0];
	_ =	sdelay $0x1  }
0x54: {  	v51 =	vld [tilespmem:s30+$0xFFFFFFD0];
	_ =	sdelay $0x2  }
0x55: {  	v0 =	vmul.u32 $0x2710, v0;
	_ =	sdelay $0x1  }
0x56: {  	v0 =	vadd.s32 v51, v0  }
0x57: {  	[tilespmem:$0x3CC0] =	vst v0  }
0x58: {  	v0 =	vld [tilespmem:s28+$0xFFFFFFE0];
	_ =	sdelay $0x1  }
0x59: {  	v52 =	vld [tilespmem:s30+$0xFFFFFFE0];
	_ =	sdelay $0x2  }
0x5a: {  	v0 =	vmul.u32 $0x2710, v0;
	_ =	sdelay $0x1  }
0x5b: {  	v0 =	vadd.s32 v52, v0  }
0x5c: {  	[tilespmem:$0x3CD0] =	vst v0  }
0x5d: {  	v0 =	vld [tilespmem:s28+$0xFFFFFFF0];
	_ =	sdelay $0x1  }
0x5e: {  	v53 =	vld [tilespmem:s30+$0xFFFFFFF0];
	_ =	sdelay $0x2  }
0x5f: {  	v0 =	vmul.u32 $0x2710, v0;
	_ =	sdelay $0x1  }
0x60: {  	v0 =	vadd.s32 v53, v0  }
0x61: {  	[tilespmem:$0x3CE0] =	vst v0  }
0x62: {  	v0 =	vld [tilespmem:s28+$0x0];
	_ =	sdelay $0x1  }
0x63: {  	v54 =	vld [tilespmem:s30+$0x0];
	_ =	sdelay $0x2  }
0x64: {  	v0 =	vmul.u32 $0x2710, v0;
	_ =	sdelay $0x1  }
0x65: {  	v0 =	vadd.s32 v54, v0  }
0x66: {  	[tilespmem:$0x3CF0] =	vst v0  }
0x67: {  	[tilespmem:s22], [sflag:$0x2] =	stream.indirect.gather [hbm4b:s3+s18], $0x80, s21, s18, $0xb8;
	[tilespmem:$0x1FD00] =	vst v63  }
0x68: {  	_ =	swait.ge [sflag:s23], $0x4000  }
0x69: {  	[sflag:s23] =	ssyncset.done $0x0  }
0x6a: {  	[sflag:s23] =	ssyncadd.s32 $0xFFFFC000  }
0x6b: {  	[spmem:s1] =	stream.indirect.scatter.add.f32 [tilespmem:s20], [sflag:$0x3], $0x80, s26, s18, $0xb8;
	[tilespmem:$0x1FD00] =	vst v63  }
0x6c: {  	_ =	swait.ge [sflag:s16], $0x4000  }
0x6d: {  	s29 =	smin.u32 s29, $0x25;
	[sflag:s16] =	ssyncset.done $0x0  }
0x6e: {  	s29 =	sshll.u32 s29, $0x7;
	[sflag:s16] =	ssyncadd.s32 $0xFFFFC000  }
0x6f: {  	v55 =	vld [tilespmem:s29+$0x100];
	_ =	sdelay $0x1  }
0x70: {  	v56 =	vld [tilespmem:s29+$0x1500];
	_ =	sdelay $0x2  }
0x71: {  	v0 =	vmul.u32 $0x2710, v55;
	_ =	sdelay $0x1  }
0x72: {  	v0 =	vadd.s32 v56, v0  }
0x73: {  	[tilespmem:$0x3C00] =	vst v0  }
0x74: {  	v0 =	vld [tilespmem:s29+$0x110];
	_ =	sdelay $0x1  }
0x75: {  	v57 =	vld [tilespmem:s29+$0x1510];
	_ =	sdelay $0x2  }
0x76: {  	v0 =	vmul.u32 $0x2710, v0;
	_ =	sdelay $0x1  }
0x77: {  	v0 =	vadd.s32 v57, v0  }
0x78: {  	[tilespmem:$0x3C10] =	vst v0  }
0x79: {  	v0 =	vld [tilespmem:s29+$0x120];
	_ =	sdelay $0x1  }
0x7a: {  	v58 =	vld [tilespmem:s29+$0x1520];
	_ =	sdelay $0x2  }
0x7b: {  	v0 =	vmul.u32 $0x2710, v0;
	_ =	sdelay $0x1  }
0x7c: {  	v0 =	vadd.s32 v58, v0  }
0x7d: {  	[tilespmem:$0x3C20] =	vst v0  }
0x7e: {  	v0 =	vld [tilespmem:s29+$0x130];
	_ =	sdelay $0x1  }
0x7f: {  	v59 =	vld [tilespmem:s29+$0x1530];
	_ =	sdelay $0x2  }
0x80: {  	v0 =	vmul.u32 $0x2710, v0;
	_ =	sdelay $0x1  }
0x81: {  	v0 =	vadd.s32 v59, v0  }
0x82: {  	[tilespmem:$0x3C30] =	vst v0  }
0x83: {  	v0 =	vld [tilespmem:s29+$0x140];
	_ =	sdelay $0x1  }
0x84: {  	v60 =	vld [tilespmem:s29+$0x1540];
	_ =	sdelay $0x2  }
0x85: {  	v0 =	vmul.u32 $0x2710, v0;
	_ =	sdelay $0x1  }
0x86: {  	v0 =	vadd.s32 v60, v0  }
0x87: {  	[tilespmem:$0x3C40] =	vst v0  }
0x88: {  	v0 =	vld [tilespmem:s29+$0x150];
	_ =	sdelay $0x1  }
0x89: {  	v61 =	vld [tilespmem:s29+$0x1550];
	_ =	sdelay $0x2  }
0x8a: {  	v0 =	vmul.u32 $0x2710, v0;
	_ =	sdelay $0x1  }
0x8b: {  	v0 =	vadd.s32 v61, v0  }
0x8c: {  	[tilespmem:$0x3C50] =	vst v0  }
0x8d: {  	v0 =	vld [tilespmem:s29+$0x160];
	_ =	sdelay $0x1  }
0x8e: {  	v62 =	vld [tilespmem:s29+$0x1560];
	_ =	sdelay $0x2  }
0x8f: {  	v0 =	vmul.u32 $0x2710, v0;
	_ =	sdelay $0x1  }
0x90: {  	v0 =	vadd.s32 v62, v0  }
0x91: {  	[tilespmem:$0x3C60] =	vst v0  }
0x92: {  	v0 =	vld [tilespmem:s29+$0x170];
	_ =	sdelay $0x1  }
0x93: {  	v63 =	vld [tilespmem:s29+$0x1570];
	_ =	sdelay $0x2  }
0x94: {  	v0 =	vmul.u32 $0x2710, v0;
	_ =	sdelay $0x1  }
0x95: {  	v0 =	vadd.s32 v63, v0  }
0x96: {  	[tilespmem:$0x3C70] =	vst v0  }
0x97: {  	[tilespmem:s20], [sflag:$0x1] =	stream.indirect.gather [hbm4b:s3+s18], $0x80, s19, s18, $0xb8;
	[tilespmem:$0x1FD00] =	vst v63  }
0x98: {  	_ =	swait.ge [sflag:s24], $0x4000  }
0x99: {  	[sflag:s24] =	ssyncset.done $0x0  }
0x9a: {  	s29 =	simm.s32 $0x2880;
	[sflag:s24] =	ssyncadd.s32 $0xFFFFC000  }
0x9b: {  	[spmem:s1] =	stream.indirect.scatter.add.f32 [tilespmem:s22], [sflag:$0x3], $0x80, s29, s18, $0xb8;
	[tilespmem:$0x1FD00] =	vst v63  }
0x9c: {  	p1 =	por p2, p2;
	_ =	swait.ge [sflag:s16], $0x4000  }
0x9d: {  	s30 =	simm.s32 $0x15F0;
	s29 =	simm.s32 $0x2;
	[sflag:s16] =	ssyncset.done $0x0  }
.LBB2_3:
0x9e: {  	[sflag:s16] =	ssyncadd.s32 $0xFFFFC000;
	s26 =	sadd.s32 $0x100, s26;
	s28 =	sadd.s32 $0x100, s28  }
0x9f: {  	p2 =	sne.s32 s29, $0x26;
	s31 =	smov.u32 s29;
	s29 =	sadd.s32 $0x2, s29;
	v0 =	vld [tilespmem:s28+$0xFFFFFF90]  }
0xa0: {  	_ = 	snop  }
0xa1: {  	v1 =	vld [tilespmem:s30+$0xFFFFFF90];
	_ =	sdelay $0x2  }
0xa2: {  	v0 =	vmul.u32 $0x2710, v0;
	_ =	sdelay $0x1  }
0xa3: {  	v0 =	vadd.s32 v1, v0  }
0xa4: {  	[tilespmem:$0x3C80] =	vst v0  }
0xa5: {  	v0 =	vld [tilespmem:s28+$0xFFFFFFA0];
	_ =	sdelay $0x1  }
0xa6: {  	v1 =	vld [tilespmem:s30+$0xFFFFFFA0];
	_ =	sdelay $0x2  }
0xa7: {  	v0 =	vmul.u32 $0x2710, v0;
	_ =	sdelay $0x1  }
0xa8: {  	v0 =	vadd.s32 v1, v0  }
0xa9: {  	[tilespmem:$0x3C90] =	vst v0  }
0xaa: {  	v0 =	vld [tilespmem:s28+$0xFFFFFFB0];
	_ =	sdelay $0x1  }
0xab: {  	v1 =	vld [tilespmem:s30+$0xFFFFFFB0];
	_ =	sdelay $0x2  }
0xac: {  	v0 =	vmul.u32 $0x2710, v0;
	_ =	sdelay $0x1  }
0xad: {  	v0 =	vadd.s32 v1, v0  }
0xae: {  	[tilespmem:$0x3CA0] =	vst v0  }
0xaf: {  	v0 =	vld [tilespmem:s28+$0xFFFFFFC0];
	_ =	sdelay $0x1  }
0xb0: {  	v1 =	vld [tilespmem:s30+$0xFFFFFFC0];
	_ =	sdelay $0x2  }
0xb1: {  	v0 =	vmul.u32 $0x2710, v0;
	_ =	sdelay $0x1  }
0xb2: {  	v0 =	vadd.s32 v1, v0  }
0xb3: {  	[tilespmem:$0x3CB0] =	vst v0  }
0xb4: {  	v0 =	vld [tilespmem:s28+$0xFFFFFFD0];
	_ =	sdelay $0x1  }
0xb5: {  	v1 =	vld [tilespmem:s30+$0xFFFFFFD0];
	_ =	sdelay $0x2  }
0xb6: {  	v0 =	vmul.u32 $0x2710, v0;
	_ =	sdelay $0x1  }
0xb7: {  	v0 =	vadd.s32 v1, v0  }
0xb8: {  	[tilespmem:$0x3CC0] =	vst v0  }
0xb9: {  	v0 =	vld [tilespmem:s28+$0xFFFFFFE0];
	_ =	sdelay $0x1  }
0xba: {  	v1 =	vld [tilespmem:s30+$0xFFFFFFE0];
	_ =	sdelay $0x2  }
0xbb: {  	v0 =	vmul.u32 $0x2710, v0;
	_ =	sdelay $0x1  }
0xbc: {  	v0 =	vadd.s32 v1, v0  }
0xbd: {  	[tilespmem:$0x3CD0] =	vst v0  }
0xbe: {  	v0 =	vld [tilespmem:s28+$0xFFFFFFF0]  }
0xbf: {  	v1 =	vld [tilespmem:s30+$0xFFFFFFF0];
	_ =	sdelay $0x3  }
0xc0: {  	v0 =	vmul.u32 $0x2710, v0;
	_ =	sdelay $0x1  }
0xc1: {  	v0 =	vadd.s32 v1, v0  }
0xc2: {  	[tilespmem:$0x3CE0] =	vst v0  }
0xc3: {  	v0 =	vld [tilespmem:s28+$0x0]  }
0xc4: {  	v1 =	vld [tilespmem:s30+$0x0];
	_ =	sdelay $0x3  }
0xc5: {  	v0 =	vmul.u32 $0x2710, v0;
	_ =	sdelay $0x1  }
0xc6: {  	v0 =	vadd.s32 v1, v0  }
0xc7: {  	[tilespmem:$0x3CF0] =	vst v0  }
0xc8: {  	[tilespmem:s22], [sflag:$0x2] =	stream.indirect.gather [hbm4b:s3+s18], $0x80, s21, s18, $0xb8;
	[tilespmem:$0x1FD00] =	vst v63  }
0xc9: {  	_ =	swait.ge [sflag:s23], $0x4000  }
0xca: {  	[sflag:s23] =	ssyncset.done $0x0  }
0xcb: {  	[sflag:s23] =	ssyncadd.s32 $0xFFFFC000  }
0xcc: {  	[spmem:s1] =	stream.indirect.scatter.add.f32 [tilespmem:s20], [sflag:$0x3], $0x80, s26, s18, $0xb8;
	[tilespmem:$0x1FD00] =	vst v63  }
0xcd: {  	_ =	swait.ge [sflag:s16], $0x4000  }
0xce: {  	s31 =	smin.u32 s31, $0x25;
	[sflag:s16] =	ssyncset.done $0x0  }
0xcf: {  	s31 =	sshll.u32 s31, $0x7;
	[sflag:s16] =	ssyncadd.s32 $0xFFFFC000  }
0xd0: {  	v0 =	vld [tilespmem:s31+$0x100];
	_ =	sdelay $0x1  }
0xd1: {  	v1 =	vld [tilespmem:s31+$0x1500];
	_ =	sdelay $0x2  }
0xd2: {  	v0 =	vmul.u32 $0x2710, v0;
	_ =	sdelay $0x1  }
0xd3: {  	v0 =	vadd.s32 v1, v0  }
0xd4: {  	[tilespmem:$0x3C00] =	vst v0  }
0xd5: {  	v0 =	vld [tilespmem:s31+$0x110];
	_ =	sdelay $0x1  }
0xd6: {  	v1 =	vld [tilespmem:s31+$0x1510];
	_ =	sdelay $0x2  }
0xd7: {  	v0 =	vmul.u32 $0x2710, v0;
	_ =	sdelay $0x1  }
0xd8: {  	v0 =	vadd.s32 v1, v0  }
0xd9: {  	[tilespmem:$0x3C10] =	vst v0  }
0xda: {  	v0 =	vld [tilespmem:s31+$0x120];
	_ =	sdelay $0x1  }
0xdb: {  	v1 =	vld [tilespmem:s31+$0x1520];
	_ =	sdelay $0x2  }
0xdc: {  	v0 =	vmul.u32 $0x2710, v0;
	_ =	sdelay $0x1  }
0xdd: {  	v0 =	vadd.s32 v1, v0  }
0xde: {  	[tilespmem:$0x3C20] =	vst v0  }
0xdf: {  	v0 =	vld [tilespmem:s31+$0x130];
	_ =	sdelay $0x1  }
0xe0: {  	v1 =	vld [tilespmem:s31+$0x1530];
	_ =	sdelay $0x2  }
0xe1: {  	v0 =	vmul.u32 $0x2710, v0;
	_ =	sdelay $0x1  }
0xe2: {  	v0 =	vadd.s32 v1, v0  }
0xe3: {  	[tilespmem:$0x3C30] =	vst v0  }
0xe4: {  	v0 =	vld [tilespmem:s31+$0x140];
	_ =	sdelay $0x1  }
0xe5: {  	v1 =	vld [tilespmem:s31+$0x1540];
	_ =	sdelay $0x2  }
0xe6: {  	v0 =	vmul.u32 $0x2710, v0;
	_ =	sdelay $0x1  }
0xe7: {  	v0 =	vadd.s32 v1, v0  }
0xe8: {  	[tilespmem:$0x3C40] =	vst v0  }
0xe9: {  	v0 =	vld [tilespmem:s31+$0x150]  }
0xea: {  	v1 =	vld [tilespmem:s31+$0x1550];
	_ =	sdelay $0x3  }
0xeb: {  	v0 =	vmul.u32 $0x2710, v0;
	_ =	sdelay $0x1  }
0xec: {  	v0 =	vadd.s32 v1, v0  }
0xed: {  	[tilespmem:$0x3C50] =	vst v0  }
0xee: {  	v0 =	vld [tilespmem:s31+$0x160]  }
0xef: {  	v1 =	vld [tilespmem:s31+$0x1560];
	_ =	sdelay $0x3  }
0xf0: {  	v0 =	vmul.u32 $0x2710, v0;
	_ =	sdelay $0x1  }
0xf1: {  	v0 =	vadd.s32 v1, v0  }
0xf2: {  	[tilespmem:$0x3C60] =	vst v0  }
0xf3: {  	v0 =	vld [tilespmem:s31+$0x170]  }
0xf4: {  	v1 =	vld [tilespmem:s31+$0x1570];
	_ =	sdelay $0x3  }
0xf5: {  	v0 =	vmul.u32 $0x2710, v0;
	_ =	sdelay $0x1  }
0xf6: {  	v0 =	vadd.s32 v1, v0  }
0xf7: {  	[tilespmem:$0x3C70] =	vst v0  }
0xf8: {  	[tilespmem:s20], [sflag:$0x1] =	stream.indirect.gather [hbm4b:s3+s18], $0x80, s19, s18, $0xb8;
	[tilespmem:$0x1FD00] =	vst v63  }
0xf9: {  	_ =	swait.ge [sflag:s24], $0x4000  }
.Ltmp0:
0xfa: {  	[sflag:s24] =	ssyncset.done $0x0;
	(pc) =	sbr.rel @p2 .LBB2_3-.Ltmp0, $4  }
0xfb: {  	s31 =	sadd.s32 $0x80, s26;
	[sflag:s24] =	ssyncadd.s32 $0xFFFFC000  }
0xfc: {  	[spmem:s1] =	stream.indirect.scatter.add.f32 [tilespmem:s22], [sflag:$0x3], $0x80, s31, s18, $0xb8;
	[tilespmem:$0x1FD00] =	vst v63  }
0xfd: {  	_ =	swait.ge [sflag:s16], $0x4000  }
0xfe: {  	s30 =	sadd.s32 $0x100, s30;
	[sflag:s16] =	ssyncset.done $0x0  }
.Ltmp1:
0xff: {  	(pc) =	sbr.rel @p1 .LBB2_2-.Ltmp1, $4  }
0x100: {  	[sflag:s16] =	ssyncadd.s32 $0xFFFFC000  }
0x101: {  	_ =	swait.ge [sflag:s23], $0x4000  }
0x102: {  	[sflag:s23] =	ssyncset.done $0x0  }
0x103: {  	s26 =	simm.s32 $0x28;
	p2 =	por $0x0, $0x0;
	[sflag:s23] =	ssyncadd.s32 $0xFFFFC000  }
0x104: {  	[bflag:$0x0] =	sbarrier.arrive $0xFFFF;
	s26 =	simm.s32 @p0 $0x3  }
0x105: {  	[hbm:s13], [sflag:s10] =	dma.local @p0 [spmem:s25], $0x1900  }
0x106: {  	_ =	swait.ge @p0 [sflag:s26], $0x1900  }
0x107: {  	s2 =	sadd.s32 $0x1, s2;
	[sflag:s26] =	ssyncset.done @p0 $0x0  }
0x108: {  	p1 =	sne.s32 s2, s14;
	[sflag:s26] =	ssyncadd.s32 @p0 $0xFFFFE700;
	s26 =	sshrl.u32 @!p0 s9, $0x3  }
0x109: {  	[hbm:s12], [sflag:s10] =	dma.local @!p0 [spmem:s26], $0x2800  }
.Ltmp2:
0x10a: {  	_ = 	snop;
	(pc) =	sbr.rel @p1 .LBB2_1-.Ltmp2, $4  }
0x10b: {  	s26 =	simm.s32 @!p0 $0x3  }
0x10c: {  	_ =	swait.ge @!p0 [sflag:s26], $0x2800  }
0x10d: {  	[sflag:s26] =	ssyncset.done @!p0 $0x0  }
0x10e: {  	[sflag:s26] =	ssyncadd.s32 @!p0 $0xFFFFD800  }
0x10f: {  	_ =	sfence.sel $0x180000  }
0x110: {  	[bflag:$0x0] =	sbarrier.arrive $0xFFFF  }
0x111: {  	p0 =	sne.s32 s4, $0x0;
	_ =	strace $0x9000004A  }
0x112: {  	s0 =	sadd.s32 @!p0 $0x100000, s0;
	[bflag:$0x2] =	sbarrier.arrive $0xFFFF  }
0x113: {  	[sflag:s0] =	ssyncadd.tile.s32 @!p0 $0x1;
	_ =	shalt  }
.Lfunc_end2:
_tile_overlayer_lowered:
.L_overlay_start_2:
0x114: {  	(tag) =	ssettag $0x2  }
0x115: {  	s0 =	rddreg [dreg:$0x0];
	s2 =	stileid.u32  }
0x116: {  	s1 =	rddreg [dreg:$0x1];
	p0 =	sne.s32 s2, $0x0  }
0x117: {  	s3 =	rddreg [dreg:$0x2];
	[bflag:$0x3] =	sbarrier.arrive $0xFFFF;
	s2 =	simm.s32 @!p0 $0x1C03  }
0x118: {  	[timem:s3], [sflag:s2] =	dma.local @!p0 [hbm:s0], s1  }
0x119: {  	s0 =	simm.s32 @!p0 $0x3  }
0x11a: {  	_ =	swait.ge @!p0 [sflag:s0], s1  }
0x11b: {  	s1 =	ssub.s32 @!p0 $0x0, s1;
	[sflag:s0] =	ssyncset.done @!p0 $0x0  }
0x11c: {  	[sflag:s0] =	ssyncadd.s32 @!p0 s1  }
0x11d: {  	[bflag:$0x3] =	sbarrier.arrive $0xFFFF  }
0x11e: {  	_ =	shalt  }

// kernel: kernel.18.cloned.1.call-start
scs
__scs_entry_jumppad:
0x0: {  	(pc) =	sbr.rel $0x88, $3  }
0x1: {  	(tag) =	ssettag $0x0;
	lr =	simm.s32 $0x1  }
0x2: {  	[smem:$0x3F8C] =	sst lr;
	_ =	strace $0xD0000000  }
0x3: {  	_ = 	snop  }
0x4: {  	_ = 	snop  }
0x5: {  	_ = 	snop  }
0x6: {  	_ = 	snop  }
0x7: {  	_ = 	snop  }
__scs_overlays_trampoline_lowered:
0x8: {  	[smem:$0x3F9B] =	sst s0  }
0x9: {  	[smem:$0x3F9C] =	sst s1  }
0xa: {  	[smem:$0x3F9D] =	sst s2  }
0xb: {  	[smem:$0x3F9E] =	sst s3  }
0xc: {  	[smem:$0x3F9F] =	sst s4  }
0xd: {  	[smem:$0x3FA0] =	sst s5  }
0xe: {  	[smem:$0x3FA1] =	sst s6  }
0xf: {  	[smem:$0x3FA2] =	sst s7  }
0x10: {  	[smem:$0x3FA3] =	sst s8  }
0x11: {  	[smem:$0x3FA4] =	sst s9;
	s0 =	simm.s32 @!p0 $0x0  }
0x12: {  	s1 =	sld [smem:$0x3F8A];
	s0 =	simm.s32 @p0 $0x1  }
0x13: {  	[smem:$0x3FA5] =	sst s0;
	s0 =	simm.s32 @!p1 $0x0  }
0x14: {  	s2 =	sld [smem:$0x3F89];
	s0 =	simm.s32 @p1 $0x1  }
0x15: {  	[smem:$0x3FA6] =	sst s0;
	s0 =	simm.s32 @!p2 $0x0  }
0x16: {  	s3 =	sld [smem:$0x3FDB];
	s0 =	simm.s32 @p2 $0x1  }
0x17: {  	s4 =	simm.s32 $0x1BF5;
	[smem:$0x3FA8] =	sst s0  }
0x18: {  	s0 =	sld [smem:$0x3F8B];
	_ =	swait.ge [sflag:s4], $0x0  }
0x19: {  	s7 =	sld [smem:$0x3F8C]  }
0x1a: {  	s8 =	sadd.s32 $0xFFFFE003, lr  }
0x1b: {  	s9 =	sadd.s32 $0xFFFFFEF7, lr;
	s5 =	simm.s32 $0xFFFFFFFF;
	p2 =	slt.u32 s8, $0xFFFFF086  }
0x1c: {  	p1 =	slt.u32 s9, $0xF7A;
	s5 =	simm.s32 @!p2 $0x0  }
0x1d: {  	s5 =	simm.s32 @p1 $0x1;
	p0 =	seq.s32 s7, s2  }
0x1e: {  	s7 =	smul.u32 @!p0 $0xF7A, s2;
	p2 =	seq.s32 @!p0 s5, $0x0  }
0x1f: {  	s9 =	smul.u32 $0xF7A, s1;
	s8 =	simm.s32 @!p0 $0x1BF5;
	p2 =	por !p2, p0  }
0x20: {  	[sflag:s8] =	ssyncset.s32 @!p0 $0xFFFFF086;
	s6 =	sadd.s32 @!p0 s3, s7;
	s7 =	simm.s32 @!p0 $0x108  }
0x21: {  	s3 =	sadd.s32 s3, s9;
	s6 =	sadd.s32 @!p0 $0x88, s6;
	s7 =	simm.s32 @p2 $0x1082  }
0x22: {  	[simem:s7], [sflag:s8] =	dma.local @!p0 [hbm:s6], $0xF7A  }
0x23: {  	s9 =	sor.u32 $0xD0000000, s2;
	s6 =	simm.s32 $0x108;
	_ =	swait.ge @!p0 [sflag:s8], $0x0  }
0x24: {  	s3 =	sadd.s32 $0x88, s3;
	s6 =	simm.s32 @!p1 $0x1082;
	[sflag:s4] =	ssyncset.s32 $0xFFFFF086  }
0x25: {  	[simem:s6], [sflag:s4] =	dma.local [hbm:s3], $0xF7A  }
0x26: {  	[smem:$0x3F8C] =	sst s1;
	(tag) =	ssettag s2;
	_ =	strace s9  }
0x27: {  	s1 =	sld [smem:$0x3F9C]  }
0x28: {  	s2 =	sld [smem:$0x3F9D]  }
0x29: {  	s4 =	sld [smem:$0x3F9F]  }
0x2a: {  	p0 =	seq.s32 s5, $0x0;
	s5 =	sld [smem:$0x3FA0]  }
0x2b: {  	s6 =	sld [smem:$0x3FA1]  }
0x2c: {  	s7 =	sld [smem:$0x3FA2]  }
0x2d: {  	s3 =	simm.s32 $0x108;
	s8 =	sld [smem:$0x3FA3]  }
0x2e: {  	s3 =	simm.s32 @!p0 $0x1082;
	s9 =	sld [smem:$0x3FA4]  }
0x2f: {  	lr =	sadd.s32 s0, s3;
	s0 =	sld [smem:$0x3F9B]  }
0x30: {  	s3 =	sld [smem:$0x3F9E]  }
0x31: {  	[smem:$0x3FA7] =	sst s10  }
0x32: {  	s10 =	sld [smem:$0x3FA5];
	_ =	sdelay $0x3  }
0x33: {  	p0 =	seq.s32 s10, $0x1;
	s10 =	sld [smem:$0x3FA7];
	_ =	sdelay $0x3  }
0x34: {  	[smem:$0x3FA7] =	sst s10  }
0x35: {  	s10 =	sld [smem:$0x3FA6];
	_ =	sdelay $0x3  }
0x36: {  	p1 =	seq.s32 s10, $0x1;
	s10 =	sld [smem:$0x3FA7];
	_ =	sdelay $0x3  }
0x37: {  	[smem:$0x3FA7] =	sst s10  }
0x38: {  	s10 =	sld [smem:$0x3FA8]  }
0x39: {  	_ = 	snop;
	(pc) =	sbr.ind lr, $3  }
0x3a: {  	_ = 	snop  }
0x3b: {  	_ = 	snop  }
0x3c: {  	p2 =	seq.s32 s10, $0x1;
	s10 =	sld [smem:$0x3FA7]  }
0x3d: {  	_ =	shalt  }
0x3e: {  	_ =	shalt  }
0x3f: {  	_ =	shalt  }
0x40: {  	_ =	shalt  }
0x41: {  	_ =	shalt  }
0x42: {  	_ =	shalt  }
0x43: {  	_ =	shalt  }
0x44: {  	_ =	shalt  }
0x45: {  	_ =	shalt  }
0x46: {  	_ =	shalt  }
0x47: {  	_ =	shalt  }
0x48: {  	_ =	shalt  }
0x49: {  	_ =	shalt  }
0x4a: {  	_ =	shalt  }
0x4b: {  	_ =	shalt  }
0x4c: {  	_ =	shalt  }
0x4d: {  	_ =	shalt  }
0x4e: {  	_ =	shalt  }
0x4f: {  	_ =	shalt  }
0x50: {  	_ =	shalt  }
0x51: {  	_ =	shalt  }
0x52: {  	_ =	shalt  }
0x53: {  	_ =	shalt  }
0x54: {  	_ =	shalt  }
0x55: {  	_ =	shalt  }
0x56: {  	_ =	shalt  }
0x57: {  	_ =	shalt  }
0x58: {  	_ =	shalt  }
0x59: {  	_ =	shalt  }
0x5a: {  	_ =	shalt  }
0x5b: {  	_ =	shalt  }
0x5c: {  	_ =	shalt  }
0x5d: {  	_ =	shalt  }
0x5e: {  	_ =	shalt  }
0x5f: {  	_ =	shalt  }
0x60: {  	_ =	shalt  }
0x61: {  	_ =	shalt  }
0x62: {  	_ =	shalt  }
0x63: {  	_ =	shalt  }
0x64: {  	_ =	shalt  }
0x65: {  	_ =	shalt  }
0x66: {  	_ =	shalt  }
0x67: {  	_ =	shalt  }
0x68: {  	_ =	shalt  }
0x69: {  	_ =	shalt  }
0x6a: {  	_ =	shalt  }
0x6b: {  	_ =	shalt  }
0x6c: {  	_ =	shalt  }
0x6d: {  	_ =	shalt  }
0x6e: {  	_ =	shalt  }
0x6f: {  	_ =	shalt  }
0x70: {  	_ =	shalt  }
0x71: {  	_ =	shalt  }
0x72: {  	_ =	shalt  }
0x73: {  	_ =	shalt  }
0x74: {  	_ =	shalt  }
0x75: {  	_ =	shalt  }
0x76: {  	_ =	shalt  }
0x77: {  	_ =	shalt  }
0x78: {  	_ =	shalt  }
0x79: {  	_ =	shalt  }
0x7a: {  	_ =	shalt  }
0x7b: {  	_ =	shalt  }
0x7c: {  	_ =	shalt  }
0x7d: {  	_ =	shalt  }
0x7e: {  	_ =	shalt  }
0x7f: {  	_ =	shalt  }
0x80: {  	_ =	shalt  }
0x81: {  	_ =	shalt  }
0x82: {  	_ =	shalt  }
0x83: {  	_ =	shalt  }
0x84: {  	_ =	shalt  }
0x85: {  	_ =	shalt  }
0x86: {  	_ =	shalt  }
0x87: {  	_ =	shalt  }
.Lfunc_end0:
.L_simem_size_0:
called_computation.2_lowered:
.L_overlay_start_0:
0x88: {  	s2 =	sld [smem:$0x3FD9]  }
0x89: {  	s3 =	sld [smem:$0x3FFE];
	_ =	sdelay $0x1  }
0x8a: {  	s1 =	srdreg.scid  }
0x8b: {  	s0 =	sand.u32 $0x1, s1  }
0x8c: {  	s17 =	sshll.u32 s0, $0xA;
	s2 =	sadd.s32 s3, s2  }
0x8d: {  	s2 =	sadd.s32 s2, s17  }
0x8e: {  	[smem:$0x3FB3] =	sst s2  }
0x8f: {  	_ = 	snop  }
0x90: {  	s2 =	sld [smem:$0x3FC7]  }
0x91: {  	s18 =	sld [smem:$0x3FC6]  }
0x92: {  	s4 =	sld [smem:$0x3FC5]  }
0x93: {  	s5 =	sld [smem:$0x3FC3];
	(tm) =	ssettm $0x1  }
0x94: {  	s6 =	sld [smem:$0x3FFB];
	_ =	sdelay $0x3  }
0x95: {  	_ =	strace s6  }
0x96: {  	s6 =	sld [smem:$0x3FFC];
	_ =	sdelay $0x3  }
0x97: {  	_ =	strace s6  }
0x98: {  	s6 =	sld [smem:$0x3FFD];
	_ =	sdelay $0x3  }
0x99: {  	_ =	strace s6  }
0x9a: {  	_ =	strace $0x8FFFFFFF  }
0x9b: {  	s19 =	sld [smem:$0x3FDB];
	_ =	sdelay $0x1  }
0x9c: {  	s7 =	simm.s32 $_scs_section_size  }
0x9d: {  	s8 =	simm.s32 $_size__tile_overlayer_lowered;
	s9 =	simm.s32 $_tile_overlayer_lowered  }
0x9e: {  	s22 =	simm.s32 $0x1BFF;
	s21 =	sshll.u32 s9, $0x1;
	s6 =	sadd.s32 s7, s19  }
0x9f: {  	s10 =	simm.s32 $0x0;
	s20 =	sshll.u32 s8, $0x1;
	s8 =	sadd.s32 s21, s6  }
0xa0: {  	[timem:s10], [sflag:s22] =	dma.local [hbm:s8], s20  }
0xa1: {  	_ =	swait.ge [sflag:s22], s20  }
0xa2: {  	s7 =	ssub.s32 $0x0, s20;
	[sflag:s22] =	ssyncset.done $0x0  }
0xa3: {  	[sflag:s22] =	ssyncadd.s32 s7;
	_ =	sdelay $0x1  }
0xa4: {  	s23 =	simm.s32 $0x1B8B  }
0xa5: {  	_ =	swait.ge [sflag:s23], $0x1  }
0xa6: {  	[sflag:s23] =	ssyncset.done $0x0  }
0xa7: {  	s25 =	simm.s32 $0x1B8E;
	s24 =	sld [smem:$0x3FFE];
	[sflag:s23] =	ssyncadd.s32 $0xFFFFFFFF  }
0xa8: {  	s26 =	simm.s32 $execute0_lowered;
	[smem:$0x3FD2] =	sst s25  }
0xa9: {  	s8 =	sshll.u32 s26, $0x1;
	_ =	strace $0x8000004C;
	[dreg:$0x1] =	wrdreg $0xFFFFFFFF  }
0xaa: {  	s28 =	simm.s32 $_size_execute0_lowered;
	s6 =	sadd.s32 s6, s8;
	[dreg:$0x0] =	wrdreg $0x0  }
0xab: {  	s8 =	sshll.u32 s28, $0x1;
	[dreg:$0x2] =	wrdreg s6  }
0xac: {  	[dreg:$0x3] =	wrdreg s8  }
0xad: {  	[dreg:$0x4] =	wrdreg $0xC0  }
0xae: {  	_ =	task [dreg:s10], $0x5FFFF  }
0xaf: {  	[dreg:$0x1] =	wrdreg $0xFFFFFFFF  }
0xb0: {  	[dreg:$0x0] =	wrdreg $0x60  }
0xb1: {  	[dreg:$0x2] =	wrdreg s24  }
0xb2: {  	[dreg:$0x3] =	wrdreg s5  }
0xb3: {  	[dreg:$0x4] =	wrdreg s2  }
0xb4: {  	[dreg:$0x5] =	wrdreg s18  }
0xb5: {  	[dreg:$0x6] =	wrdreg s4  }
0xb6: {  	[dreg:$0x7] =	wrdreg $0x9  }
0xb7: {  	_ =	task.clear_ibuf [dreg:s10], $0x8FFFF;
	_ =	strace $0x9000004C  }
0xb8: {  	s29 =	simm.s32 $0x9;
	_ =	strace $0x8000004E  }
0xb9: {  	_ =	swait.ge [sflag:s29], $0x1  }
0xba: {  	[sflag:s29] =	ssyncadd.s32 $0xFFFFFFFF  }
0xbb: {  	_ =	strace $0x9000004E  }
0xbc: {  	_ =	sfence  }
0xbd: {  	s30 =	sld [smem:$0x0];
	_ =	sdelay $0x2  }
0xbe: {  	s31 =	sshll.u32 s1, $0xD;
	s1 =	sshrl.u32 s1, $0x2  }
0xbf: {  	s3 =	sand.u32 $0x4000, s31;
	s1 =	sadd.s32 s1, s30  }
0xc0: {  	s0 =	sor.u32 s3, s0;
	s1 =	sshll.u32 s1, $0x11  }
0xc1: {  	s0 =	sor.u32 s1, s0  }
0xc2: {  	s0 =	sadd.s32 $0x8F2B, s0  }
0xc3: {  	[sflag:s0] =	ssyncadd.remote.s32 $0x1  }
0xc4: {  	_ =	sfence.sel $0xFFFF  }
0xc5: {  	[dreg:$0x0] =	wrdreg $0xFFFFFFFF;
	(pc) =	sbr.abs _section_cstart, $3  }
0xc6: {  	[dreg:$0x1] =	wrdreg $0xFFFFFFFF  }
0xc7: {  	_ =	task.clear_ibuf [dreg:s10], $0x2FFFF;
	_ =	strace $0x9FFFFFFF  }
0xc8: {  	(tm) =	ssettm $0x7FFFFFFF  }
0xc9: {  	_ =	shalt  }
tec
execute0_lowered:
.L_overlay_start_1:
0x0: {  	(tag) =	ssettag $0x1  }
0x1: {  	s15 =	rddreg [dreg:$0x0]  }
0x2: {  	s1 =	rddreg [dreg:$0x1];
	s0 =	srdreg.scid  }
0x3: {  	s4 =	rddreg [dreg:$0x2];
	s16 =	sand.u32 $0x1, s0  }
0x4: {  	s6 =	rddreg [dreg:$0x3];
	s0 =	stileid.u32;
	s2 =	sshll.u32 s16, $0x4  }
0x5: {  	s8 =	rddreg [dreg:$0x4];
	s17 =	sor.u32 s0, s2  }
0x6: {  	s3 =	simm.s32 $0x0;
	s7 =	sshll.u32 s0, $0x4;
	s5 =	sshll.u32 s17, $0x4  }
0x7: {  	[smem:$0x7FF] =	sst s3;
	s7 =	sand.u32 $0x70, s7;
	s5 =	sand.u32 $0x180, s5  }
0x8: {  	s2 =	rddreg [dreg:$0x5];
	s9 =	sor.u32 s7, s5  }
0x9: {  	_ =	strace $0x8000004D;
	s5 =	sadd.s32 s4, s9;
	s4 =	simm.s32 $0x2  }
0xa: {  	[tilespmem:s3], [sflag:$0x2] =	stream.linear.gather [hbm4b:s5+s3], $0x80, $0x38;
	[tilespmem:$0xC180] =	vst v63  }
0xb: {  	_ =	swait.ge [sflag:s4], $0x80  }
0xc: {  	[sflag:s4] =	ssyncset.done $0x0  }
0xd: {  	s7 =	simm.s32 $0x80;
	s6 =	sadd.s32 s6, s9;
	[sflag:s4] =	ssyncadd.s32 $0xFFFFFF80  }
0xe: {  	[tilespmem:s7], [sflag:$0x2] =	stream.linear.gather [hbm4b:s6+s3], $0x80, $0x38;
	[tilespmem:$0xC180] =	vst v63  }
0xf: {  	_ =	swait.ge [sflag:s4], $0x80  }
0x10: {  	[sflag:s4] =	ssyncset.done $0x0  }
0x11: {  	s8 =	sadd.s32 s8, s9;
	s9 =	simm.s32 $0x100;
	[sflag:s4] =	ssyncadd.s32 $0xFFFFFF80  }
0x12: {  	[tilespmem:s9], [sflag:$0x2] =	stream.linear.gather [hbm4b:s8+s3], $0x80, $0x38;
	[tilespmem:$0xC180] =	vst v63  }
0x13: {  	_ =	swait.ge [sflag:s4], $0x80  }
0x14: {  	s11 =	simm.s32 $0x180;
	[sflag:s4] =	ssyncset.done $0x0  }
0x15: {  	s12 =	simm.s32 $0x1;
	s10 =	sadd.s32 $0x3200, s15;
	[sflag:s4] =	ssyncadd.s32 $0xFFFFFF80  }
0x16: {  	[tilespmem:s11], [sflag:$0x1] =	stream.indirect.gather [hbm4b:s10+s7], $0x80, s3, s7, $0xb8;
	[tilespmem:$0xC180] =	vst v63  }
0x17: {  	_ =	swait.ge [sflag:s12], $0x4000  }
0x18: {  	[sflag:s12] =	ssyncset.done $0x0  }
0x19: {  	s13 =	simm.s32 $0x4180;
	[sflag:s12] =	ssyncadd.s32 $0xFFFFC000  }
0x1a: {  	[tilespmem:s13], [sflag:$0x1] =	stream.indirect.gather [hbm4b:s1+s7], $0x80, s7, s7, $0xb8;
	[tilespmem:$0xC180] =	vst v63  }
0x1b: {  	_ =	swait.ge [sflag:s12], $0x4000  }
0x1c: {  	[sflag:s12] =	ssyncset.done $0x0  }
0x1d: {  	s14 =	simm.s32 $0x8180;
	[sflag:s12] =	ssyncadd.s32 $0xFFFFC000  }
0x1e: {  	[tilespmem:s14], [sflag:$0x1] =	stream.indirect.gather [hbm4b:s10+s7], $0x80, s9, s7, $0xb8;
	[tilespmem:$0xC180] =	vst v63  }
0x1f: {  	s17 =	sshll.u32 s17, $0xB;
	_ =	swait.ge [sflag:s12], $0x4000  }
0x20: {  	s17 =	sadd.s32 s17, s15;
	[sflag:s12] =	ssyncset.done $0x0  }
0x21: {  	s18 =	ssub.s32 $0x2, s16;
	s15 =	sadd.s32 $0x2A400, s17;
	[sflag:s12] =	ssyncadd.s32 $0xFFFFC000  }
0x22: {  	[hbm4b:s15+s3] =	stream.linear.scatter [tilespmem:s11], [sflag:$0x2], $0x4000, $0x38;
	[tilespmem:$0xC180] =	vst v63  }
0x23: {  	s19 =	sshrl.u32 s18, $0x1;
	_ =	swait.ge [sflag:s4], $0x4000  }
0x24: {  	s18 =	ssub.s32 s18, s19;
	[sflag:s4] =	ssyncset.done $0x0  }
0x25: {  	s18 =	smax.u32 s18, $0x1;
	s16 =	sadd.s32 $0x3A400, s17;
	[sflag:s4] =	ssyncadd.s32 $0xFFFFC000  }
0x26: {  	[hbm4b:s16+s3] =	stream.linear.scatter [tilespmem:s13], [sflag:$0x2], $0x4000, $0x38;
	[tilespmem:$0xC180] =	vst v63  }
0x27: {  	p0 =	sne.s32 s18, $0x1;
	_ =	swait.ge [sflag:s4], $0x4000  }
.Ltmp0:
0x28: {  	[sflag:s4] =	ssyncset.done $0x0;
	(pc) =	sbr.rel @!p0 .LBB2_2-.Ltmp0, $4  }
0x29: {  	s17 =	sadd.s32 $0x4A400, s17;
	[sflag:s4] =	ssyncadd.s32 $0xFFFFC000  }
0x2a: {  	[hbm4b:s17+s3] =	stream.linear.scatter [tilespmem:s14], [sflag:$0x2], $0x4000, $0x38;
	[tilespmem:$0xC180] =	vst v63  }
0x2b: {  	_ =	swait.ge [sflag:s4], $0x4000  }
0x2c: {  	s18 =	sadd.s32 $0xFFFFFFFF, s18;
	[sflag:s4] =	ssyncset.done $0x0  }
.LBB2_1:
0x2d: {  	p0 =	sne.s32 s18, $0x1;
	s18 =	sadd.s32 $0xFFFFFFFF, s18;
	[sflag:s4] =	ssyncadd.s32 $0xFFFFC000  }
0x2e: {  	[tilespmem:s3], [sflag:$0x2] =	stream.linear.gather [hbm4b:s5+s3], $0x80, $0x38;
	[tilespmem:$0xC180] =	vst v63  }
0x2f: {  	_ =	swait.ge [sflag:s4], $0x80  }
0x30: {  	[sflag:s4] =	ssyncset.done $0x0  }
0x31: {  	[sflag:s4] =	ssyncadd.s32 $0xFFFFFF80  }
0x32: {  	[tilespmem:s7], [sflag:$0x2] =	stream.linear.gather [hbm4b:s6+s3], $0x80, $0x38;
	[tilespmem:$0xC180] =	vst v63  }
0x33: {  	_ =	swait.ge [sflag:s4], $0x80  }
0x34: {  	[sflag:s4] =	ssyncset.done $0x0  }
0x35: {  	[sflag:s4] =	ssyncadd.s32 $0xFFFFFF80  }
0x36: {  	[tilespmem:s9], [sflag:$0x2] =	stream.linear.gather [hbm4b:s8+s3], $0x80, $0x38;
	[tilespmem:$0xC180] =	vst v63  }
0x37: {  	_ =	swait.ge [sflag:s4], $0x80  }
0x38: {  	[sflag:s4] =	ssyncset.done $0x0  }
0x39: {  	[sflag:s4] =	ssyncadd.s32 $0xFFFFFF80  }
0x3a: {  	[tilespmem:s11], [sflag:$0x1] =	stream.indirect.gather [hbm4b:s10+s7], $0x80, s3, s7, $0xb8;
	[tilespmem:$0xC180] =	vst v63  }
0x3b: {  	_ =	swait.ge [sflag:s12], $0x4000  }
0x3c: {  	[sflag:s12] =	ssyncset.done $0x0  }
0x3d: {  	[sflag:s12] =	ssyncadd.s32 $0xFFFFC000  }
0x3e: {  	[tilespmem:s13], [sflag:$0x1] =	stream.indirect.gather [hbm4b:s1+s7], $0x80, s7, s7, $0xb8;
	[tilespmem:$0xC180] =	vst v63  }
0x3f: {  	_ =	swait.ge [sflag:s12], $0x4000  }
0x40: {  	[sflag:s12] =	ssyncset.done $0x0  }
0x41: {  	[sflag:s12] =	ssyncadd.s32 $0xFFFFC000  }
0x42: {  	[tilespmem:s14], [sflag:$0x1] =	stream.indirect.gather [hbm4b:s10+s7], $0x80, s9, s7, $0xb8;
	[tilespmem:$0xC180] =	vst v63  }
0x43: {  	_ =	swait.ge [sflag:s12], $0x4000  }
0x44: {  	[sflag:s12] =	ssyncset.done $0x0  }
0x45: {  	[sflag:s12] =	ssyncadd.s32 $0xFFFFC000  }
0x46: {  	[hbm4b:s15+s3] =	stream.linear.scatter [tilespmem:s11], [sflag:$0x2], $0x4000, $0x38;
	[tilespmem:$0xC180] =	vst v63  }
0x47: {  	_ =	swait.ge [sflag:s4], $0x4000  }
0x48: {  	[sflag:s4] =	ssyncset.done $0x0  }
0x49: {  	[sflag:s4] =	ssyncadd.s32 $0xFFFFC000  }
0x4a: {  	[hbm4b:s16+s3] =	stream.linear.scatter [tilespmem:s13], [sflag:$0x2], $0x4000, $0x38;
	[tilespmem:$0xC180] =	vst v63  }
0x4b: {  	_ =	swait.ge [sflag:s4], $0x4000  }
.Ltmp1:
0x4c: {  	[sflag:s4] =	ssyncset.done $0x0;
	(pc) =	sbr.rel @p0 .LBB2_1-.Ltmp1, $4  }
0x4d: {  	[sflag:s4] =	ssyncadd.s32 $0xFFFFC000  }
0x4e: {  	[hbm4b:s17+s3] =	stream.linear.scatter [tilespmem:s14], [sflag:$0x2], $0x4000, $0x38;
	[tilespmem:$0xC180] =	vst v63  }
0x4f: {  	_ =	swait.ge [sflag:s4], $0x4000  }
0x50: {  	[sflag:s4] =	ssyncset.done $0x0  }
.LBB2_2:
0x51: {  	[sflag:s4] =	ssyncadd.s32 $0xFFFFC000  }
0x52: {  	_ =	sfence.sel $0x180000  }
0x53: {  	[bflag:$0x0] =	sbarrier.arrive $0xFFFF  }
0x54: {  	p0 =	sne.s32 s0, $0x0;
	_ =	strace $0x9000004D  }
0x55: {  	s0 =	sadd.s32 @!p0 $0x100000, s2;
	[bflag:$0x2] =	sbarrier.arrive $0xFFFF  }
0x56: {  	[sflag:s0] =	ssyncadd.tile.s32 @!p0 $0x1;
	_ =	shalt  }
.Lfunc_end2:
_tile_overlayer_lowered:
.L_overlay_start_2:
0x57: {  	(tag) =	ssettag $0x2  }
0x58: {  	s0 =	rddreg [dreg:$0x0];
	s2 =	stileid.u32  }
0x59: {  	s1 =	rddreg [dreg:$0x1];
	p0 =	sne.s32 s2, $0x0  }
0x5a: {  	s3 =	rddreg [dreg:$0x2];
	[bflag:$0x3] =	sbarrier.arrive $0xFFFF;
	s2 =	simm.s32 @!p0 $0x1C02  }
0x5b: {  	[timem:s3], [sflag:s2] =	dma.local @!p0 [hbm:s0], s1  }
0x5c: {  	s0 =	simm.s32 @!p0 $0x2  }
0x5d: {  	_ =	swait.ge @!p0 [sflag:s0], s1  }
0x5e: {  	s1 =	ssub.s32 @!p0 $0x0, s1;
	[sflag:s0] =	ssyncset.done @!p0 $0x0  }
0x5f: {  	[sflag:s0] =	ssyncadd.s32 @!p0 s1  }
0x60: {  	[bflag:$0x3] =	sbarrier.arrive $0xFFFF  }
0x61: {  	_ =	shalt  }

</sc_bundles>
